<compile_context>
chip_gen: v7x
topology: tpu7x:2x2x1
jax: 0.10.2.dev20260603
libtpu: 0.0.44.dev20260713+nightly
codegen_flags: <defaults>
</compile_context>

<pallas_src>
import functools

import jax
import jax.numpy as jnp
from jax import lax
from jax.experimental import pallas as pl
from jax.experimental.pallas import tpu as pltpu
from jax.experimental.pallas import tpu_sc as plsc

B, S, H = 4, 2048, 2048
HR = 1024
E = 16
N = B * S


_TBLK = 512
_NBLK = N // _TBLK


def _router_body(flat_ref, w1_ref, b1_ref, w2_ref, b2_ref, idx_ref):
    x = flat_ref[...].astype(jnp.bfloat16)
    h = jnp.maximum(
        jnp.dot(x, w1_ref[...].astype(jnp.bfloat16),
                preferred_element_type=jnp.float32) + b1_ref[...], 0.0)
    s = jnp.dot(h.astype(jnp.bfloat16), w2_ref[...].astype(jnp.bfloat16),
                preferred_element_type=jnp.float32) + b2_ref[...]
    m = jnp.max(s, axis=-1, keepdims=True)
    iota = lax.broadcasted_iota(jnp.int32, s.shape, 1)
    idx = jnp.min(jnp.where(s == m, iota, E), axis=-1)
    idx_ref[...] = idx.reshape(1, 1, _TBLK)


def _router_idx(flat, w1, b1, w2, b2):
    n = flat.shape[0]
    nblk = n // _TBLK
    out = pl.pallas_call(
        _router_body,
        grid=(nblk,),
        in_specs=[
            pl.BlockSpec((_TBLK, H), lambda i: (i, 0)),
            pl.BlockSpec((H, HR), lambda i: (0, 0)),
            pl.BlockSpec((1, HR), lambda i: (0, 0)),
            pl.BlockSpec((HR, E), lambda i: (0, 0)),
            pl.BlockSpec((1, E), lambda i: (0, 0)),
        ],
        out_specs=pl.BlockSpec((1, 1, _TBLK), lambda i: (i, 0, 0)),
        out_shape=jax.ShapeDtypeStruct((nblk, 1, _TBLK), jnp.int32),
    )(flat, w1, b1.reshape(1, HR), w2, b2.reshape(1, E))
    return out.reshape(n)



_NW = 32
_TPW = N // _NW
_CH = 8
_NCH = _TPW // _CH
_UNROLL = 8


def _route_sc_body(tpw, nch, flat_hbm, idx_hbm, sb_hbm, out_hbm,
                   idx_v, sb_all, flat0, flat1, out0, out1,
                   sin0, sin1, sout0, sout1):
    flat_b = (flat0, flat1)
    out_b = (out0, out1)
    sin = (sin0, sin1)
    sout = (sout0, sout1)

    wid = lax.axis_index("s") * 2 + lax.axis_index("c")
    base = wid * tpw
    pltpu.sync_copy(idx_hbm.at[pl.ds(base, tpw)], idx_v)
    pltpu.sync_copy(sb_hbm, sb_all)
    iota = lax.iota(jnp.int32, 16)
    himask = jnp.full((16,), -65536, jnp.int32)

    def issue_in(c, b):
        pltpu.async_copy(flat_hbm.at[pl.ds(base + c * _CH, _CH)],
                         flat_b[b], sin[b])

    issue_in(0, 0)
    issue_in(1, 1)

    def pair(p, _):
        for b in range(2):
            c = p * 2 + b
            pltpu.make_async_copy(flat_hbm.at[pl.ds(base, _CH)],
                                  flat_b[b], sin[b]).wait()

            @pl.when(c >= 2)
            def _():
                pltpu.make_async_copy(out_b[b],
                                      out_hbm.at[pl.ds(base, _CH)],
                                      sout[b]).wait()

            for t in range(_CH):
                bcast = plsc.load_gather(
                    idx_v, [jnp.full((16,), c * _CH + t, jnp.int32)])
                rb = bcast * H + iota

                @plsc.parallel_loop(0, H // 16, unroll=_UNROLL)
                def _(j, t=t, rb=rb):
                    o = j * 16
                    w = plsc.load_gather(sb_all, [rb + o])
                    sc = plsc.bitcast(w & himask, jnp.float32)
                    bi = plsc.bitcast(lax.shift_left(w, 16), jnp.float32)
                    f = flat_b[b][t, pl.ds(o, 16)]
                    out_b[b][t, pl.ds(o, 16)] = f * sc + bi

            tb = base + c * _CH
            pltpu.async_copy(out_b[b], out_hbm.at[pl.ds(tb, _CH)], sout[b])

            @pl.when(c + 2 < nch)
            def _():
                issue_in(c + 2, b)
        return 0

    lax.fori_loop(0, nch // 2, pair, 0)
    for b in range(2):
        pltpu.make_async_copy(out_b[b], out_hbm.at[pl.ds(base, _CH)],
                              sout[b]).wait()


def _route_sc(flat, idx, sb_packed):
    n = flat.shape[0]
    tpw = n // _NW
    nch = tpw // _CH
    mesh = plsc.VectorSubcoreMesh(core_axis_name="c", subcore_axis_name="s")
    f = pl.kernel(
        functools.partial(_route_sc_body, tpw, nch),
        mesh=mesh,
        compiler_params=pltpu.CompilerParams(needs_layout_passes=False),
        out_type=jax.ShapeDtypeStruct((n, H), jnp.float32),
        scratch_types=[
            pltpu.VMEM((tpw,), jnp.int32),
            pltpu.VMEM((E * H,), jnp.int32),
            pltpu.VMEM((_CH, H), jnp.float32),
            pltpu.VMEM((_CH, H), jnp.float32),
            pltpu.VMEM((_CH, H), jnp.float32),
            pltpu.VMEM((_CH, H), jnp.float32),
            pltpu.SemaphoreType.DMA,
            pltpu.SemaphoreType.DMA,
            pltpu.SemaphoreType.DMA,
            pltpu.SemaphoreType.DMA,
        ],
    )
    return f(flat, idx, sb_packed)


def _pack_sb(scales, biases):
    s16 = lax.bitcast_convert_type(scales.astype(jnp.bfloat16), jnp.uint16)
    b16 = lax.bitcast_convert_type(biases.astype(jnp.bfloat16), jnp.uint16)
    w = (s16.astype(jnp.uint32) << 16) | b16.astype(jnp.uint32)
    return lax.bitcast_convert_type(w, jnp.int32).reshape(E * H)


def kernel(hidden_states, W1, b1, W2, b2, Wg1, bg1, Wg2, bg2,
           expert_scales, expert_biases):
    flat = hidden_states.reshape(N, H)
    idx = _router_idx(flat, W1, b1, W2, b2)
    routed = _route_sc(flat, idx, _pack_sb(expert_scales, expert_biases))
    return routed.reshape(B, S, H)

# --- scband reference (transcript-rebuilt; emitter-appended) ---
"""Pipeline reference for scband-token-level-router-50964081934534 (READ-ONLY COPY).

The authoritative reference and input builder live on the scoring server;
editing this copy changes nothing except your own understanding.
"""

import jax, jax.numpy as jnp
import numpy as np

B, S, H = 4, 2048, 2048
HR = H // 2  # router_hidden_size default hidden_size // 2 = 1024
E = 16
TEMPERATURE = 1.0


def setup_inputs(seed: int = 0) -> dict:
    key = jax.random.key(seed)
    ks = jax.random.split(key, 12)
    hidden_states = jax.random.normal(ks[0], (B, S, H), dtype=jnp.float32)
    # router_network: Linear(H, HR) -> ReLU -> Dropout(0.0) -> Linear(HR, E)
    W1 = jax.random.normal(ks[1], (H, HR), dtype=jnp.float32) * 0.02
    b1 = jnp.zeros((HR,), dtype=jnp.float32)
    W2 = jax.random.normal(ks[2], (HR, E), dtype=jnp.float32) * 0.02
    b2 = jnp.zeros((E,), dtype=jnp.float32)
    # gate_network: Linear(H, HR) -> Tanh -> Linear(HR, 1) -> Sigmoid
    Wg1 = jax.random.normal(ks[3], (H, HR), dtype=jnp.float32) * 0.02
    bg1 = jnp.zeros((HR,), dtype=jnp.float32)
    Wg2 = jax.random.normal(ks[4], (HR, 1), dtype=jnp.float32) * 0.02
    bg2 = jnp.zeros((1,), dtype=jnp.float32)
    # In the torch module expert_scales / expert_biases are drawn with torch.randn at
    # forward time; here we materialize them once with a fixed key for determinism.
    expert_scales = jax.random.normal(ks[5], (E, H), dtype=jnp.float32)
    expert_biases = jax.random.normal(ks[6], (E, H), dtype=jnp.float32)
    return {
        'hidden_states': hidden_states,
        'W1': W1, 'b1': b1, 'W2': W2, 'b2': b2,
        'Wg1': Wg1, 'bg1': bg1, 'Wg2': Wg2, 'bg2': bg2,
        'expert_scales': expert_scales, 'expert_biases': expert_biases,
    }


def reference(hidden_states, W1, b1, W2, b2, Wg1, bg1, Wg2, bg2, expert_scales, expert_biases):
    bsz, seq, hid = hidden_states.shape
    flat = hidden_states.reshape(-1, hid)  # [N, H]
    # router network (dropout = 0.0 -> identity)
    h = jax.nn.relu(flat @ W1 + b1)
    routing_scores = (h @ W2 + b2) / TEMPERATURE  # [N, E]
    # gating
    g = jnp.tanh(flat @ Wg1 + bg1)
    gate = jax.nn.sigmoid(g @ Wg2 + bg2)  # [N, 1]
    routing_scores = routing_scores * gate
    expert_probs = jax.nn.softmax(routing_scores, axis=-1)
    top_scores, top_idx = jax.lax.top_k(expert_probs, 1)  # [N,1]
    # _apply_expert_routing: one-hot dispatch to per-expert affine transform
    expert_weights = jax.nn.one_hot(top_idx[:, 0], E, dtype=jnp.float32)  # [N, E]
    weighted_scales = expert_weights @ expert_scales  # [N, H]
    weighted_biases = expert_weights @ expert_biases  # [N, H]
    routed = flat * weighted_scales + weighted_biases
    return routed.reshape(bsz, seq, hid)

if __name__ == "__main__":
    import jax
    _d = setup_inputs()
    print(jax.jit(kernel)(*tuple(_d.values())))

</pallas_src>

<mosaic_0001>
#map = affine_map<(d0, d1) -> (0, 0)>
#map1 = affine_map<(d0, d1) -> (0)>
module attributes {stable_mosaic.version = 14 : i64} {
  func.func @_route_sc_body(%arg0: i32, %arg1: i32, %arg2: memref<8192x2048xf32, #tpu.memory_space<hbm>>, %arg3: memref<8192xi32, #tpu.memory_space<hbm>>, %arg4: memref<32768xi32, #tpu.memory_space<hbm>>, %arg5: memref<8192x2048xf32, #tpu.memory_space<hbm>>, %arg6: memref<256xi32, #tpu.memory_space<vmem>>, %arg7: memref<32768xi32, #tpu.memory_space<vmem>>, %arg8: memref<8x2048xf32, #tpu.memory_space<vmem>>, %arg9: memref<8x2048xf32, #tpu.memory_space<vmem>>, %arg10: memref<8x2048xf32, #tpu.memory_space<vmem>>, %arg11: memref<8x2048xf32, #tpu.memory_space<vmem>>, %arg12: memref<!tpu.dma_semaphore, #tpu.memory_space<semaphore_mem>>, %arg13: memref<!tpu.dma_semaphore, #tpu.memory_space<semaphore_mem>>, %arg14: memref<!tpu.dma_semaphore, #tpu.memory_space<semaphore_mem>>, %arg15: memref<!tpu.dma_semaphore, #tpu.memory_space<semaphore_mem>>) attributes {dimension_semantics = [#tpu.dimension_semantics<core_parallel>, #tpu.dimension_semantics<subcore_parallel>], iteration_bounds = array<i64: 2, 16>, scalar_prefetch = 0 : i64, scratch_operands = 10 : i64, tpu.core_type = #tpu.core_type<sc_vector_subcore>, window_params = [{transform_indices = #map}, {transform_indices = #map1}, {transform_indices = #map1}, {transform_indices = #map}]} {
    %mul3A = arith.constant 2 : i32
    %mul3A_0 = arith.muli %arg1, %mul3A : i32
    %add3A = arith.addi %mul3A_0, %arg0 : i32
    %mul3A_1 = arith.constant 256 : i32
    %mul3A_2 = arith.muli %add3A, %mul3A_1 : i32
    "tpu.region"() ({
      %run_scoped3A = tpu.sem_alloc : memref<!tpu.dma_semaphore, #tpu.memory_space<semaphore_mem>>
      %dma_start3A_28 = tpu.memref_slice %arg3[%mul3A_2] : memref<8192xi32, #tpu.memory_space<hbm>> -> memref<256xi32, #tpu.memory_space<hbm>>
      %dma_start3A_29 = tpu.memref_slice %arg3[%mul3A_2] : memref<8192xi32, #tpu.memory_space<hbm>> -> memref<256xi32, #tpu.memory_space<hbm>>
      tpu.enqueue_dma source(%dma_start3A_29 : memref<256xi32, #tpu.memory_space<hbm>>) target(%arg6 : memref<256xi32, #tpu.memory_space<vmem>>) target_semaphore(%run_scoped3A : memref<!tpu.dma_semaphore, #tpu.memory_space<semaphore_mem>>)
      %dma_wait3A_30 = tpu.memref_slice %arg3[%mul3A_2] : memref<8192xi32, #tpu.memory_space<hbm>> -> memref<256xi32, #tpu.memory_space<hbm>>
      %dma_wait3A_31 = tpu.memref_slice %arg3[%mul3A_2] : memref<8192xi32, #tpu.memory_space<hbm>> -> memref<256xi32, #tpu.memory_space<hbm>>
      tpu.wait_dma2 semaphore(%run_scoped3A : memref<!tpu.dma_semaphore, #tpu.memory_space<semaphore_mem>>) src(%dma_wait3A_31 : memref<256xi32, #tpu.memory_space<hbm>>) dst(%arg6 : memref<256xi32, #tpu.memory_space<vmem>>)
      tpu.yield
    }) : () -> ()
    "tpu.region"() ({
      %run_scoped3A = tpu.sem_alloc : memref<!tpu.dma_semaphore, #tpu.memory_space<semaphore_mem>>
      tpu.enqueue_dma source(%arg4 : memref<32768xi32, #tpu.memory_space<hbm>>) target(%arg7 : memref<32768xi32, #tpu.memory_space<vmem>>) target_semaphore(%run_scoped3A : memref<!tpu.dma_semaphore, #tpu.memory_space<semaphore_mem>>)
      tpu.wait_dma2 semaphore(%run_scoped3A : memref<!tpu.dma_semaphore, #tpu.memory_space<semaphore_mem>>) src(%arg4 : memref<32768xi32, #tpu.memory_space<hbm>>) dst(%arg7 : memref<32768xi32, #tpu.memory_space<vmem>>)
      tpu.yield
    }) : () -> ()
    %iota3A = tpu.iota {dimensions = array<i32: 0>} : vector<16xi32>
    %broadcast_in_dim3A = arith.constant -65536 : i32
    %broadcast_in_dim3A_3 = vector.broadcast %broadcast_in_dim3A : i32 to vector<16xi32>
    %add3A_4 = arith.constant 0 : i32
    %add3A_5 = arith.addi %mul3A_2, %add3A_4 : i32
    %dma_start3A = arith.constant 0 : i32
    %dma_start3A_6 = tpu.memref_slice %arg2[%add3A_5, %dma_start3A] : memref<8192x2048xf32, #tpu.memory_space<hbm>> -> memref<8x2048xf32, #tpu.memory_space<hbm>>
    %dma_start3A_7 = arith.constant 0 : i32
    %dma_start3A_8 = tpu.memref_slice %arg2[%add3A_5, %dma_start3A_7] : memref<8192x2048xf32, #tpu.memory_space<hbm>> -> memref<8x2048xf32, #tpu.memory_space<hbm>>
    tpu.enqueue_dma source(%dma_start3A_8 : memref<8x2048xf32, #tpu.memory_space<hbm>>) target(%arg8 : memref<8x2048xf32, #tpu.memory_space<vmem>>) target_semaphore(%arg12 : memref<!tpu.dma_semaphore, #tpu.memory_space<semaphore_mem>>)
    %add3A_9 = arith.constant 8 : i32
    %add3A_10 = arith.addi %mul3A_2, %add3A_9 : i32
    %dma_start3A_11 = arith.constant 0 : i32
    %dma_start3A_12 = tpu.memref_slice %arg2[%add3A_10, %dma_start3A_11] : memref<8192x2048xf32, #tpu.memory_space<hbm>> -> memref<8x2048xf32, #tpu.memory_space<hbm>>
    %dma_start3A_13 = arith.constant 0 : i32
    %dma_start3A_14 = tpu.memref_slice %arg2[%add3A_10, %dma_start3A_13] : memref<8192x2048xf32, #tpu.memory_space<hbm>> -> memref<8x2048xf32, #tpu.memory_space<hbm>>
    tpu.enqueue_dma source(%dma_start3A_14 : memref<8x2048xf32, #tpu.memory_space<hbm>>) target(%arg9 : memref<8x2048xf32, #tpu.memory_space<vmem>>) target_semaphore(%arg13 : memref<!tpu.dma_semaphore, #tpu.memory_space<semaphore_mem>>)
    %scan3A = arith.constant 0 : i32
    %scan3A_15 = arith.constant 0 : i32
    %scan3A_16 = arith.constant 16 : i32
    %scan3A_17 = arith.addi %scan3A_15, %scan3A_16 : i32
    %scan3A_18 = arith.constant 1 : i32
    %scan3A_19 = scf.for %scan3A_28 = %scan3A_15 to %scan3A_17 step %scan3A_18 iter_args(%scan3A_29 = %scan3A) -> (i32)  : i32 {
      %mul3A_30 = arith.constant 2 : i32
      %mul3A_31 = arith.muli %scan3A_28, %mul3A_30 : i32
      %add3A_32 = arith.constant 0 : i32
      %add3A_33 = arith.addi %mul3A_31, %add3A_32 : i32
      %dma_wait3A_34 = arith.constant 0 : i32
      %dma_wait3A_35 = tpu.memref_slice %arg2[%mul3A_2, %dma_wait3A_34] : memref<8192x2048xf32, #tpu.memory_space<hbm>> -> memref<8x2048xf32, #tpu.memory_space<hbm>>
      %dma_wait3A_36 = arith.constant 0 : i32
      %dma_wait3A_37 = tpu.memref_slice %arg2[%mul3A_2, %dma_wait3A_36] : memref<8192x2048xf32, #tpu.memory_space<hbm>> -> memref<8x2048xf32, #tpu.memory_space<hbm>>
      tpu.wait_dma2 semaphore(%arg12 : memref<!tpu.dma_semaphore, #tpu.memory_space<semaphore_mem>>) src(%dma_wait3A_37 : memref<8x2048xf32, #tpu.memory_space<hbm>>) dst(%arg8 : memref<8x2048xf32, #tpu.memory_space<vmem>>)
      %ge3A = arith.constant 2 : i32
      %ge3A_38 = arith.cmpi sge, %add3A_33, %ge3A : i32
      %convert_element_type3A = arith.extui %ge3A_38 : i1 to i32
      %cond3A = arith.constant 0 : i32
      %cond3A_39 = arith.cmpi ne, %convert_element_type3A, %cond3A : i32
      scf.if %cond3A_39 {
        %dma_wait3A_287 = arith.constant 0 : i32
        %dma_wait3A_288 = tpu.memref_slice %arg5[%mul3A_2, %dma_wait3A_287] : memref<8192x2048xf32, #tpu.memory_space<hbm>> -> memref<8x2048xf32, #tpu.memory_space<hbm>>
        %dma_wait3A_289 = arith.constant 0 : i32
        %dma_wait3A_290 = tpu.memref_slice %arg5[%mul3A_2, %dma_wait3A_289] : memref<8192x2048xf32, #tpu.memory_space<hbm>> -> memref<8x2048xf32, #tpu.memory_space<hbm>>
        tpu.wait_dma2 semaphore(%arg14 : memref<!tpu.dma_semaphore, #tpu.memory_space<semaphore_mem>>) src(%arg10 : memref<8x2048xf32, #tpu.memory_space<vmem>>) dst(%dma_wait3A_290 : memref<8x2048xf32, #tpu.memory_space<hbm>>)
      } else {
      }
      %mul3A_40 = arith.constant 8 : i32
      %mul3A_41 = arith.muli %add3A_33, %mul3A_40 : i32
      %add3A_42 = arith.constant 0 : i32
      %add3A_43 = arith.addi %mul3A_41, %add3A_42 : i32
      %broadcast_in_dim3A_44 = vector.broadcast %add3A_43 : i32 to vector<16xi32>
      %gather3A = tpu.vector_load_idx %arg6[%broadcast_in_dim3A_44] : memref<256xi32, #tpu.memory_space<vmem>>[vector<16xi32>], vector<16xi32>,
      %mul3A_45 = arith.constant 2048 : i32
      %mul3A_46 = vector.broadcast %mul3A_45 : i32 to vector<16xi32>
      %mul3A_47 = arith.muli %gather3A, %mul3A_46 : vector<16xi32>
      %add3A_48 = arith.addi %mul3A_47, %iota3A : vector<16xi32>
      %parallel_loop3A = arith.constant 0 : i32
      %parallel_loop3A_49 = arith.constant 128 : i32
      %parallel_loop3A_50 = arith.constant 1 : i32
      scf.for %parallel_loop3A_287 = %parallel_loop3A to %parallel_loop3A_49 step %parallel_loop3A_50  : i32 {
        %parallel_loop3A_288 = arith.constant 16 : i32
        %parallel_loop3A_289 = arith.muli %parallel_loop3A_287, %parallel_loop3A_288 : i32
        %parallel_loop3A_290 = vector.broadcast %parallel_loop3A_289 : i32 to vector<16xi32>
        %parallel_loop3A_291 = arith.addi %add3A_48, %parallel_loop3A_290 : vector<16xi32>
        %parallel_loop3A_292 = tpu.vector_load_idx %arg7[%parallel_loop3A_291] : memref<32768xi32, #tpu.memory_space<vmem>>[vector<16xi32>], vector<16xi32>,
        %parallel_loop3A_293 = arith.andi %parallel_loop3A_292, %broadcast_in_dim3A_3 : vector<16xi32>
        %parallel_loop3A_294 = vector.bitcast %parallel_loop3A_293 : vector<16xi32> to vector<16xf32>
        %parallel_loop3A_295 = arith.constant 16 : i32
        %parallel_loop3A_296 = vector.broadcast %parallel_loop3A_295 : i32 to vector<16xi32>
        %parallel_loop3A_297 = arith.shli %parallel_loop3A_292, %parallel_loop3A_296 : vector<16xi32>
        %parallel_loop3A_298 = vector.bitcast %parallel_loop3A_297 : vector<16xi32> to vector<16xf32>
        %parallel_loop3A_299 = arith.constant 0 : i32
        %parallel_loop3A_300 = arith.index_cast %parallel_loop3A_299 : i32 to index
        %parallel_loop3A_301 = arith.index_cast %parallel_loop3A_289 : i32 to index
        %parallel_loop3A_302 = tpu.vector_load %arg8[%parallel_loop3A_300, %parallel_loop3A_301] {strides = array<i32>} : memref<8x2048xf32, #tpu.memory_space<vmem>>, vector<16xf32>,
        %parallel_loop3A_303 = arith.mulf %parallel_loop3A_302, %parallel_loop3A_294 : vector<16xf32>
        %parallel_loop3A_304 = arith.addf %parallel_loop3A_303, %parallel_loop3A_298 : vector<16xf32>
        %parallel_loop3A_305 = arith.constant 0 : i32
        %parallel_loop3A_306 = arith.index_cast %parallel_loop3A_305 : i32 to index
        %parallel_loop3A_307 = arith.index_cast %parallel_loop3A_289 : i32 to index
        %parallel_loop3A_308 = tpu.vector_load %arg10[%parallel_loop3A_306, %parallel_loop3A_307] {strides = array<i32>} : memref<8x2048xf32, #tpu.memory_space<vmem>>, vector<16xf32>,
        tpu.vector_store %arg10[%parallel_loop3A_306, %parallel_loop3A_307], %parallel_loop3A_304 {strides = array<i32>} : memref<8x2048xf32, #tpu.memory_space<vmem>>, vector<16xf32>,
      } {sc.loop_unroll_factor = 8 : i64, sc.parallel_access}
      %mul3A_51 = arith.constant 8 : i32
      %mul3A_52 = arith.muli %add3A_33, %mul3A_51 : i32
      %add3A_53 = arith.constant 1 : i32
      %add3A_54 = arith.addi %mul3A_52, %add3A_53 : i32
      %broadcast_in_dim3A_55 = vector.broadcast %add3A_54 : i32 to vector<16xi32>
      %gather3A_56 = tpu.vector_load_idx %arg6[%broadcast_in_dim3A_55] : memref<256xi32, #tpu.memory_space<vmem>>[vector<16xi32>], vector<16xi32>,
      %mul3A_57 = arith.constant 2048 : i32
      %mul3A_58 = vector.broadcast %mul3A_57 : i32 to vector<16xi32>
      %mul3A_59 = arith.muli %gather3A_56, %mul3A_58 : vector<16xi32>
      %add3A_60 = arith.addi %mul3A_59, %iota3A : vector<16xi32>
      %parallel_loop3A_61 = arith.constant 0 : i32
      %parallel_loop3A_62 = arith.constant 128 : i32
      %parallel_loop3A_63 = arith.constant 1 : i32
      scf.for %parallel_loop3A_287 = %parallel_loop3A_61 to %parallel_loop3A_62 step %parallel_loop3A_63  : i32 {
        %parallel_loop3A_288 = arith.constant 16 : i32
        %parallel_loop3A_289 = arith.muli %parallel_loop3A_287, %parallel_loop3A_288 : i32
        %parallel_loop3A_290 = vector.broadcast %parallel_loop3A_289 : i32 to vector<16xi32>
        %parallel_loop3A_291 = arith.addi %add3A_60, %parallel_loop3A_290 : vector<16xi32>
        %parallel_loop3A_292 = tpu.vector_load_idx %arg7[%parallel_loop3A_291] : memref<32768xi32, #tpu.memory_space<vmem>>[vector<16xi32>], vector<16xi32>,
        %parallel_loop3A_293 = arith.andi %parallel_loop3A_292, %broadcast_in_dim3A_3 : vector<16xi32>
        %parallel_loop3A_294 = vector.bitcast %parallel_loop3A_293 : vector<16xi32> to vector<16xf32>
        %parallel_loop3A_295 = arith.constant 16 : i32
        %parallel_loop3A_296 = vector.broadcast %parallel_loop3A_295 : i32 to vector<16xi32>
        %parallel_loop3A_297 = arith.shli %parallel_loop3A_292, %parallel_loop3A_296 : vector<16xi32>
        %parallel_loop3A_298 = vector.bitcast %parallel_loop3A_297 : vector<16xi32> to vector<16xf32>
        %parallel_loop3A_299 = arith.constant 1 : i32
        %parallel_loop3A_300 = arith.index_cast %parallel_loop3A_299 : i32 to index
        %parallel_loop3A_301 = arith.index_cast %parallel_loop3A_289 : i32 to index
        %parallel_loop3A_302 = tpu.vector_load %arg8[%parallel_loop3A_300, %parallel_loop3A_301] {strides = array<i32>} : memref<8x2048xf32, #tpu.memory_space<vmem>>, vector<16xf32>,
        %parallel_loop3A_303 = arith.mulf %parallel_loop3A_302, %parallel_loop3A_294 : vector<16xf32>
        %parallel_loop3A_304 = arith.addf %parallel_loop3A_303, %parallel_loop3A_298 : vector<16xf32>
        %parallel_loop3A_305 = arith.constant 1 : i32
        %parallel_loop3A_306 = arith.index_cast %parallel_loop3A_305 : i32 to index
        %parallel_loop3A_307 = arith.index_cast %parallel_loop3A_289 : i32 to index
        %parallel_loop3A_308 = tpu.vector_load %arg10[%parallel_loop3A_306, %parallel_loop3A_307] {strides = array<i32>} : memref<8x2048xf32, #tpu.memory_space<vmem>>, vector<16xf32>,
        tpu.vector_store %arg10[%parallel_loop3A_306, %parallel_loop3A_307], %parallel_loop3A_304 {strides = array<i32>} : memref<8x2048xf32, #tpu.memory_space<vmem>>, vector<16xf32>,
      } {sc.loop_unroll_factor = 8 : i64, sc.parallel_access}
      %mul3A_64 = arith.constant 8 : i32
      %mul3A_65 = arith.muli %add3A_33, %mul3A_64 : i32
      %add3A_66 = arith.constant 2 : i32
      %add3A_67 = arith.addi %mul3A_65, %add3A_66 : i32
      %broadcast_in_dim3A_68 = vector.broadcast %add3A_67 : i32 to vector<16xi32>
      %gather3A_69 = tpu.vector_load_idx %arg6[%broadcast_in_dim3A_68] : memref<256xi32, #tpu.memory_space<vmem>>[vector<16xi32>], vector<16xi32>,
      %mul3A_70 = arith.constant 2048 : i32
      %mul3A_71 = vector.broadcast %mul3A_70 : i32 to vector<16xi32>
      %mul3A_72 = arith.muli %gather3A_69, %mul3A_71 : vector<16xi32>
      %add3A_73 = arith.addi %mul3A_72, %iota3A : vector<16xi32>
      %parallel_loop3A_74 = arith.constant 0 : i32
      %parallel_loop3A_75 = arith.constant 128 : i32
      %parallel_loop3A_76 = arith.constant 1 : i32
      scf.for %parallel_loop3A_287 = %parallel_loop3A_74 to %parallel_loop3A_75 step %parallel_loop3A_76  : i32 {
        %parallel_loop3A_288 = arith.constant 16 : i32
        %parallel_loop3A_289 = arith.muli %parallel_loop3A_287, %parallel_loop3A_288 : i32
        %parallel_loop3A_290 = vector.broadcast %parallel_loop3A_289 : i32 to vector<16xi32>
        %parallel_loop3A_291 = arith.addi %add3A_73, %parallel_loop3A_290 : vector<16xi32>
        %parallel_loop3A_292 = tpu.vector_load_idx %arg7[%parallel_loop3A_291] : memref<32768xi32, #tpu.memory_space<vmem>>[vector<16xi32>], vector<16xi32>,
        %parallel_loop3A_293 = arith.andi %parallel_loop3A_292, %broadcast_in_dim3A_3 : vector<16xi32>
        %parallel_loop3A_294 = vector.bitcast %parallel_loop3A_293 : vector<16xi32> to vector<16xf32>
        %parallel_loop3A_295 = arith.constant 16 : i32
        %parallel_loop3A_296 = vector.broadcast %parallel_loop3A_295 : i32 to vector<16xi32>
        %parallel_loop3A_297 = arith.shli %parallel_loop3A_292, %parallel_loop3A_296 : vector<16xi32>
        %parallel_loop3A_298 = vector.bitcast %parallel_loop3A_297 : vector<16xi32> to vector<16xf32>
        %parallel_loop3A_299 = arith.constant 2 : i32
        %parallel_loop3A_300 = arith.index_cast %parallel_loop3A_299 : i32 to index
        %parallel_loop3A_301 = arith.index_cast %parallel_loop3A_289 : i32 to index
        %parallel_loop3A_302 = tpu.vector_load %arg8[%parallel_loop3A_300, %parallel_loop3A_301] {strides = array<i32>} : memref<8x2048xf32, #tpu.memory_space<vmem>>, vector<16xf32>,
        %parallel_loop3A_303 = arith.mulf %parallel_loop3A_302, %parallel_loop3A_294 : vector<16xf32>
        %parallel_loop3A_304 = arith.addf %parallel_loop3A_303, %parallel_loop3A_298 : vector<16xf32>
        %parallel_loop3A_305 = arith.constant 2 : i32
        %parallel_loop3A_306 = arith.index_cast %parallel_loop3A_305 : i32 to index
        %parallel_loop3A_307 = arith.index_cast %parallel_loop3A_289 : i32 to index
        %parallel_loop3A_308 = tpu.vector_load %arg10[%parallel_loop3A_306, %parallel_loop3A_307] {strides = array<i32>} : memref<8x2048xf32, #tpu.memory_space<vmem>>, vector<16xf32>,
        tpu.vector_store %arg10[%parallel_loop3A_306, %parallel_loop3A_307], %parallel_loop3A_304 {strides = array<i32>} : memref<8x2048xf32, #tpu.memory_space<vmem>>, vector<16xf32>,
      } {sc.loop_unroll_factor = 8 : i64, sc.parallel_access}
      %mul3A_77 = arith.constant 8 : i32
      %mul3A_78 = arith.muli %add3A_33, %mul3A_77 : i32
      %add3A_79 = arith.constant 3 : i32
      %add3A_80 = arith.addi %mul3A_78, %add3A_79 : i32
      %broadcast_in_dim3A_81 = vector.broadcast %add3A_80 : i32 to vector<16xi32>
      %gather3A_82 = tpu.vector_load_idx %arg6[%broadcast_in_dim3A_81] : memref<256xi32, #tpu.memory_space<vmem>>[vector<16xi32>], vector<16xi32>,
      %mul3A_83 = arith.constant 2048 : i32
      %mul3A_84 = vector.broadcast %mul3A_83 : i32 to vector<16xi32>
      %mul3A_85 = arith.muli %gather3A_82, %mul3A_84 : vector<16xi32>
      %add3A_86 = arith.addi %mul3A_85, %iota3A : vector<16xi32>
      %parallel_loop3A_87 = arith.constant 0 : i32
      %parallel_loop3A_88 = arith.constant 128 : i32
      %parallel_loop3A_89 = arith.constant 1 : i32
      scf.for %parallel_loop3A_287 = %parallel_loop3A_87 to %parallel_loop3A_88 step %parallel_loop3A_89  : i32 {
        %parallel_loop3A_288 = arith.constant 16 : i32
        %parallel_loop3A_289 = arith.muli %parallel_loop3A_287, %parallel_loop3A_288 : i32
        %parallel_loop3A_290 = vector.broadcast %parallel_loop3A_289 : i32 to vector<16xi32>
        %parallel_loop3A_291 = arith.addi %add3A_86, %parallel_loop3A_290 : vector<16xi32>
        %parallel_loop3A_292 = tpu.vector_load_idx %arg7[%parallel_loop3A_291] : memref<32768xi32, #tpu.memory_space<vmem>>[vector<16xi32>], vector<16xi32>,
        %parallel_loop3A_293 = arith.andi %parallel_loop3A_292, %broadcast_in_dim3A_3 : vector<16xi32>
        %parallel_loop3A_294 = vector.bitcast %parallel_loop3A_293 : vector<16xi32> to vector<16xf32>
        %parallel_loop3A_295 = arith.constant 16 : i32
        %parallel_loop3A_296 = vector.broadcast %parallel_loop3A_295 : i32 to vector<16xi32>
        %parallel_loop3A_297 = arith.shli %parallel_loop3A_292, %parallel_loop3A_296 : vector<16xi32>
        %parallel_loop3A_298 = vector.bitcast %parallel_loop3A_297 : vector<16xi32> to vector<16xf32>
        %parallel_loop3A_299 = arith.constant 3 : i32
        %parallel_loop3A_300 = arith.index_cast %parallel_loop3A_299 : i32 to index
        %parallel_loop3A_301 = arith.index_cast %parallel_loop3A_289 : i32 to index
        %parallel_loop3A_302 = tpu.vector_load %arg8[%parallel_loop3A_300, %parallel_loop3A_301] {strides = array<i32>} : memref<8x2048xf32, #tpu.memory_space<vmem>>, vector<16xf32>,
        %parallel_loop3A_303 = arith.mulf %parallel_loop3A_302, %parallel_loop3A_294 : vector<16xf32>
        %parallel_loop3A_304 = arith.addf %parallel_loop3A_303, %parallel_loop3A_298 : vector<16xf32>
        %parallel_loop3A_305 = arith.constant 3 : i32
        %parallel_loop3A_306 = arith.index_cast %parallel_loop3A_305 : i32 to index
        %parallel_loop3A_307 = arith.index_cast %parallel_loop3A_289 : i32 to index
        %parallel_loop3A_308 = tpu.vector_load %arg10[%parallel_loop3A_306, %parallel_loop3A_307] {strides = array<i32>} : memref<8x2048xf32, #tpu.memory_space<vmem>>, vector<16xf32>,
        tpu.vector_store %arg10[%parallel_loop3A_306, %parallel_loop3A_307], %parallel_loop3A_304 {strides = array<i32>} : memref<8x2048xf32, #tpu.memory_space<vmem>>, vector<16xf32>,
      } {sc.loop_unroll_factor = 8 : i64, sc.parallel_access}
      %mul3A_90 = arith.constant 8 : i32
      %mul3A_91 = arith.muli %add3A_33, %mul3A_90 : i32
      %add3A_92 = arith.constant 4 : i32
      %add3A_93 = arith.addi %mul3A_91, %add3A_92 : i32
      %broadcast_in_dim3A_94 = vector.broadcast %add3A_93 : i32 to vector<16xi32>
      %gather3A_95 = tpu.vector_load_idx %arg6[%broadcast_in_dim3A_94] : memref<256xi32, #tpu.memory_space<vmem>>[vector<16xi32>], vector<16xi32>,
      %mul3A_96 = arith.constant 2048 : i32
      %mul3A_97 = vector.broadcast %mul3A_96 : i32 to vector<16xi32>
      %mul3A_98 = arith.muli %gather3A_95, %mul3A_97 : vector<16xi32>
      %add3A_99 = arith.addi %mul3A_98, %iota3A : vector<16xi32>
      %parallel_loop3A_100 = arith.constant 0 : i32
      %parallel_loop3A_101 = arith.constant 128 : i32
      %parallel_loop3A_102 = arith.constant 1 : i32
      scf.for %parallel_loop3A_287 = %parallel_loop3A_100 to %parallel_loop3A_101 step %parallel_loop3A_102  : i32 {
        %parallel_loop3A_288 = arith.constant 16 : i32
        %parallel_loop3A_289 = arith.muli %parallel_loop3A_287, %parallel_loop3A_288 : i32
        %parallel_loop3A_290 = vector.broadcast %parallel_loop3A_289 : i32 to vector<16xi32>
        %parallel_loop3A_291 = arith.addi %add3A_99, %parallel_loop3A_290 : vector<16xi32>
        %parallel_loop3A_292 = tpu.vector_load_idx %arg7[%parallel_loop3A_291] : memref<32768xi32, #tpu.memory_space<vmem>>[vector<16xi32>], vector<16xi32>,
        %parallel_loop3A_293 = arith.andi %parallel_loop3A_292, %broadcast_in_dim3A_3 : vector<16xi32>
        %parallel_loop3A_294 = vector.bitcast %parallel_loop3A_293 : vector<16xi32> to vector<16xf32>
        %parallel_loop3A_295 = arith.constant 16 : i32
        %parallel_loop3A_296 = vector.broadcast %parallel_loop3A_295 : i32 to vector<16xi32>
        %parallel_loop3A_297 = arith.shli %parallel_loop3A_292, %parallel_loop3A_296 : vector<16xi32>
        %parallel_loop3A_298 = vector.bitcast %parallel_loop3A_297 : vector<16xi32> to vector<16xf32>
        %parallel_loop3A_299 = arith.constant 4 : i32
        %parallel_loop3A_300 = arith.index_cast %parallel_loop3A_299 : i32 to index
        %parallel_loop3A_301 = arith.index_cast %parallel_loop3A_289 : i32 to index
        %parallel_loop3A_302 = tpu.vector_load %arg8[%parallel_loop3A_300, %parallel_loop3A_301] {strides = array<i32>} : memref<8x2048xf32, #tpu.memory_space<vmem>>, vector<16xf32>,
        %parallel_loop3A_303 = arith.mulf %parallel_loop3A_302, %parallel_loop3A_294 : vector<16xf32>
        %parallel_loop3A_304 = arith.addf %parallel_loop3A_303, %parallel_loop3A_298 : vector<16xf32>
        %parallel_loop3A_305 = arith.constant 4 : i32
        %parallel_loop3A_306 = arith.index_cast %parallel_loop3A_305 : i32 to index
        %parallel_loop3A_307 = arith.index_cast %parallel_loop3A_289 : i32 to index
        %parallel_loop3A_308 = tpu.vector_load %arg10[%parallel_loop3A_306, %parallel_loop3A_307] {strides = array<i32>} : memref<8x2048xf32, #tpu.memory_space<vmem>>, vector<16xf32>,
        tpu.vector_store %arg10[%parallel_loop3A_306, %parallel_loop3A_307], %parallel_loop3A_304 {strides = array<i32>} : memref<8x2048xf32, #tpu.memory_space<vmem>>, vector<16xf32>,
      } {sc.loop_unroll_factor = 8 : i64, sc.parallel_access}
      %mul3A_103 = arith.constant 8 : i32
      %mul3A_104 = arith.muli %add3A_33, %mul3A_103 : i32
      %add3A_105 = arith.constant 5 : i32
      %add3A_106 = arith.addi %mul3A_104, %add3A_105 : i32
      %broadcast_in_dim3A_107 = vector.broadcast %add3A_106 : i32 to vector<16xi32>
      %gather3A_108 = tpu.vector_load_idx %arg6[%broadcast_in_dim3A_107] : memref<256xi32, #tpu.memory_space<vmem>>[vector<16xi32>], vector<16xi32>,
      %mul3A_109 = arith.constant 2048 : i32
      %mul3A_110 = vector.broadcast %mul3A_109 : i32 to vector<16xi32>
      %mul3A_111 = arith.muli %gather3A_108, %mul3A_110 : vector<16xi32>
      %add3A_112 = arith.addi %mul3A_111, %iota3A : vector<16xi32>
      %parallel_loop3A_113 = arith.constant 0 : i32
      %parallel_loop3A_114 = arith.constant 128 : i32
      %parallel_loop3A_115 = arith.constant 1 : i32
      scf.for %parallel_loop3A_287 = %parallel_loop3A_113 to %parallel_loop3A_114 step %parallel_loop3A_115  : i32 {
        %parallel_loop3A_288 = arith.constant 16 : i32
        %parallel_loop3A_289 = arith.muli %parallel_loop3A_287, %parallel_loop3A_288 : i32
        %parallel_loop3A_290 = vector.broadcast %parallel_loop3A_289 : i32 to vector<16xi32>
        %parallel_loop3A_291 = arith.addi %add3A_112, %parallel_loop3A_290 : vector<16xi32>
        %parallel_loop3A_292 = tpu.vector_load_idx %arg7[%parallel_loop3A_291] : memref<32768xi32, #tpu.memory_space<vmem>>[vector<16xi32>], vector<16xi32>,
        %parallel_loop3A_293 = arith.andi %parallel_loop3A_292, %broadcast_in_dim3A_3 : vector<16xi32>
        %parallel_loop3A_294 = vector.bitcast %parallel_loop3A_293 : vector<16xi32> to vector<16xf32>
        %parallel_loop3A_295 = arith.constant 16 : i32
        %parallel_loop3A_296 = vector.broadcast %parallel_loop3A_295 : i32 to vector<16xi32>
        %parallel_loop3A_297 = arith.shli %parallel_loop3A_292, %parallel_loop3A_296 : vector<16xi32>
        %parallel_loop3A_298 = vector.bitcast %parallel_loop3A_297 : vector<16xi32> to vector<16xf32>
        %parallel_loop3A_299 = arith.constant 5 : i32
        %parallel_loop3A_300 = arith.index_cast %parallel_loop3A_299 : i32 to index
        %parallel_loop3A_301 = arith.index_cast %parallel_loop3A_289 : i32 to index
        %parallel_loop3A_302 = tpu.vector_load %arg8[%parallel_loop3A_300, %parallel_loop3A_301] {strides = array<i32>} : memref<8x2048xf32, #tpu.memory_space<vmem>>, vector<16xf32>,
        %parallel_loop3A_303 = arith.mulf %parallel_loop3A_302, %parallel_loop3A_294 : vector<16xf32>
        %parallel_loop3A_304 = arith.addf %parallel_loop3A_303, %parallel_loop3A_298 : vector<16xf32>
        %parallel_loop3A_305 = arith.constant 5 : i32
        %parallel_loop3A_306 = arith.index_cast %parallel_loop3A_305 : i32 to index
        %parallel_loop3A_307 = arith.index_cast %parallel_loop3A_289 : i32 to index
        %parallel_loop3A_308 = tpu.vector_load %arg10[%parallel_loop3A_306, %parallel_loop3A_307] {strides = array<i32>} : memref<8x2048xf32, #tpu.memory_space<vmem>>, vector<16xf32>,
        tpu.vector_store %arg10[%parallel_loop3A_306, %parallel_loop3A_307], %parallel_loop3A_304 {strides = array<i32>} : memref<8x2048xf32, #tpu.memory_space<vmem>>, vector<16xf32>,
      } {sc.loop_unroll_factor = 8 : i64, sc.parallel_access}
      %mul3A_116 = arith.constant 8 : i32
      %mul3A_117 = arith.muli %add3A_33, %mul3A_116 : i32
      %add3A_118 = arith.constant 6 : i32
      %add3A_119 = arith.addi %mul3A_117, %add3A_118 : i32
      %broadcast_in_dim3A_120 = vector.broadcast %add3A_119 : i32 to vector<16xi32>
      %gather3A_121 = tpu.vector_load_idx %arg6[%broadcast_in_dim3A_120] : memref<256xi32, #tpu.memory_space<vmem>>[vector<16xi32>], vector<16xi32>,
      %mul3A_122 = arith.constant 2048 : i32
      %mul3A_123 = vector.broadcast %mul3A_122 : i32 to vector<16xi32>
      %mul3A_124 = arith.muli %gather3A_121, %mul3A_123 : vector<16xi32>
      %add3A_125 = arith.addi %mul3A_124, %iota3A : vector<16xi32>
      %parallel_loop3A_126 = arith.constant 0 : i32
      %parallel_loop3A_127 = arith.constant 128 : i32
      %parallel_loop3A_128 = arith.constant 1 : i32
      scf.for %parallel_loop3A_287 = %parallel_loop3A_126 to %parallel_loop3A_127 step %parallel_loop3A_128  : i32 {
        %parallel_loop3A_288 = arith.constant 16 : i32
        %parallel_loop3A_289 = arith.muli %parallel_loop3A_287, %parallel_loop3A_288 : i32
        %parallel_loop3A_290 = vector.broadcast %parallel_loop3A_289 : i32 to vector<16xi32>
        %parallel_loop3A_291 = arith.addi %add3A_125, %parallel_loop3A_290 : vector<16xi32>
        %parallel_loop3A_292 = tpu.vector_load_idx %arg7[%parallel_loop3A_291] : memref<32768xi32, #tpu.memory_space<vmem>>[vector<16xi32>], vector<16xi32>,
        %parallel_loop3A_293 = arith.andi %parallel_loop3A_292, %broadcast_in_dim3A_3 : vector<16xi32>
        %parallel_loop3A_294 = vector.bitcast %parallel_loop3A_293 : vector<16xi32> to vector<16xf32>
        %parallel_loop3A_295 = arith.constant 16 : i32
        %parallel_loop3A_296 = vector.broadcast %parallel_loop3A_295 : i32 to vector<16xi32>
        %parallel_loop3A_297 = arith.shli %parallel_loop3A_292, %parallel_loop3A_296 : vector<16xi32>
        %parallel_loop3A_298 = vector.bitcast %parallel_loop3A_297 : vector<16xi32> to vector<16xf32>
        %parallel_loop3A_299 = arith.constant 6 : i32
        %parallel_loop3A_300 = arith.index_cast %parallel_loop3A_299 : i32 to index
        %parallel_loop3A_301 = arith.index_cast %parallel_loop3A_289 : i32 to index
        %parallel_loop3A_302 = tpu.vector_load %arg8[%parallel_loop3A_300, %parallel_loop3A_301] {strides = array<i32>} : memref<8x2048xf32, #tpu.memory_space<vmem>>, vector<16xf32>,
        %parallel_loop3A_303 = arith.mulf %parallel_loop3A_302, %parallel_loop3A_294 : vector<16xf32>
        %parallel_loop3A_304 = arith.addf %parallel_loop3A_303, %parallel_loop3A_298 : vector<16xf32>
        %parallel_loop3A_305 = arith.constant 6 : i32
        %parallel_loop3A_306 = arith.index_cast %parallel_loop3A_305 : i32 to index
        %parallel_loop3A_307 = arith.index_cast %parallel_loop3A_289 : i32 to index
        %parallel_loop3A_308 = tpu.vector_load %arg10[%parallel_loop3A_306, %parallel_loop3A_307] {strides = array<i32>} : memref<8x2048xf32, #tpu.memory_space<vmem>>, vector<16xf32>,
        tpu.vector_store %arg10[%parallel_loop3A_306, %parallel_loop3A_307], %parallel_loop3A_304 {strides = array<i32>} : memref<8x2048xf32, #tpu.memory_space<vmem>>, vector<16xf32>,
      } {sc.loop_unroll_factor = 8 : i64, sc.parallel_access}
      %mul3A_129 = arith.constant 8 : i32
      %mul3A_130 = arith.muli %add3A_33, %mul3A_129 : i32
      %add3A_131 = arith.constant 7 : i32
      %add3A_132 = arith.addi %mul3A_130, %add3A_131 : i32
      %broadcast_in_dim3A_133 = vector.broadcast %add3A_132 : i32 to vector<16xi32>
      %gather3A_134 = tpu.vector_load_idx %arg6[%broadcast_in_dim3A_133] : memref<256xi32, #tpu.memory_space<vmem>>[vector<16xi32>], vector<16xi32>,
      %mul3A_135 = arith.constant 2048 : i32
      %mul3A_136 = vector.broadcast %mul3A_135 : i32 to vector<16xi32>
      %mul3A_137 = arith.muli %gather3A_134, %mul3A_136 : vector<16xi32>
      %add3A_138 = arith.addi %mul3A_137, %iota3A : vector<16xi32>
      %parallel_loop3A_139 = arith.constant 0 : i32
      %parallel_loop3A_140 = arith.constant 128 : i32
      %parallel_loop3A_141 = arith.constant 1 : i32
      scf.for %parallel_loop3A_287 = %parallel_loop3A_139 to %parallel_loop3A_140 step %parallel_loop3A_141  : i32 {
        %parallel_loop3A_288 = arith.constant 16 : i32
        %parallel_loop3A_289 = arith.muli %parallel_loop3A_287, %parallel_loop3A_288 : i32
        %parallel_loop3A_290 = vector.broadcast %parallel_loop3A_289 : i32 to vector<16xi32>
        %parallel_loop3A_291 = arith.addi %add3A_138, %parallel_loop3A_290 : vector<16xi32>
        %parallel_loop3A_292 = tpu.vector_load_idx %arg7[%parallel_loop3A_291] : memref<32768xi32, #tpu.memory_space<vmem>>[vector<16xi32>], vector<16xi32>,
        %parallel_loop3A_293 = arith.andi %parallel_loop3A_292, %broadcast_in_dim3A_3 : vector<16xi32>
        %parallel_loop3A_294 = vector.bitcast %parallel_loop3A_293 : vector<16xi32> to vector<16xf32>
        %parallel_loop3A_295 = arith.constant 16 : i32
        %parallel_loop3A_296 = vector.broadcast %parallel_loop3A_295 : i32 to vector<16xi32>
        %parallel_loop3A_297 = arith.shli %parallel_loop3A_292, %parallel_loop3A_296 : vector<16xi32>
        %parallel_loop3A_298 = vector.bitcast %parallel_loop3A_297 : vector<16xi32> to vector<16xf32>
        %parallel_loop3A_299 = arith.constant 7 : i32
        %parallel_loop3A_300 = arith.index_cast %parallel_loop3A_299 : i32 to index
        %parallel_loop3A_301 = arith.index_cast %parallel_loop3A_289 : i32 to index
        %parallel_loop3A_302 = tpu.vector_load %arg8[%parallel_loop3A_300, %parallel_loop3A_301] {strides = array<i32>} : memref<8x2048xf32, #tpu.memory_space<vmem>>, vector<16xf32>,
        %parallel_loop3A_303 = arith.mulf %parallel_loop3A_302, %parallel_loop3A_294 : vector<16xf32>
        %parallel_loop3A_304 = arith.addf %parallel_loop3A_303, %parallel_loop3A_298 : vector<16xf32>
        %parallel_loop3A_305 = arith.constant 7 : i32
        %parallel_loop3A_306 = arith.index_cast %parallel_loop3A_305 : i32 to index
        %parallel_loop3A_307 = arith.index_cast %parallel_loop3A_289 : i32 to index
        %parallel_loop3A_308 = tpu.vector_load %arg10[%parallel_loop3A_306, %parallel_loop3A_307] {strides = array<i32>} : memref<8x2048xf32, #tpu.memory_space<vmem>>, vector<16xf32>,
        tpu.vector_store %arg10[%parallel_loop3A_306, %parallel_loop3A_307], %parallel_loop3A_304 {strides = array<i32>} : memref<8x2048xf32, #tpu.memory_space<vmem>>, vector<16xf32>,
      } {sc.loop_unroll_factor = 8 : i64, sc.parallel_access}
      %mul3A_142 = arith.constant 8 : i32
      %mul3A_143 = arith.muli %add3A_33, %mul3A_142 : i32
      %add3A_144 = arith.addi %mul3A_2, %mul3A_143 : i32
      %dma_start3A_145 = arith.constant 0 : i32
      %dma_start3A_146 = tpu.memref_slice %arg5[%add3A_144, %dma_start3A_145] : memref<8192x2048xf32, #tpu.memory_space<hbm>> -> memref<8x2048xf32, #tpu.memory_space<hbm>>
      %dma_start3A_147 = arith.constant 0 : i32
      %dma_start3A_148 = tpu.memref_slice %arg5[%add3A_144, %dma_start3A_147] : memref<8192x2048xf32, #tpu.memory_space<hbm>> -> memref<8x2048xf32, #tpu.memory_space<hbm>>
      tpu.enqueue_dma source(%arg10 : memref<8x2048xf32, #tpu.memory_space<vmem>>) target(%dma_start3A_148 : memref<8x2048xf32, #tpu.memory_space<hbm>>) target_semaphore(%arg14 : memref<!tpu.dma_semaphore, #tpu.memory_space<semaphore_mem>>)
      %add3A_149 = arith.constant 2 : i32
      %add3A_150 = arith.addi %add3A_33, %add3A_149 : i32
      %lt3A = arith.constant 32 : i32
      %lt3A_151 = arith.cmpi slt, %add3A_150, %lt3A : i32
      %convert_element_type3A_152 = arith.extui %lt3A_151 : i1 to i32
      %cond3A_153 = arith.constant 0 : i32
      %cond3A_154 = arith.cmpi ne, %convert_element_type3A_152, %cond3A_153 : i32
      scf.if %cond3A_154 {
        %add3A_287 = arith.constant 2 : i32
        %add3A_288 = arith.addi %add3A_33, %add3A_287 : i32
        %mul3A_289 = arith.constant 8 : i32
        %mul3A_290 = arith.muli %add3A_288, %mul3A_289 : i32
        %add3A_291 = arith.addi %mul3A_2, %mul3A_290 : i32
        %dma_start3A_292 = arith.constant 0 : i32
        %dma_start3A_293 = tpu.memref_slice %arg2[%add3A_291, %dma_start3A_292] : memref<8192x2048xf32, #tpu.memory_space<hbm>> -> memref<8x2048xf32, #tpu.memory_space<hbm>>
        %dma_start3A_294 = arith.constant 0 : i32
        %dma_start3A_295 = tpu.memref_slice %arg2[%add3A_291, %dma_start3A_294] : memref<8192x2048xf32, #tpu.memory_space<hbm>> -> memref<8x2048xf32, #tpu.memory_space<hbm>>
        tpu.enqueue_dma source(%dma_start3A_295 : memref<8x2048xf32, #tpu.memory_space<hbm>>) target(%arg8 : memref<8x2048xf32, #tpu.memory_space<vmem>>) target_semaphore(%arg12 : memref<!tpu.dma_semaphore, #tpu.memory_space<semaphore_mem>>)
      } else {
      }
      %mul3A_155 = arith.constant 2 : i32
      %mul3A_156 = arith.muli %scan3A_28, %mul3A_155 : i32
      %add3A_157 = arith.constant 1 : i32
      %add3A_158 = arith.addi %mul3A_156, %add3A_157 : i32
      %dma_wait3A_159 = arith.constant 0 : i32
      %dma_wait3A_160 = tpu.memref_slice %arg2[%mul3A_2, %dma_wait3A_159] : memref<8192x2048xf32, #tpu.memory_space<hbm>> -> memref<8x2048xf32, #tpu.memory_space<hbm>>
      %dma_wait3A_161 = arith.constant 0 : i32
      %dma_wait3A_162 = tpu.memref_slice %arg2[%mul3A_2, %dma_wait3A_161] : memref<8192x2048xf32, #tpu.memory_space<hbm>> -> memref<8x2048xf32, #tpu.memory_space<hbm>>
      tpu.wait_dma2 semaphore(%arg13 : memref<!tpu.dma_semaphore, #tpu.memory_space<semaphore_mem>>) src(%dma_wait3A_162 : memref<8x2048xf32, #tpu.memory_space<hbm>>) dst(%arg9 : memref<8x2048xf32, #tpu.memory_space<vmem>>)
      %ge3A_163 = arith.constant 2 : i32
      %ge3A_164 = arith.cmpi sge, %add3A_158, %ge3A_163 : i32
      %convert_element_type3A_165 = arith.extui %ge3A_164 : i1 to i32
      %cond3A_166 = arith.constant 0 : i32
      %cond3A_167 = arith.cmpi ne, %convert_element_type3A_165, %cond3A_166 : i32
      scf.if %cond3A_167 {
        %dma_wait3A_287 = arith.constant 0 : i32
        %dma_wait3A_288 = tpu.memref_slice %arg5[%mul3A_2, %dma_wait3A_287] : memref<8192x2048xf32, #tpu.memory_space<hbm>> -> memref<8x2048xf32, #tpu.memory_space<hbm>>
        %dma_wait3A_289 = arith.constant 0 : i32
        %dma_wait3A_290 = tpu.memref_slice %arg5[%mul3A_2, %dma_wait3A_289] : memref<8192x2048xf32, #tpu.memory_space<hbm>> -> memref<8x2048xf32, #tpu.memory_space<hbm>>
        tpu.wait_dma2 semaphore(%arg15 : memref<!tpu.dma_semaphore, #tpu.memory_space<semaphore_mem>>) src(%arg11 : memref<8x2048xf32, #tpu.memory_space<vmem>>) dst(%dma_wait3A_290 : memref<8x2048xf32, #tpu.memory_space<hbm>>)
      } else {
      }
      %mul3A_168 = arith.constant 8 : i32
      %mul3A_169 = arith.muli %add3A_158, %mul3A_168 : i32
      %add3A_170 = arith.constant 0 : i32
      %add3A_171 = arith.addi %mul3A_169, %add3A_170 : i32
      %broadcast_in_dim3A_172 = vector.broadcast %add3A_171 : i32 to vector<16xi32>
      %gather3A_173 = tpu.vector_load_idx %arg6[%broadcast_in_dim3A_172] : memref<256xi32, #tpu.memory_space<vmem>>[vector<16xi32>], vector<16xi32>,
      %mul3A_174 = arith.constant 2048 : i32
      %mul3A_175 = vector.broadcast %mul3A_174 : i32 to vector<16xi32>
      %mul3A_176 = arith.muli %gather3A_173, %mul3A_175 : vector<16xi32>
      %add3A_177 = arith.addi %mul3A_176, %iota3A : vector<16xi32>
      %parallel_loop3A_178 = arith.constant 0 : i32
      %parallel_loop3A_179 = arith.constant 128 : i32
      %parallel_loop3A_180 = arith.constant 1 : i32
      scf.for %parallel_loop3A_287 = %parallel_loop3A_178 to %parallel_loop3A_179 step %parallel_loop3A_180  : i32 {
        %parallel_loop3A_288 = arith.constant 16 : i32
        %parallel_loop3A_289 = arith.muli %parallel_loop3A_287, %parallel_loop3A_288 : i32
        %parallel_loop3A_290 = vector.broadcast %parallel_loop3A_289 : i32 to vector<16xi32>
        %parallel_loop3A_291 = arith.addi %add3A_177, %parallel_loop3A_290 : vector<16xi32>
        %parallel_loop3A_292 = tpu.vector_load_idx %arg7[%parallel_loop3A_291] : memref<32768xi32, #tpu.memory_space<vmem>>[vector<16xi32>], vector<16xi32>,
        %parallel_loop3A_293 = arith.andi %parallel_loop3A_292, %broadcast_in_dim3A_3 : vector<16xi32>
        %parallel_loop3A_294 = vector.bitcast %parallel_loop3A_293 : vector<16xi32> to vector<16xf32>
        %parallel_loop3A_295 = arith.constant 16 : i32
        %parallel_loop3A_296 = vector.broadcast %parallel_loop3A_295 : i32 to vector<16xi32>
        %parallel_loop3A_297 = arith.shli %parallel_loop3A_292, %parallel_loop3A_296 : vector<16xi32>
        %parallel_loop3A_298 = vector.bitcast %parallel_loop3A_297 : vector<16xi32> to vector<16xf32>
        %parallel_loop3A_299 = arith.constant 0 : i32
        %parallel_loop3A_300 = arith.index_cast %parallel_loop3A_299 : i32 to index
        %parallel_loop3A_301 = arith.index_cast %parallel_loop3A_289 : i32 to index
        %parallel_loop3A_302 = tpu.vector_load %arg9[%parallel_loop3A_300, %parallel_loop3A_301] {strides = array<i32>} : memref<8x2048xf32, #tpu.memory_space<vmem>>, vector<16xf32>,
        %parallel_loop3A_303 = arith.mulf %parallel_loop3A_302, %parallel_loop3A_294 : vector<16xf32>
        %parallel_loop3A_304 = arith.addf %parallel_loop3A_303, %parallel_loop3A_298 : vector<16xf32>
        %parallel_loop3A_305 = arith.constant 0 : i32
        %parallel_loop3A_306 = arith.index_cast %parallel_loop3A_305 : i32 to index
        %parallel_loop3A_307 = arith.index_cast %parallel_loop3A_289 : i32 to index
        %parallel_loop3A_308 = tpu.vector_load %arg11[%parallel_loop3A_306, %parallel_loop3A_307] {strides = array<i32>} : memref<8x2048xf32, #tpu.memory_space<vmem>>, vector<16xf32>,
        tpu.vector_store %arg11[%parallel_loop3A_306, %parallel_loop3A_307], %parallel_loop3A_304 {strides = array<i32>} : memref<8x2048xf32, #tpu.memory_space<vmem>>, vector<16xf32>,
      } {sc.loop_unroll_factor = 8 : i64, sc.parallel_access}
      %mul3A_181 = arith.constant 8 : i32
      %mul3A_182 = arith.muli %add3A_158, %mul3A_181 : i32
      %add3A_183 = arith.constant 1 : i32
      %add3A_184 = arith.addi %mul3A_182, %add3A_183 : i32
      %broadcast_in_dim3A_185 = vector.broadcast %add3A_184 : i32 to vector<16xi32>
      %gather3A_186 = tpu.vector_load_idx %arg6[%broadcast_in_dim3A_185] : memref<256xi32, #tpu.memory_space<vmem>>[vector<16xi32>], vector<16xi32>,
      %mul3A_187 = arith.constant 2048 : i32
      %mul3A_188 = vector.broadcast %mul3A_187 : i32 to vector<16xi32>
      %mul3A_189 = arith.muli %gather3A_186, %mul3A_188 : vector<16xi32>
      %add3A_190 = arith.addi %mul3A_189, %iota3A : vector<16xi32>
      %parallel_loop3A_191 = arith.constant 0 : i32
      %parallel_loop3A_192 = arith.constant 128 : i32
      %parallel_loop3A_193 = arith.constant 1 : i32
      scf.for %parallel_loop3A_287 = %parallel_loop3A_191 to %parallel_loop3A_192 step %parallel_loop3A_193  : i32 {
        %parallel_loop3A_288 = arith.constant 16 : i32
        %parallel_loop3A_289 = arith.muli %parallel_loop3A_287, %parallel_loop3A_288 : i32
        %parallel_loop3A_290 = vector.broadcast %parallel_loop3A_289 : i32 to vector<16xi32>
        %parallel_loop3A_291 = arith.addi %add3A_190, %parallel_loop3A_290 : vector<16xi32>
        %parallel_loop3A_292 = tpu.vector_load_idx %arg7[%parallel_loop3A_291] : memref<32768xi32, #tpu.memory_space<vmem>>[vector<16xi32>], vector<16xi32>,
        %parallel_loop3A_293 = arith.andi %parallel_loop3A_292, %broadcast_in_dim3A_3 : vector<16xi32>
        %parallel_loop3A_294 = vector.bitcast %parallel_loop3A_293 : vector<16xi32> to vector<16xf32>
        %parallel_loop3A_295 = arith.constant 16 : i32
        %parallel_loop3A_296 = vector.broadcast %parallel_loop3A_295 : i32 to vector<16xi32>
        %parallel_loop3A_297 = arith.shli %parallel_loop3A_292, %parallel_loop3A_296 : vector<16xi32>
        %parallel_loop3A_298 = vector.bitcast %parallel_loop3A_297 : vector<16xi32> to vector<16xf32>
        %parallel_loop3A_299 = arith.constant 1 : i32
        %parallel_loop3A_300 = arith.index_cast %parallel_loop3A_299 : i32 to index
        %parallel_loop3A_301 = arith.index_cast %parallel_loop3A_289 : i32 to index
        %parallel_loop3A_302 = tpu.vector_load %arg9[%parallel_loop3A_300, %parallel_loop3A_301] {strides = array<i32>} : memref<8x2048xf32, #tpu.memory_space<vmem>>, vector<16xf32>,
        %parallel_loop3A_303 = arith.mulf %parallel_loop3A_302, %parallel_loop3A_294 : vector<16xf32>
        %parallel_loop3A_304 = arith.addf %parallel_loop3A_303, %parallel_loop3A_298 : vector<16xf32>
        %parallel_loop3A_305 = arith.constant 1 : i32
        %parallel_loop3A_306 = arith.index_cast %parallel_loop3A_305 : i32 to index
        %parallel_loop3A_307 = arith.index_cast %parallel_loop3A_289 : i32 to index
        %parallel_loop3A_308 = tpu.vector_load %arg11[%parallel_loop3A_306, %parallel_loop3A_307] {strides = array<i32>} : memref<8x2048xf32, #tpu.memory_space<vmem>>, vector<16xf32>,
        tpu.vector_store %arg11[%parallel_loop3A_306, %parallel_loop3A_307], %parallel_loop3A_304 {strides = array<i32>} : memref<8x2048xf32, #tpu.memory_space<vmem>>, vector<16xf32>,
      } {sc.loop_unroll_factor = 8 : i64, sc.parallel_access}
      %mul3A_194 = arith.constant 8 : i32
      %mul3A_195 = arith.muli %add3A_158, %mul3A_194 : i32
      %add3A_196 = arith.constant 2 : i32
      %add3A_197 = arith.addi %mul3A_195, %add3A_196 : i32
      %broadcast_in_dim3A_198 = vector.broadcast %add3A_197 : i32 to vector<16xi32>
      %gather3A_199 = tpu.vector_load_idx %arg6[%broadcast_in_dim3A_198] : memref<256xi32, #tpu.memory_space<vmem>>[vector<16xi32>], vector<16xi32>,
      %mul3A_200 = arith.constant 2048 : i32
      %mul3A_201 = vector.broadcast %mul3A_200 : i32 to vector<16xi32>
      %mul3A_202 = arith.muli %gather3A_199, %mul3A_201 : vector<16xi32>
      %add3A_203 = arith.addi %mul3A_202, %iota3A : vector<16xi32>
      %parallel_loop3A_204 = arith.constant 0 : i32
      %parallel_loop3A_205 = arith.constant 128 : i32
      %parallel_loop3A_206 = arith.constant 1 : i32
      scf.for %parallel_loop3A_287 = %parallel_loop3A_204 to %parallel_loop3A_205 step %parallel_loop3A_206  : i32 {
        %parallel_loop3A_288 = arith.constant 16 : i32
        %parallel_loop3A_289 = arith.muli %parallel_loop3A_287, %parallel_loop3A_288 : i32
        %parallel_loop3A_290 = vector.broadcast %parallel_loop3A_289 : i32 to vector<16xi32>
        %parallel_loop3A_291 = arith.addi %add3A_203, %parallel_loop3A_290 : vector<16xi32>
        %parallel_loop3A_292 = tpu.vector_load_idx %arg7[%parallel_loop3A_291] : memref<32768xi32, #tpu.memory_space<vmem>>[vector<16xi32>], vector<16xi32>,
        %parallel_loop3A_293 = arith.andi %parallel_loop3A_292, %broadcast_in_dim3A_3 : vector<16xi32>
        %parallel_loop3A_294 = vector.bitcast %parallel_loop3A_293 : vector<16xi32> to vector<16xf32>
        %parallel_loop3A_295 = arith.constant 16 : i32
        %parallel_loop3A_296 = vector.broadcast %parallel_loop3A_295 : i32 to vector<16xi32>
        %parallel_loop3A_297 = arith.shli %parallel_loop3A_292, %parallel_loop3A_296 : vector<16xi32>
        %parallel_loop3A_298 = vector.bitcast %parallel_loop3A_297 : vector<16xi32> to vector<16xf32>
        %parallel_loop3A_299 = arith.constant 2 : i32
        %parallel_loop3A_300 = arith.index_cast %parallel_loop3A_299 : i32 to index
        %parallel_loop3A_301 = arith.index_cast %parallel_loop3A_289 : i32 to index
        %parallel_loop3A_302 = tpu.vector_load %arg9[%parallel_loop3A_300, %parallel_loop3A_301] {strides = array<i32>} : memref<8x2048xf32, #tpu.memory_space<vmem>>, vector<16xf32>,
        %parallel_loop3A_303 = arith.mulf %parallel_loop3A_302, %parallel_loop3A_294 : vector<16xf32>
        %parallel_loop3A_304 = arith.addf %parallel_loop3A_303, %parallel_loop3A_298 : vector<16xf32>
        %parallel_loop3A_305 = arith.constant 2 : i32
        %parallel_loop3A_306 = arith.index_cast %parallel_loop3A_305 : i32 to index
        %parallel_loop3A_307 = arith.index_cast %parallel_loop3A_289 : i32 to index
        %parallel_loop3A_308 = tpu.vector_load %arg11[%parallel_loop3A_306, %parallel_loop3A_307] {strides = array<i32>} : memref<8x2048xf32, #tpu.memory_space<vmem>>, vector<16xf32>,
        tpu.vector_store %arg11[%parallel_loop3A_306, %parallel_loop3A_307], %parallel_loop3A_304 {strides = array<i32>} : memref<8x2048xf32, #tpu.memory_space<vmem>>, vector<16xf32>,
      } {sc.loop_unroll_factor = 8 : i64, sc.parallel_access}
      %mul3A_207 = arith.constant 8 : i32
      %mul3A_208 = arith.muli %add3A_158, %mul3A_207 : i32
      %add3A_209 = arith.constant 3 : i32
      %add3A_210 = arith.addi %mul3A_208, %add3A_209 : i32
      %broadcast_in_dim3A_211 = vector.broadcast %add3A_210 : i32 to vector<16xi32>
      %gather3A_212 = tpu.vector_load_idx %arg6[%broadcast_in_dim3A_211] : memref<256xi32, #tpu.memory_space<vmem>>[vector<16xi32>], vector<16xi32>,
      %mul3A_213 = arith.constant 2048 : i32
      %mul3A_214 = vector.broadcast %mul3A_213 : i32 to vector<16xi32>
      %mul3A_215 = arith.muli %gather3A_212, %mul3A_214 : vector<16xi32>
      %add3A_216 = arith.addi %mul3A_215, %iota3A : vector<16xi32>
      %parallel_loop3A_217 = arith.constant 0 : i32
      %parallel_loop3A_218 = arith.constant 128 : i32
      %parallel_loop3A_219 = arith.constant 1 : i32
      scf.for %parallel_loop3A_287 = %parallel_loop3A_217 to %parallel_loop3A_218 step %parallel_loop3A_219  : i32 {
        %parallel_loop3A_288 = arith.constant 16 : i32
        %parallel_loop3A_289 = arith.muli %parallel_loop3A_287, %parallel_loop3A_288 : i32
        %parallel_loop3A_290 = vector.broadcast %parallel_loop3A_289 : i32 to vector<16xi32>
        %parallel_loop3A_291 = arith.addi %add3A_216, %parallel_loop3A_290 : vector<16xi32>
        %parallel_loop3A_292 = tpu.vector_load_idx %arg7[%parallel_loop3A_291] : memref<32768xi32, #tpu.memory_space<vmem>>[vector<16xi32>], vector<16xi32>,
        %parallel_loop3A_293 = arith.andi %parallel_loop3A_292, %broadcast_in_dim3A_3 : vector<16xi32>
        %parallel_loop3A_294 = vector.bitcast %parallel_loop3A_293 : vector<16xi32> to vector<16xf32>
        %parallel_loop3A_295 = arith.constant 16 : i32
        %parallel_loop3A_296 = vector.broadcast %parallel_loop3A_295 : i32 to vector<16xi32>
        %parallel_loop3A_297 = arith.shli %parallel_loop3A_292, %parallel_loop3A_296 : vector<16xi32>
        %parallel_loop3A_298 = vector.bitcast %parallel_loop3A_297 : vector<16xi32> to vector<16xf32>
        %parallel_loop3A_299 = arith.constant 3 : i32
        %parallel_loop3A_300 = arith.index_cast %parallel_loop3A_299 : i32 to index
        %parallel_loop3A_301 = arith.index_cast %parallel_loop3A_289 : i32 to index
        %parallel_loop3A_302 = tpu.vector_load %arg9[%parallel_loop3A_300, %parallel_loop3A_301] {strides = array<i32>} : memref<8x2048xf32, #tpu.memory_space<vmem>>, vector<16xf32>,
        %parallel_loop3A_303 = arith.mulf %parallel_loop3A_302, %parallel_loop3A_294 : vector<16xf32>
        %parallel_loop3A_304 = arith.addf %parallel_loop3A_303, %parallel_loop3A_298 : vector<16xf32>
        %parallel_loop3A_305 = arith.constant 3 : i32
        %parallel_loop3A_306 = arith.index_cast %parallel_loop3A_305 : i32 to index
        %parallel_loop3A_307 = arith.index_cast %parallel_loop3A_289 : i32 to index
        %parallel_loop3A_308 = tpu.vector_load %arg11[%parallel_loop3A_306, %parallel_loop3A_307] {strides = array<i32>} : memref<8x2048xf32, #tpu.memory_space<vmem>>, vector<16xf32>,
        tpu.vector_store %arg11[%parallel_loop3A_306, %parallel_loop3A_307], %parallel_loop3A_304 {strides = array<i32>} : memref<8x2048xf32, #tpu.memory_space<vmem>>, vector<16xf32>,
      } {sc.loop_unroll_factor = 8 : i64, sc.parallel_access}
      %mul3A_220 = arith.constant 8 : i32
      %mul3A_221 = arith.muli %add3A_158, %mul3A_220 : i32
      %add3A_222 = arith.constant 4 : i32
      %add3A_223 = arith.addi %mul3A_221, %add3A_222 : i32
      %broadcast_in_dim3A_224 = vector.broadcast %add3A_223 : i32 to vector<16xi32>
      %gather3A_225 = tpu.vector_load_idx %arg6[%broadcast_in_dim3A_224] : memref<256xi32, #tpu.memory_space<vmem>>[vector<16xi32>], vector<16xi32>,
      %mul3A_226 = arith.constant 2048 : i32
      %mul3A_227 = vector.broadcast %mul3A_226 : i32 to vector<16xi32>
      %mul3A_228 = arith.muli %gather3A_225, %mul3A_227 : vector<16xi32>
      %add3A_229 = arith.addi %mul3A_228, %iota3A : vector<16xi32>
      %parallel_loop3A_230 = arith.constant 0 : i32
      %parallel_loop3A_231 = arith.constant 128 : i32
      %parallel_loop3A_232 = arith.constant 1 : i32
      scf.for %parallel_loop3A_287 = %parallel_loop3A_230 to %parallel_loop3A_231 step %parallel_loop3A_232  : i32 {
        %parallel_loop3A_288 = arith.constant 16 : i32
        %parallel_loop3A_289 = arith.muli %parallel_loop3A_287, %parallel_loop3A_288 : i32
        %parallel_loop3A_290 = vector.broadcast %parallel_loop3A_289 : i32 to vector<16xi32>
        %parallel_loop3A_291 = arith.addi %add3A_229, %parallel_loop3A_290 : vector<16xi32>
        %parallel_loop3A_292 = tpu.vector_load_idx %arg7[%parallel_loop3A_291] : memref<32768xi32, #tpu.memory_space<vmem>>[vector<16xi32>], vector<16xi32>,
        %parallel_loop3A_293 = arith.andi %parallel_loop3A_292, %broadcast_in_dim3A_3 : vector<16xi32>
        %parallel_loop3A_294 = vector.bitcast %parallel_loop3A_293 : vector<16xi32> to vector<16xf32>
        %parallel_loop3A_295 = arith.constant 16 : i32
        %parallel_loop3A_296 = vector.broadcast %parallel_loop3A_295 : i32 to vector<16xi32>
        %parallel_loop3A_297 = arith.shli %parallel_loop3A_292, %parallel_loop3A_296 : vector<16xi32>
        %parallel_loop3A_298 = vector.bitcast %parallel_loop3A_297 : vector<16xi32> to vector<16xf32>
        %parallel_loop3A_299 = arith.constant 4 : i32
        %parallel_loop3A_300 = arith.index_cast %parallel_loop3A_299 : i32 to index
        %parallel_loop3A_301 = arith.index_cast %parallel_loop3A_289 : i32 to index
        %parallel_loop3A_302 = tpu.vector_load %arg9[%parallel_loop3A_300, %parallel_loop3A_301] {strides = array<i32>} : memref<8x2048xf32, #tpu.memory_space<vmem>>, vector<16xf32>,
        %parallel_loop3A_303 = arith.mulf %parallel_loop3A_302, %parallel_loop3A_294 : vector<16xf32>
        %parallel_loop3A_304 = arith.addf %parallel_loop3A_303, %parallel_loop3A_298 : vector<16xf32>
        %parallel_loop3A_305 = arith.constant 4 : i32
        %parallel_loop3A_306 = arith.index_cast %parallel_loop3A_305 : i32 to index
        %parallel_loop3A_307 = arith.index_cast %parallel_loop3A_289 : i32 to index
        %parallel_loop3A_308 = tpu.vector_load %arg11[%parallel_loop3A_306, %parallel_loop3A_307] {strides = array<i32>} : memref<8x2048xf32, #tpu.memory_space<vmem>>, vector<16xf32>,
        tpu.vector_store %arg11[%parallel_loop3A_306, %parallel_loop3A_307], %parallel_loop3A_304 {strides = array<i32>} : memref<8x2048xf32, #tpu.memory_space<vmem>>, vector<16xf32>,
      } {sc.loop_unroll_factor = 8 : i64, sc.parallel_access}
      %mul3A_233 = arith.constant 8 : i32
      %mul3A_234 = arith.muli %add3A_158, %mul3A_233 : i32
      %add3A_235 = arith.constant 5 : i32
      %add3A_236 = arith.addi %mul3A_234, %add3A_235 : i32
      %broadcast_in_dim3A_237 = vector.broadcast %add3A_236 : i32 to vector<16xi32>
      %gather3A_238 = tpu.vector_load_idx %arg6[%broadcast_in_dim3A_237] : memref<256xi32, #tpu.memory_space<vmem>>[vector<16xi32>], vector<16xi32>,
      %mul3A_239 = arith.constant 2048 : i32
      %mul3A_240 = vector.broadcast %mul3A_239 : i32 to vector<16xi32>
      %mul3A_241 = arith.muli %gather3A_238, %mul3A_240 : vector<16xi32>
      %add3A_242 = arith.addi %mul3A_241, %iota3A : vector<16xi32>
      %parallel_loop3A_243 = arith.constant 0 : i32
      %parallel_loop3A_244 = arith.constant 128 : i32
      %parallel_loop3A_245 = arith.constant 1 : i32
      scf.for %parallel_loop3A_287 = %parallel_loop3A_243 to %parallel_loop3A_244 step %parallel_loop3A_245  : i32 {
        %parallel_loop3A_288 = arith.constant 16 : i32
        %parallel_loop3A_289 = arith.muli %parallel_loop3A_287, %parallel_loop3A_288 : i32
        %parallel_loop3A_290 = vector.broadcast %parallel_loop3A_289 : i32 to vector<16xi32>
        %parallel_loop3A_291 = arith.addi %add3A_242, %parallel_loop3A_290 : vector<16xi32>
        %parallel_loop3A_292 = tpu.vector_load_idx %arg7[%parallel_loop3A_291] : memref<32768xi32, #tpu.memory_space<vmem>>[vector<16xi32>], vector<16xi32>,
        %parallel_loop3A_293 = arith.andi %parallel_loop3A_292, %broadcast_in_dim3A_3 : vector<16xi32>
        %parallel_loop3A_294 = vector.bitcast %parallel_loop3A_293 : vector<16xi32> to vector<16xf32>
        %parallel_loop3A_295 = arith.constant 16 : i32
        %parallel_loop3A_296 = vector.broadcast %parallel_loop3A_295 : i32 to vector<16xi32>
        %parallel_loop3A_297 = arith.shli %parallel_loop3A_292, %parallel_loop3A_296 : vector<16xi32>
        %parallel_loop3A_298 = vector.bitcast %parallel_loop3A_297 : vector<16xi32> to vector<16xf32>
        %parallel_loop3A_299 = arith.constant 5 : i32
        %parallel_loop3A_300 = arith.index_cast %parallel_loop3A_299 : i32 to index
        %parallel_loop3A_301 = arith.index_cast %parallel_loop3A_289 : i32 to index
        %parallel_loop3A_302 = tpu.vector_load %arg9[%parallel_loop3A_300, %parallel_loop3A_301] {strides = array<i32>} : memref<8x2048xf32, #tpu.memory_space<vmem>>, vector<16xf32>,
        %parallel_loop3A_303 = arith.mulf %parallel_loop3A_302, %parallel_loop3A_294 : vector<16xf32>
        %parallel_loop3A_304 = arith.addf %parallel_loop3A_303, %parallel_loop3A_298 : vector<16xf32>
        %parallel_loop3A_305 = arith.constant 5 : i32
        %parallel_loop3A_306 = arith.index_cast %parallel_loop3A_305 : i32 to index
        %parallel_loop3A_307 = arith.index_cast %parallel_loop3A_289 : i32 to index
        %parallel_loop3A_308 = tpu.vector_load %arg11[%parallel_loop3A_306, %parallel_loop3A_307] {strides = array<i32>} : memref<8x2048xf32, #tpu.memory_space<vmem>>, vector<16xf32>,
        tpu.vector_store %arg11[%parallel_loop3A_306, %parallel_loop3A_307], %parallel_loop3A_304 {strides = array<i32>} : memref<8x2048xf32, #tpu.memory_space<vmem>>, vector<16xf32>,
      } {sc.loop_unroll_factor = 8 : i64, sc.parallel_access}
      %mul3A_246 = arith.constant 8 : i32
      %mul3A_247 = arith.muli %add3A_158, %mul3A_246 : i32
      %add3A_248 = arith.constant 6 : i32
      %add3A_249 = arith.addi %mul3A_247, %add3A_248 : i32
      %broadcast_in_dim3A_250 = vector.broadcast %add3A_249 : i32 to vector<16xi32>
      %gather3A_251 = tpu.vector_load_idx %arg6[%broadcast_in_dim3A_250] : memref<256xi32, #tpu.memory_space<vmem>>[vector<16xi32>], vector<16xi32>,
      %mul3A_252 = arith.constant 2048 : i32
      %mul3A_253 = vector.broadcast %mul3A_252 : i32 to vector<16xi32>
      %mul3A_254 = arith.muli %gather3A_251, %mul3A_253 : vector<16xi32>
      %add3A_255 = arith.addi %mul3A_254, %iota3A : vector<16xi32>
      %parallel_loop3A_256 = arith.constant 0 : i32
      %parallel_loop3A_257 = arith.constant 128 : i32
      %parallel_loop3A_258 = arith.constant 1 : i32
      scf.for %parallel_loop3A_287 = %parallel_loop3A_256 to %parallel_loop3A_257 step %parallel_loop3A_258  : i32 {
        %parallel_loop3A_288 = arith.constant 16 : i32
        %parallel_loop3A_289 = arith.muli %parallel_loop3A_287, %parallel_loop3A_288 : i32
        %parallel_loop3A_290 = vector.broadcast %parallel_loop3A_289 : i32 to vector<16xi32>
        %parallel_loop3A_291 = arith.addi %add3A_255, %parallel_loop3A_290 : vector<16xi32>
        %parallel_loop3A_292 = tpu.vector_load_idx %arg7[%parallel_loop3A_291] : memref<32768xi32, #tpu.memory_space<vmem>>[vector<16xi32>], vector<16xi32>,
        %parallel_loop3A_293 = arith.andi %parallel_loop3A_292, %broadcast_in_dim3A_3 : vector<16xi32>
        %parallel_loop3A_294 = vector.bitcast %parallel_loop3A_293 : vector<16xi32> to vector<16xf32>
        %parallel_loop3A_295 = arith.constant 16 : i32
        %parallel_loop3A_296 = vector.broadcast %parallel_loop3A_295 : i32 to vector<16xi32>
        %parallel_loop3A_297 = arith.shli %parallel_loop3A_292, %parallel_loop3A_296 : vector<16xi32>
        %parallel_loop3A_298 = vector.bitcast %parallel_loop3A_297 : vector<16xi32> to vector<16xf32>
        %parallel_loop3A_299 = arith.constant 6 : i32
        %parallel_loop3A_300 = arith.index_cast %parallel_loop3A_299 : i32 to index
        %parallel_loop3A_301 = arith.index_cast %parallel_loop3A_289 : i32 to index
        %parallel_loop3A_302 = tpu.vector_load %arg9[%parallel_loop3A_300, %parallel_loop3A_301] {strides = array<i32>} : memref<8x2048xf32, #tpu.memory_space<vmem>>, vector<16xf32>,
        %parallel_loop3A_303 = arith.mulf %parallel_loop3A_302, %parallel_loop3A_294 : vector<16xf32>
        %parallel_loop3A_304 = arith.addf %parallel_loop3A_303, %parallel_loop3A_298 : vector<16xf32>
        %parallel_loop3A_305 = arith.constant 6 : i32
        %parallel_loop3A_306 = arith.index_cast %parallel_loop3A_305 : i32 to index
        %parallel_loop3A_307 = arith.index_cast %parallel_loop3A_289 : i32 to index
        %parallel_loop3A_308 = tpu.vector_load %arg11[%parallel_loop3A_306, %parallel_loop3A_307] {strides = array<i32>} : memref<8x2048xf32, #tpu.memory_space<vmem>>, vector<16xf32>,
        tpu.vector_store %arg11[%parallel_loop3A_306, %parallel_loop3A_307], %parallel_loop3A_304 {strides = array<i32>} : memref<8x2048xf32, #tpu.memory_space<vmem>>, vector<16xf32>,
      } {sc.loop_unroll_factor = 8 : i64, sc.parallel_access}
      %mul3A_259 = arith.constant 8 : i32
      %mul3A_260 = arith.muli %add3A_158, %mul3A_259 : i32
      %add3A_261 = arith.constant 7 : i32
      %add3A_262 = arith.addi %mul3A_260, %add3A_261 : i32
      %broadcast_in_dim3A_263 = vector.broadcast %add3A_262 : i32 to vector<16xi32>
      %gather3A_264 = tpu.vector_load_idx %arg6[%broadcast_in_dim3A_263] : memref<256xi32, #tpu.memory_space<vmem>>[vector<16xi32>], vector<16xi32>,
      %mul3A_265 = arith.constant 2048 : i32
      %mul3A_266 = vector.broadcast %mul3A_265 : i32 to vector<16xi32>
      %mul3A_267 = arith.muli %gather3A_264, %mul3A_266 : vector<16xi32>
      %add3A_268 = arith.addi %mul3A_267, %iota3A : vector<16xi32>
      %parallel_loop3A_269 = arith.constant 0 : i32
      %parallel_loop3A_270 = arith.constant 128 : i32
      %parallel_loop3A_271 = arith.constant 1 : i32
      scf.for %parallel_loop3A_287 = %parallel_loop3A_269 to %parallel_loop3A_270 step %parallel_loop3A_271  : i32 {
        %parallel_loop3A_288 = arith.constant 16 : i32
        %parallel_loop3A_289 = arith.muli %parallel_loop3A_287, %parallel_loop3A_288 : i32
        %parallel_loop3A_290 = vector.broadcast %parallel_loop3A_289 : i32 to vector<16xi32>
        %parallel_loop3A_291 = arith.addi %add3A_268, %parallel_loop3A_290 : vector<16xi32>
        %parallel_loop3A_292 = tpu.vector_load_idx %arg7[%parallel_loop3A_291] : memref<32768xi32, #tpu.memory_space<vmem>>[vector<16xi32>], vector<16xi32>,
        %parallel_loop3A_293 = arith.andi %parallel_loop3A_292, %broadcast_in_dim3A_3 : vector<16xi32>
        %parallel_loop3A_294 = vector.bitcast %parallel_loop3A_293 : vector<16xi32> to vector<16xf32>
        %parallel_loop3A_295 = arith.constant 16 : i32
        %parallel_loop3A_296 = vector.broadcast %parallel_loop3A_295 : i32 to vector<16xi32>
        %parallel_loop3A_297 = arith.shli %parallel_loop3A_292, %parallel_loop3A_296 : vector<16xi32>
        %parallel_loop3A_298 = vector.bitcast %parallel_loop3A_297 : vector<16xi32> to vector<16xf32>
        %parallel_loop3A_299 = arith.constant 7 : i32
        %parallel_loop3A_300 = arith.index_cast %parallel_loop3A_299 : i32 to index
        %parallel_loop3A_301 = arith.index_cast %parallel_loop3A_289 : i32 to index
        %parallel_loop3A_302 = tpu.vector_load %arg9[%parallel_loop3A_300, %parallel_loop3A_301] {strides = array<i32>} : memref<8x2048xf32, #tpu.memory_space<vmem>>, vector<16xf32>,
        %parallel_loop3A_303 = arith.mulf %parallel_loop3A_302, %parallel_loop3A_294 : vector<16xf32>
        %parallel_loop3A_304 = arith.addf %parallel_loop3A_303, %parallel_loop3A_298 : vector<16xf32>
        %parallel_loop3A_305 = arith.constant 7 : i32
        %parallel_loop3A_306 = arith.index_cast %parallel_loop3A_305 : i32 to index
        %parallel_loop3A_307 = arith.index_cast %parallel_loop3A_289 : i32 to index
        %parallel_loop3A_308 = tpu.vector_load %arg11[%parallel_loop3A_306, %parallel_loop3A_307] {strides = array<i32>} : memref<8x2048xf32, #tpu.memory_space<vmem>>, vector<16xf32>,
        tpu.vector_store %arg11[%parallel_loop3A_306, %parallel_loop3A_307], %parallel_loop3A_304 {strides = array<i32>} : memref<8x2048xf32, #tpu.memory_space<vmem>>, vector<16xf32>,
      } {sc.loop_unroll_factor = 8 : i64, sc.parallel_access}
      %mul3A_272 = arith.constant 8 : i32
      %mul3A_273 = arith.muli %add3A_158, %mul3A_272 : i32
      %add3A_274 = arith.addi %mul3A_2, %mul3A_273 : i32
      %dma_start3A_275 = arith.constant 0 : i32
      %dma_start3A_276 = tpu.memref_slice %arg5[%add3A_274, %dma_start3A_275] : memref<8192x2048xf32, #tpu.memory_space<hbm>> -> memref<8x2048xf32, #tpu.memory_space<hbm>>
      %dma_start3A_277 = arith.constant 0 : i32
      %dma_start3A_278 = tpu.memref_slice %arg5[%add3A_274, %dma_start3A_277] : memref<8192x2048xf32, #tpu.memory_space<hbm>> -> memref<8x2048xf32, #tpu.memory_space<hbm>>
      tpu.enqueue_dma source(%arg11 : memref<8x2048xf32, #tpu.memory_space<vmem>>) target(%dma_start3A_278 : memref<8x2048xf32, #tpu.memory_space<hbm>>) target_semaphore(%arg15 : memref<!tpu.dma_semaphore, #tpu.memory_space<semaphore_mem>>)
      %add3A_279 = arith.constant 2 : i32
      %add3A_280 = arith.addi %add3A_158, %add3A_279 : i32
      %lt3A_281 = arith.constant 32 : i32
      %lt3A_282 = arith.cmpi slt, %add3A_280, %lt3A_281 : i32
      %convert_element_type3A_283 = arith.extui %lt3A_282 : i1 to i32
      %cond3A_284 = arith.constant 0 : i32
      %cond3A_285 = arith.cmpi ne, %convert_element_type3A_283, %cond3A_284 : i32
      scf.if %cond3A_285 {
        %add3A_287 = arith.constant 2 : i32
        %add3A_288 = arith.addi %add3A_158, %add3A_287 : i32
        %mul3A_289 = arith.constant 8 : i32
        %mul3A_290 = arith.muli %add3A_288, %mul3A_289 : i32
        %add3A_291 = arith.addi %mul3A_2, %mul3A_290 : i32
        %dma_start3A_292 = arith.constant 0 : i32
        %dma_start3A_293 = tpu.memref_slice %arg2[%add3A_291, %dma_start3A_292] : memref<8192x2048xf32, #tpu.memory_space<hbm>> -> memref<8x2048xf32, #tpu.memory_space<hbm>>
        %dma_start3A_294 = arith.constant 0 : i32
        %dma_start3A_295 = tpu.memref_slice %arg2[%add3A_291, %dma_start3A_294] : memref<8192x2048xf32, #tpu.memory_space<hbm>> -> memref<8x2048xf32, #tpu.memory_space<hbm>>
        tpu.enqueue_dma source(%dma_start3A_295 : memref<8x2048xf32, #tpu.memory_space<hbm>>) target(%arg9 : memref<8x2048xf32, #tpu.memory_space<vmem>>) target_semaphore(%arg13 : memref<!tpu.dma_semaphore, #tpu.memory_space<semaphore_mem>>)
      } else {
      }
      %scan3A_286 = arith.constant 0 : i32
      scf.yield %scan3A_286 : i32
    }
    %scan3A_20 = arith.constant 16 : i32
    %dma_wait3A = arith.constant 0 : i32
    %dma_wait3A_21 = tpu.memref_slice %arg5[%mul3A_2, %dma_wait3A] : memref<8192x2048xf32, #tpu.memory_space<hbm>> -> memref<8x2048xf32, #tpu.memory_space<hbm>>
    %dma_wait3A_22 = arith.constant 0 : i32
    %dma_wait3A_23 = tpu.memref_slice %arg5[%mul3A_2, %dma_wait3A_22] : memref<8192x2048xf32, #tpu.memory_space<hbm>> -> memref<8x2048xf32, #tpu.memory_space<hbm>>
    tpu.wait_dma2 semaphore(%arg14 : memref<!tpu.dma_semaphore, #tpu.memory_space<semaphore_mem>>) src(%arg10 : memref<8x2048xf32, #tpu.memory_space<vmem>>) dst(%dma_wait3A_23 : memref<8x2048xf32, #tpu.memory_space<hbm>>)
    %dma_wait3A_24 = arith.constant 0 : i32
    %dma_wait3A_25 = tpu.memref_slice %arg5[%mul3A_2, %dma_wait3A_24] : memref<8192x2048xf32, #tpu.memory_space<hbm>> -> memref<8x2048xf32, #tpu.memory_space<hbm>>
    %dma_wait3A_26 = arith.constant 0 : i32
    %dma_wait3A_27 = tpu.memref_slice %arg5[%mul3A_2, %dma_wait3A_26] : memref<8192x2048xf32, #tpu.memory_space<hbm>> -> memref<8x2048xf32, #tpu.memory_space<hbm>>
    tpu.wait_dma2 semaphore(%arg15 : memref<!tpu.dma_semaphore, #tpu.memory_space<semaphore_mem>>) src(%arg11 : memref<8x2048xf32, #tpu.memory_space<vmem>>) dst(%dma_wait3A_27 : memref<8x2048xf32, #tpu.memory_space<hbm>>)
    return
  }
}

module attributes {stable_mosaic.version = 14 : i64} {
  func.func @_router_body(%arg0: i32, %arg1: memref<512x2048xf32, #tpu.memory_space<vmem>>, %arg2: memref<2048x1024xf32, #tpu.memory_space<vmem>>, %arg3: memref<1x1024xf32, #tpu.memory_space<vmem>>, %arg4: memref<1024x16xf32, #tpu.memory_space<vmem>>, %arg5: memref<1x16xf32, #tpu.memory_space<vmem>>, %arg6: memref<1x1x512xi32, #tpu.memory_space<vmem>>) attributes {dimension_semantics = [#tpu.dimension_semantics<arbitrary>], iteration_bounds = array<i64: 16>, scalar_prefetch = 0 : i64, scratch_operands = 0 : i64, tpu.core_type = #tpu.core_type<tc>, window_params = [{transform_indices = @transform_0, window_bounds = array<i64: 512, 2048>}, {pipeline_mode = #tpu.pipeline_mode<synchronous>, transform_indices = @transform_1, window_bounds = array<i64: 2048, 1024>}, {pipeline_mode = #tpu.pipeline_mode<synchronous>, transform_indices = @transform_2, window_bounds = array<i64: 1, 1024>}, {pipeline_mode = #tpu.pipeline_mode<synchronous>, transform_indices = @transform_3, window_bounds = array<i64: 1024, 16>}, {pipeline_mode = #tpu.pipeline_mode<synchronous>, transform_indices = @transform_4, window_bounds = array<i64: 1, 16>}, {transform_indices = @transform_5, window_bounds = array<i64: 1, 1, 512>}]} {
    %get3A = arith.constant 0 : index
    %get3A_0 = arith.constant 0 : index
    %get3A_1 = vector.load %arg1[%get3A, %get3A_0] : memref<512x2048xf32, #tpu.memory_space<vmem>>, vector<512x2048xf32>
    %convert_element_type3A = arith.truncf %get3A_1 : vector<512x2048xf32> to vector<512x2048xbf16>
    %get3A_2 = arith.constant 0 : index
    %get3A_3 = arith.constant 0 : index
    %get3A_4 = vector.load %arg2[%get3A_2, %get3A_3] : memref<2048x1024xf32, #tpu.memory_space<vmem>>, vector<2048x1024xf32>
    %convert_element_type3A_5 = arith.truncf %get3A_4 : vector<2048x1024xf32> to vector<2048x1024xbf16>
    %dot_general3A = arith.constant dense<0.000000e+00> : vector<512x1024xf32>
    %dot_general3A_6 = tpu.matmul %convert_element_type3A, %convert_element_type3A_5, %dot_general3A {dimension_numbers = #tpu.dot_dimension_numbers<[1], [0], [0], [1], [0, 0, 1, 1], [], []>, transpose_lhs_hint = false} : vector<512x2048xbf16>, vector<2048x1024xbf16>, vector<512x1024xf32> -> vector<512x1024xf32>
    %get3A_7 = arith.constant 0 : index
    %get3A_8 = arith.constant 0 : index
    %get3A_9 = vector.load %arg3[%get3A_7, %get3A_8] : memref<1x1024xf32, #tpu.memory_space<vmem>>, vector<1x1024xf32>
    %add3A = vector.broadcast %get3A_9 : vector<1x1024xf32> to vector<512x1024xf32>
    %add3A_10 = arith.addf %dot_general3A_6, %add3A : vector<512x1024xf32>
    %max3A = arith.constant 0.000000e+00 : f32
    %max3A_11 = vector.broadcast %max3A : f32 to vector<512x1024xf32>
    %max3A_12 = arith.maximumf %add3A_10, %max3A_11 : vector<512x1024xf32>
    %convert_element_type3A_13 = arith.truncf %max3A_12 : vector<512x1024xf32> to vector<512x1024xbf16>
    %get3A_14 = arith.constant 0 : index
    %get3A_15 = arith.constant 0 : index
    %get3A_16 = vector.load %arg4[%get3A_14, %get3A_15] : memref<1024x16xf32, #tpu.memory_space<vmem>>, vector<1024x16xf32>
    %convert_element_type3A_17 = arith.truncf %get3A_16 : vector<1024x16xf32> to vector<1024x16xbf16>
    %dot_general3A_18 = arith.constant dense<0.000000e+00> : vector<512x16xf32>
    %dot_general3A_19 = tpu.matmul %convert_element_type3A_13, %convert_element_type3A_17, %dot_general3A_18 {dimension_numbers = #tpu.dot_dimension_numbers<[1], [0], [0], [1], [0, 0, 1, 1], [], []>, transpose_lhs_hint = false} : vector<512x1024xbf16>, vector<1024x16xbf16>, vector<512x16xf32> -> vector<512x16xf32>
    %get3A_20 = arith.constant 0 : index
    %get3A_21 = arith.constant 0 : index
    %get3A_22 = vector.load %arg5[%get3A_20, %get3A_21] : memref<1x16xf32, #tpu.memory_space<vmem>>, vector<1x16xf32>
    %add3A_23 = vector.broadcast %get3A_22 : vector<1x16xf32> to vector<512x16xf32>
    %add3A_24 = arith.addf %dot_general3A_19, %add3A_23 : vector<512x16xf32>
    %reduce_max3A = arith.constant dense<0xFF800000> : vector<512xf32>
    %reduce_max3A_25 = vector.multi_reduction <maximumf>, %add3A_24, %reduce_max3A [1] : vector<512x16xf32> to vector<512xf32>
    %broadcast_in_dim3A = vector.shape_cast %reduce_max3A_25 : vector<512xf32> to vector<512x1xf32>
    %iota3A = tpu.iota {dimensions = array<i32: 1>} : vector<512x16xi32>
    %eq3A = vector.broadcast %broadcast_in_dim3A : vector<512x1xf32> to vector<512x16xf32>
    %eq3A_26 = arith.cmpf oeq, %add3A_24, %eq3A : vector<512x16xf32>
    %jit3A = arith.constant 16 : i32
    %broadcast_in_dim3A_27 = vector.broadcast %jit3A : i32 to vector<512x16xi32>
    %select_n3A = arith.select %eq3A_26, %iota3A, %broadcast_in_dim3A_27 : vector<512x16xi1>, vector<512x16xi32>
    %reduce_min3A = arith.constant dense<2147483647> : vector<512xi32>
    %reduce_min3A_28 = vector.multi_reduction <minsi>, %select_n3A, %reduce_min3A [1] : vector<512x16xi32> to vector<512xi32>
    %reshape3A = vector.shape_cast %reduce_min3A_28 : vector<512xi32> to vector<1x1x512xi32>
    %swap3A = arith.constant 0 : index
    %swap3A_29 = arith.constant 0 : index
    %swap3A_30 = arith.constant 0 : index
    %swap3A_31 = vector.load %arg6[%swap3A, %swap3A_29, %swap3A_30] : memref<1x1x512xi32, #tpu.memory_space<vmem>>, vector<1x1x512xi32>
    tpu.vector_store %arg6[%swap3A, %swap3A_29, %swap3A_30], %reshape3A {strides = array<i32>} : memref<1x1x512xi32, #tpu.memory_space<vmem>>, vector<1x1x512xi32>,
    return
  }
  func.func @transform_0(%arg0: i32) -> (i32, i32) {
    %c0_i32 = arith.constant 0 : i32
    %c0_i32_0 = arith.constant 0 : i32
    return %arg0, %c0_i32 : i32, i32
  }
  func.func @transform_1(%arg0: i32) -> (i32, i32) {
    %c0_i32 = arith.constant 0 : i32
    %c0_i32_0 = arith.constant 0 : i32
    %c0_i32_1 = arith.constant 0 : i32
    return %c0_i32, %c0_i32_0 : i32, i32
  }
  func.func @transform_2(%arg0: i32) -> (i32, i32) {
    %c0_i32 = arith.constant 0 : i32
    %c0_i32_0 = arith.constant 0 : i32
    %c0_i32_1 = arith.constant 0 : i32
    return %c0_i32, %c0_i32_0 : i32, i32
  }
  func.func @transform_3(%arg0: i32) -> (i32, i32) {
    %c0_i32 = arith.constant 0 : i32
    %c0_i32_0 = arith.constant 0 : i32
    %c0_i32_1 = arith.constant 0 : i32
    return %c0_i32, %c0_i32_0 : i32, i32
  }
  func.func @transform_4(%arg0: i32) -> (i32, i32) {
    %c0_i32 = arith.constant 0 : i32
    %c0_i32_0 = arith.constant 0 : i32
    %c0_i32_1 = arith.constant 0 : i32
    return %c0_i32, %c0_i32_0 : i32, i32
  }
  func.func @transform_5(%arg0: i32) -> (i32, i32, i32) {
    %c0_i32 = arith.constant 0 : i32
    %c0_i32_0 = arith.constant 0 : i32
    %c0_i32_1 = arith.constant 0 : i32
    return %arg0, %c0_i32, %c0_i32_0 : i32, i32, i32
  }
}

</mosaic_0001>

<sc_bundles>
// kernel: kernel.4.cloned.1.call-start
scs
__scs_entry_jumppad:
0x0: {  	(pc) =	sbr.rel $0x88, $3  }
0x1: {  	(tag) =	ssettag $0x0;
	lr =	simm.s32 $0x1  }
0x2: {  	[smem:$0x3F9A] =	sst lr;
	_ =	strace $0xD0000000  }
0x3: {  	_ = 	snop  }
0x4: {  	_ = 	snop  }
0x5: {  	_ = 	snop  }
0x6: {  	_ = 	snop  }
0x7: {  	_ = 	snop  }
__scs_overlays_trampoline_lowered:
0x8: {  	[smem:$0x3FA9] =	sst s0  }
0x9: {  	[smem:$0x3FAA] =	sst s1  }
0xa: {  	[smem:$0x3FAB] =	sst s2  }
0xb: {  	[smem:$0x3FAC] =	sst s3  }
0xc: {  	[smem:$0x3FAD] =	sst s4  }
0xd: {  	[smem:$0x3FAE] =	sst s5  }
0xe: {  	[smem:$0x3FAF] =	sst s6  }
0xf: {  	[smem:$0x3FB0] =	sst s7  }
0x10: {  	[smem:$0x3FB1] =	sst s8  }
0x11: {  	[smem:$0x3FB2] =	sst s9;
	s0 =	simm.s32 @!p0 $0x0  }
0x12: {  	s1 =	sld [smem:$0x3F98];
	s0 =	simm.s32 @p0 $0x1  }
0x13: {  	[smem:$0x3FB3] =	sst s0;
	s0 =	simm.s32 @!p1 $0x0  }
0x14: {  	s2 =	sld [smem:$0x3F97];
	s0 =	simm.s32 @p1 $0x1  }
0x15: {  	[smem:$0x3FB4] =	sst s0;
	s0 =	simm.s32 @!p2 $0x0  }
0x16: {  	s3 =	sld [smem:$0x3FDB];
	s0 =	simm.s32 @p2 $0x1  }
0x17: {  	s4 =	simm.s32 $0x1BF5;
	[smem:$0x3FB6] =	sst s0  }
0x18: {  	s0 =	sld [smem:$0x3F99];
	_ =	swait.ge [sflag:s4], $0x0  }
0x19: {  	s7 =	sld [smem:$0x3F9A]  }
0x1a: {  	s8 =	sadd.s32 $0xFFFFE003, lr  }
0x1b: {  	s9 =	sadd.s32 $0xFFFFFEF7, lr;
	s5 =	simm.s32 $0xFFFFFFFF;
	p2 =	slt.u32 s8, $0xFFFFF086  }
0x1c: {  	p1 =	slt.u32 s9, $0xF7A;
	s5 =	simm.s32 @!p2 $0x0  }
0x1d: {  	s5 =	simm.s32 @p1 $0x1;
	p0 =	seq.s32 s7, s2  }
0x1e: {  	s7 =	smul.u32 @!p0 $0xF7A, s2;
	p2 =	seq.s32 @!p0 s5, $0x0  }
0x1f: {  	s9 =	smul.u32 $0xF7A, s1;
	s8 =	simm.s32 @!p0 $0x1BF5;
	p2 =	por !p2, p0  }
0x20: {  	[sflag:s8] =	ssyncset.s32 @!p0 $0xFFFFF086;
	s6 =	sadd.s32 @!p0 s3, s7;
	s7 =	simm.s32 @!p0 $0x108  }
0x21: {  	s3 =	sadd.s32 s3, s9;
	s6 =	sadd.s32 @!p0 $0x88, s6;
	s7 =	simm.s32 @p2 $0x1082  }
0x22: {  	[simem:s7], [sflag:s8] =	dma.local @!p0 [hbm:s6], $0xF7A  }
0x23: {  	s9 =	sor.u32 $0xD0000000, s2;
	s6 =	simm.s32 $0x108;
	_ =	swait.ge @!p0 [sflag:s8], $0x0  }
0x24: {  	s3 =	sadd.s32 $0x88, s3;
	s6 =	simm.s32 @!p1 $0x1082;
	[sflag:s4] =	ssyncset.s32 $0xFFFFF086  }
0x25: {  	[simem:s6], [sflag:s4] =	dma.local [hbm:s3], $0xF7A  }
0x26: {  	[smem:$0x3F9A] =	sst s1;
	(tag) =	ssettag s2;
	_ =	strace s9  }
0x27: {  	s1 =	sld [smem:$0x3FAA]  }
0x28: {  	s2 =	sld [smem:$0x3FAB]  }
0x29: {  	s4 =	sld [smem:$0x3FAD]  }
0x2a: {  	p0 =	seq.s32 s5, $0x0;
	s5 =	sld [smem:$0x3FAE]  }
0x2b: {  	s6 =	sld [smem:$0x3FAF]  }
0x2c: {  	s7 =	sld [smem:$0x3FB0]  }
0x2d: {  	s3 =	simm.s32 $0x108;
	s8 =	sld [smem:$0x3FB1]  }
0x2e: {  	s3 =	simm.s32 @!p0 $0x1082;
	s9 =	sld [smem:$0x3FB2]  }
0x2f: {  	lr =	sadd.s32 s0, s3;
	s0 =	sld [smem:$0x3FA9]  }
0x30: {  	s3 =	sld [smem:$0x3FAC]  }
0x31: {  	[smem:$0x3FB5] =	sst s10  }
0x32: {  	s10 =	sld [smem:$0x3FB3];
	_ =	sdelay $0x3  }
0x33: {  	p0 =	seq.s32 s10, $0x1;
	s10 =	sld [smem:$0x3FB5];
	_ =	sdelay $0x3  }
0x34: {  	[smem:$0x3FB5] =	sst s10  }
0x35: {  	s10 =	sld [smem:$0x3FB4];
	_ =	sdelay $0x3  }
0x36: {  	p1 =	seq.s32 s10, $0x1;
	s10 =	sld [smem:$0x3FB5];
	_ =	sdelay $0x3  }
0x37: {  	[smem:$0x3FB5] =	sst s10  }
0x38: {  	s10 =	sld [smem:$0x3FB6]  }
0x39: {  	_ = 	snop;
	(pc) =	sbr.ind lr, $3  }
0x3a: {  	_ = 	snop  }
0x3b: {  	_ = 	snop  }
0x3c: {  	p2 =	seq.s32 s10, $0x1;
	s10 =	sld [smem:$0x3FB5]  }
0x3d: {  	_ =	shalt  }
0x3e: {  	_ =	shalt  }
0x3f: {  	_ =	shalt  }
0x40: {  	_ =	shalt  }
0x41: {  	_ =	shalt  }
0x42: {  	_ =	shalt  }
0x43: {  	_ =	shalt  }
0x44: {  	_ =	shalt  }
0x45: {  	_ =	shalt  }
0x46: {  	_ =	shalt  }
0x47: {  	_ =	shalt  }
0x48: {  	_ =	shalt  }
0x49: {  	_ =	shalt  }
0x4a: {  	_ =	shalt  }
0x4b: {  	_ =	shalt  }
0x4c: {  	_ =	shalt  }
0x4d: {  	_ =	shalt  }
0x4e: {  	_ =	shalt  }
0x4f: {  	_ =	shalt  }
0x50: {  	_ =	shalt  }
0x51: {  	_ =	shalt  }
0x52: {  	_ =	shalt  }
0x53: {  	_ =	shalt  }
0x54: {  	_ =	shalt  }
0x55: {  	_ =	shalt  }
0x56: {  	_ =	shalt  }
0x57: {  	_ =	shalt  }
0x58: {  	_ =	shalt  }
0x59: {  	_ =	shalt  }
0x5a: {  	_ =	shalt  }
0x5b: {  	_ =	shalt  }
0x5c: {  	_ =	shalt  }
0x5d: {  	_ =	shalt  }
0x5e: {  	_ =	shalt  }
0x5f: {  	_ =	shalt  }
0x60: {  	_ =	shalt  }
0x61: {  	_ =	shalt  }
0x62: {  	_ =	shalt  }
0x63: {  	_ =	shalt  }
0x64: {  	_ =	shalt  }
0x65: {  	_ =	shalt  }
0x66: {  	_ =	shalt  }
0x67: {  	_ =	shalt  }
0x68: {  	_ =	shalt  }
0x69: {  	_ =	shalt  }
0x6a: {  	_ =	shalt  }
0x6b: {  	_ =	shalt  }
0x6c: {  	_ =	shalt  }
0x6d: {  	_ =	shalt  }
0x6e: {  	_ =	shalt  }
0x6f: {  	_ =	shalt  }
0x70: {  	_ =	shalt  }
0x71: {  	_ =	shalt  }
0x72: {  	_ =	shalt  }
0x73: {  	_ =	shalt  }
0x74: {  	_ =	shalt  }
0x75: {  	_ =	shalt  }
0x76: {  	_ =	shalt  }
0x77: {  	_ =	shalt  }
0x78: {  	_ =	shalt  }
0x79: {  	_ =	shalt  }
0x7a: {  	_ =	shalt  }
0x7b: {  	_ =	shalt  }
0x7c: {  	_ =	shalt  }
0x7d: {  	_ =	shalt  }
0x7e: {  	_ =	shalt  }
0x7f: {  	_ =	shalt  }
0x80: {  	_ =	shalt  }
0x81: {  	_ =	shalt  }
0x82: {  	_ =	shalt  }
0x83: {  	_ =	shalt  }
0x84: {  	_ =	shalt  }
0x85: {  	_ =	shalt  }
0x86: {  	_ =	shalt  }
0x87: {  	_ =	shalt  }
.Lfunc_end0:
.L_simem_size_0:
called_computation_lowered:
.L_overlay_start_0:
0x88: {  	s2 =	sld [smem:$0x3FD9]  }
0x89: {  	s3 =	sld [smem:$0x3FFE];
	_ =	sdelay $0x1  }
0x8a: {  	s1 =	srdreg.scid  }
0x8b: {  	s0 =	sand.u32 $0x1, s1  }
0x8c: {  	s17 =	sshll.u32 s0, $0xA;
	s2 =	sadd.s32 s3, s2  }
0x8d: {  	s2 =	sadd.s32 s2, s17  }
0x8e: {  	[smem:$0x3FC1] =	sst s2  }
0x8f: {  	_ = 	snop  }
0x90: {  	s2 =	sld [smem:$0x3FC9]  }
0x91: {  	s18 =	sld [smem:$0x3FD0];
	(tm) =	ssettm $0x1  }
0x92: {  	s4 =	sld [smem:$0x3FFB];
	_ =	sdelay $0x3  }
0x93: {  	_ =	strace s4  }
0x94: {  	s4 =	sld [smem:$0x3FFC];
	_ =	sdelay $0x3  }
0x95: {  	_ =	strace s4  }
0x96: {  	s4 =	sld [smem:$0x3FFD];
	_ =	sdelay $0x3  }
0x97: {  	_ =	strace s4  }
0x98: {  	_ =	strace $0x8FFFFFFF  }
0x99: {  	s19 =	sld [smem:$0x3FDB];
	_ =	sdelay $0x1  }
0x9a: {  	s5 =	simm.s32 $_scs_section_size  }
0x9b: {  	s6 =	simm.s32 $_size__tile_overlayer_lowered;
	s7 =	simm.s32 $_tile_overlayer_lowered  }
0x9c: {  	s22 =	simm.s32 $0x1BFF;
	s21 =	sshll.u32 s7, $0x1;
	s4 =	sadd.s32 s5, s19  }
0x9d: {  	s8 =	simm.s32 $0x0;
	s20 =	sshll.u32 s6, $0x1;
	s6 =	sadd.s32 s21, s4  }
0x9e: {  	[timem:s8], [sflag:s22] =	dma.local [hbm:s6], s20  }
0x9f: {  	_ =	swait.ge [sflag:s22], s20  }
0xa0: {  	s5 =	ssub.s32 $0x0, s20;
	[sflag:s22] =	ssyncset.done $0x0  }
0xa1: {  	[sflag:s22] =	ssyncadd.s32 s5;
	_ =	sdelay $0x1  }
0xa2: {  	s23 =	simm.s32 $0x1B8B  }
0xa3: {  	_ =	swait.ge [sflag:s23], $0x1  }
0xa4: {  	[sflag:s23] =	ssyncset.done $0x0  }
0xa5: {  	s25 =	simm.s32 $0x1B8E;
	s24 =	sld [smem:$0x3FFE];
	[sflag:s23] =	ssyncadd.s32 $0xFFFFFFFF  }
0xa6: {  	s26 =	simm.s32 $execute0_lowered;
	[smem:$0x3FD2] =	sst s25  }
0xa7: {  	s6 =	sshll.u32 s26, $0x1;
	_ =	strace $0x80000046;
	[dreg:$0x1] =	wrdreg $0xFFFFFFFF  }
0xa8: {  	s28 =	simm.s32 $_size_execute0_lowered;
	s4 =	sadd.s32 s4, s6;
	[dreg:$0x0] =	wrdreg $0x0  }
0xa9: {  	s6 =	sshll.u32 s28, $0x1;
	[dreg:$0x2] =	wrdreg s4  }
0xaa: {  	[dreg:$0x3] =	wrdreg s6  }
0xab: {  	[dreg:$0x4] =	wrdreg $0xC0  }
0xac: {  	_ =	task [dreg:s8], $0x5FFFF  }
0xad: {  	[dreg:$0x1] =	wrdreg $0xFFFFFFFF  }
0xae: {  	[dreg:$0x0] =	wrdreg $0x60  }
0xaf: {  	[dreg:$0x2] =	wrdreg s2  }
0xb0: {  	[dreg:$0x3] =	wrdreg s24  }
0xb1: {  	[dreg:$0x4] =	wrdreg s18  }
0xb2: {  	[dreg:$0x5] =	wrdreg $0x9  }
0xb3: {  	_ =	task.clear_ibuf [dreg:s8], $0x6FFFF;
	_ =	strace $0x90000046  }
0xb4: {  	s29 =	simm.s32 $0x9;
	_ =	strace $0x80000048  }
0xb5: {  	_ =	swait.ge [sflag:s29], $0x1  }
0xb6: {  	[sflag:s29] =	ssyncadd.s32 $0xFFFFFFFF  }
0xb7: {  	_ =	strace $0x90000048  }
0xb8: {  	_ =	sfence  }
0xb9: {  	s30 =	sld [smem:$0x0];
	_ =	sdelay $0x2  }
0xba: {  	s31 =	sshll.u32 s1, $0xD;
	s1 =	sshrl.u32 s1, $0x2  }
0xbb: {  	s3 =	sand.u32 $0x4000, s31;
	s1 =	sadd.s32 s1, s30  }
0xbc: {  	s0 =	sor.u32 s3, s0;
	s1 =	sshll.u32 s1, $0x11  }
0xbd: {  	s0 =	sor.u32 s1, s0  }
0xbe: {  	s0 =	sadd.s32 $0x8F2B, s0  }
0xbf: {  	[sflag:s0] =	ssyncadd.remote.s32 $0x1  }
0xc0: {  	_ =	sfence.sel $0xFFFF  }
0xc1: {  	[dreg:$0x0] =	wrdreg $0xFFFFFFFF;
	(pc) =	sbr.abs _section_cstart, $3  }
0xc2: {  	[dreg:$0x1] =	wrdreg $0xFFFFFFFF  }
0xc3: {  	_ =	task.clear_ibuf [dreg:s8], $0x2FFFF;
	_ =	strace $0x9FFFFFFF  }
0xc4: {  	(tm) =	ssettm $0x7FFFFFFF  }
0xc5: {  	_ =	shalt  }
tec
execute0_lowered:
.L_overlay_start_1:
0x0: {  	(tag) =	ssettag $0x1  }
0x1: {  	s1 =	rddreg [dreg:$0x0];
	s2 =	srdreg.scid  }
0x2: {  	s6 =	rddreg [dreg:$0x1];
	s0 =	stileid.u32  }
0x3: {  	s3 =	rddreg [dreg:$0x2];
	s4 =	simm.s32 $0x0;
	s13 =	simm.s32 $0x5  }
0x4: {  	s14 =	simm.s32 $0x100;
	s15 =	simm.s32 $0x8100;
	s16 =	simm.s32 $0xC100  }
0x5: {  	s17 =	simm.s32 $0x1;
	s18 =	simm.s32 $0x10100;
	s19 =	simm.s32 $0x2  }
0x6: {  	s20 =	simm.s32 $0x4;
	s21 =	simm.s32 $0x14100;
	s22 =	simm.s32 $0x3  }
0x7: {  	s23 =	simm.s32 $0x0;
	s2 =	sand.u32 $0x1, s2;
	s5 =	sshll.u32 s0, $0x9  }
0x8: {  	[smem:$0x7FF] =	sst s4;
	s29 =	sadd.s32 $0xC00, s6;
	s7 =	sshll.u32 s2, $0x8  }
0x9: {  	_ =	strace $0x80000047;
	s2 =	ssub.s32 $0x2, s2;
	s5 =	sor.u32 s7, s5  }
.Ltmp0:
0xa: {  	[dreg:$0x4] =	wrdreg s29;
	s11 =	sshrl.u32 s5, $0x3;
	(pc) =	sbr.rel .LBB2_1-.Ltmp0, $4  }
0xb: {  	s8 =	sshrl.u32 s2, $0x1;
	s9 =	sshll.u32 s5, $0x8;
	s28 =	sadd.s32 s11, s6  }
0xc: {  	s2 =	ssub.s32 s2, s8;
	s8 =	sadd.s32 s1, s9;
	s30 =	sadd.s32 $0x1C00, s28  }
0xd: {  	s10 =	sor.u32 $0x2, s11;
	s31 =	sadd.s32 $0x800, s8;
	[dreg:$0x5] =	wrdreg s30  }
0xe: {  	v0 =	vlaneseq.u32;
	s11 =	sor.u32 $0x3, s11;
	s12 =	smax.u32 s2, $0x1;
	[dreg:$0x6] =	wrdreg s31  }
.LBB2_40:
0xf: {  	s23 =	sadd.s32 $0x1, s23  }
0x10: {  	_ =	swait.ge [sflag:s22], $0x4000;
	p0 =	sne.s32 s23, s12  }
.Ltmp1:
0x11: {  	[sflag:s22] =	ssyncset.done $0x0;
	(pc) =	sbr.rel @!p0 .LBB2_41-.Ltmp1, $4  }
0x12: {  	[sflag:s22] =	ssyncadd.s32 $0xFFFFC000  }
0x13: {  	_ =	swait.ge [sflag:s20], $0x4000  }
0x14: {  	[sflag:s20] =	ssyncset.done $0x0  }
0x15: {  	[sflag:s20] =	ssyncadd.s32 $0xFFFFC000  }
.LBB2_1:
0x16: {  	s0 =	rddreg [dreg:$0x5]  }
0x17: {  	[tilespmem:s4], [sflag:$0x5] =	stream.linear.gather [hbm4b:s0+s4], $0x100, $0x38;
	[tilespmem:$0x18100] =	vst v63  }
0x18: {  	_ =	swait.ge [sflag:s13], $0x100  }
0x19: {  	[sflag:s13] =	ssyncset.done $0x0  }
0x1a: {  	s30 =	rddreg [dreg:$0x4];
	[sflag:s13] =	ssyncadd.s32 $0xFFFFFF00  }
0x1b: {  	[tilespmem:s14], [sflag:$0x5] =	stream.linear.gather [hbm4b:s30+s4], $0x8000, $0x38;
	[tilespmem:$0x18100] =	vst v63  }
0x1c: {  	_ =	swait.ge [sflag:s13], $0x8000  }
0x1d: {  	[sflag:s13] =	ssyncset.done $0x0  }
0x1e: {  	[sflag:s13] =	ssyncadd.s32 $0xFFFF8000  }
0x1f: {  	[tilespmem:s15], [sflag:$0x1] =	stream.linear.gather [hbm4b:s8+s4], $0x4000, $0x38;
	[tilespmem:$0x18100] =	vst v63  }
0x20: {  	s24 =	simm.s32 $0x0;
	s31 =	rddreg [dreg:$0x6]  }
0x21: {  	[tilespmem:s16], [sflag:$0x2] =	stream.linear.gather [hbm4b:s31+s4], $0x4000, $0x38;
	[tilespmem:$0x18100] =	vst v63  }
.LBB2_2:
0x22: {  	s26 =	sshll.u32 s24, $0x4  }
0x23: {  	v1 =	vmov s26  }
0x24: {  	_ =	swait.ge [sflag:s17], $0x4000;
	v1 =	vbroadcast v1, $0x0  }
0x25: {  	p0 =	seq.s32 s24, $0x0;
	[sflag:s17] =	ssyncset.done $0x0  }
0x26: {  	s2 =	simm.s32 @!p0 $0x3;
	[sflag:s17] =	ssyncadd.s32 $0xFFFFC000  }
0x27: {  	_ =	swait.ge @!p0 [sflag:s2], $0x4000  }
0x28: {  	[sflag:s2] =	ssyncset.done @!p0 $0x0  }
0x29: {  	[sflag:s2] =	ssyncadd.s32 @!p0 $0xFFFFC000  }
0x2a: {  	v1 =	vld.idx.msk [tilespmem:v1+s4+$0x0], $0xffff;
	_ =	sdelay $0x4  }
0x2b: {  	v1 =	vshll.u32 v1, $0xB  }
0x2c: {  	s7 =	simm.s32 $0x0;
	v1 =	vor.u32 v0, v1  }
0x2d: {  	s0 =	simm.s32 $0x70;
	v5 =	vor.u32 s7, v1;
	s7 =	simm.s32 $0x8140  }
0x2e: {  	s25 =	simm.s32 $0x60;
	v2 =	vor.u32 s0, v1;
	v10 =	vld [tilespmem:s7+$0x20]  }
0x2f: {  	s6 =	simm.s32 $0x10;
	v3 =	vor.u32 s25, v1;
	v11 =	vld [tilespmem:s7+$0xFFFFFFC0]  }
0x30: {  	v4 =	vor.u32 s6, v1;
	v17 =	vld [tilespmem:s7+$0xFFFFFFE0]  }
0x31: {  	s0 =	simm.s32 $0x30;
	v18 =	vld [tilespmem:s7+$0xFFFFFFF0]  }
0x32: {  	s6 =	simm.s32 $0x40;
	v7 =	vor.u32 s0, v1;
	v21 =	vld [tilespmem:s7+$0x0]  }
0x33: {  	s9 =	simm.s32 $0x20;
	v8 =	vor.u32 s6, v1;
	v2 =	vld.idx.msk [tilespmem:v2+s14+$0x0], $0xffff  }
0x34: {  	v6 =	vor.u32 s9, v1;
	v3 =	vld.idx.msk [tilespmem:v3+s14+$0x0], $0xffff  }
0x35: {  	v4 =	vld.idx.msk [tilespmem:v4+s14+$0x0], $0xffff  }
0x36: {  	s28 =	simm.s32 $0x50;
	v5 =	vld.idx.msk [tilespmem:v5+s14+$0x0], $0xffff  }
0x37: {  	v9 =	vor.u32 s28, v1;
	s9 =	simm.s32 $0xF0;
	s0 =	simm.s32 $0x90;
	v7 =	vld.idx.msk [tilespmem:v7+s14+$0x0], $0xffff  }
0x38: {  	v16 =	vor.u32 s9, v1;
	s6 =	simm.s32 $0x80;
	s9 =	simm.s32 $0xC0;
	v20 =	vor.u32 s0, v1;
	v8 =	vld.idx.msk [tilespmem:v8+s14+$0x0], $0xffff  }
0x39: {  	v24 =	vor.u32 s6, v1;
	v28 =	vor.u32 s9, v1;
	v6 =	vld.idx.msk [tilespmem:v6+s14+$0x0], $0xffff;
	v12 =	vand.u32 $0xFFFF0000, v2  }
0x3a: {  	s28 =	simm.s32 $0xE0;
	v22 =	vld [tilespmem:s7+$0x10];
	v13 =	vshll.u32 v2, $0x10;
	v14 =	vand.u32 $0xFFFF0000, v3;
	v15 =	vand.u32 $0xFFFF0000, v4  }
0x3b: {  	v2 =	vld [tilespmem:s7+$0xFFFFFFD0];
	v4 =	vshll.u32 v4, $0x10;
	v10 =	vmul.f32 v14, v10;
	v14 =	vor.u32 s28, v1  }
0x3c: {  	v9 =	vld.idx.msk [tilespmem:v9+s14+$0x0], $0xffff;
	v3 =	vshll.u32 v3, $0x10;
	v19 =	vand.u32 $0xFFFF0000, v5;
	v5 =	vshll.u32 v5, $0x10  }
0x3d: {  	v25 =	vld [tilespmem:s7+$0x30];
	s28 =	simm.s32 $0xA0;
	v23 =	vand.u32 $0xFFFF0000, v7;
	v27 =	vand.u32 $0xFFFF0000, v8;
	v11 =	vmul.f32 v19, v11  }
0x3e: {  	v16 =	vld.idx.msk [tilespmem:v16+s14+$0x0], $0xffff;
	s7 =	simm.s32 $0xB0;
	v26 =	vor.u32 s28, v1;
	v3 =	vadd.f32 v3, v10;
	v10 =	vand.u32 $0xFFFF0000, v6  }
0x3f: {  	s29 =	simm.s32 $0xD0;
	v60 =	vld.idx.msk [tilespmem:v20+s14+$0x0], $0xffff;
	v59 =	vor.u32 s7, v1;
	v6 =	vshll.u32 v6, $0x10;
	v10 =	vmul.f32 v10, v17  }
0x40: {  	s28 =	simm.s32 $0x10140;
	v5 =	vadd.f32 v5, v11;
	v2 =	vmul.f32 v15, v2;
	v15 =	vor.u32 s29, v1;
	s29 =	simm.s32 $0x8540;
	v14 =	vld.idx.msk [tilespmem:v14+s14+$0x0], $0xffff  }
0x41: {  	v11 =	vmul.f32 v23, v18;
	[tilespmem:s28+$0x20] =	vst v3;
	v3 =	vand.u32 $0xFFFF0000, v9;
	v61 =	vld [tilespmem:s29+$0x20];
	v6 =	vadd.f32 v6, v10  }
0x42: {  	v62 =	vld.idx.msk [tilespmem:v24+s14+$0x0], $0xffff;
	[tilespmem:s28+$0xFFFFFFC0] =	vst v5;
	v2 =	vadd.f32 v4, v2;
	v4 =	vshll.u32 v7, $0x10;
	v7 =	vmul.f32 v27, v21  }
0x43: {  	v5 =	vshll.u32 v8, $0x10;
	v3 =	vmul.f32 v3, v22;
	v10 =	vld.idx.msk [tilespmem:v26+s14+$0x0], $0xffff;
	v8 =	vadd.f32 v4, v11;
	[tilespmem:s28+$0xFFFFFFE0] =	vst v6  }
0x44: {  	v4 =	vld.idx.msk [tilespmem:v59+s14+$0x0], $0xffff;
	[tilespmem:s28+$0xFFFFFFD0] =	vst v2;
	v2 =	vshll.u32 v9, $0x10;
	v7 =	vadd.f32 v5, v7;
	v5 =	vmul.f32 v12, v25  }
0x45: {  	v6 =	vld.idx.msk [tilespmem:v28+s14+$0x0], $0xffff;
	v9 =	vadd.f32 v2, v3;
	v3 =	vand.u32 $0xFFFF0000, v16;
	[tilespmem:s28+$0xFFFFFFF0] =	vst v8;
	v11 =	vand.u32 $0xFFFF0000, v14  }
0x46: {  	v2 =	vshll.u32 v16, $0x10;
	v63 =	vadd.f32 v13, v5;
	v5 =	vld.idx.msk [tilespmem:v15+s14+$0x0], $0xffff;
	[tilespmem:s28+$0x0] =	vst v7;
	v15 =	vmul.f32 v11, v61  }
0x47: {  	v12 =	vld [tilespmem:s29+$0xFFFFFFD0];
	v8 =	vand.u32 $0xFFFF0000, v60;
	v7 =	vshll.u32 v60, $0x10;
	v14 =	vshll.u32 v14, $0x10;
	[tilespmem:s28+$0x10] =	vst v9  }
0x48: {  	s30 =	simm.s32 $0x8;
	s31 =	simm.s32 $0x170;
	s25 =	sshll.u32 s24, $0x1;
	v13 =	vand.u32 $0xFFFF0000, v62;
	v11 =	vld [tilespmem:s29+$0xFFFFFFC0];
	v9 =	vshll.u32 v62, $0x10;
	[tilespmem:s28+$0x30] =	vst v63;
	v14 =	vadd.f32 v14, v15  }
.LBB2_3:
0x49: {  	s2 =	sadd.s32 $0xFFFFFFF0, s31;
	v15 =	vor.u32 s31, v1;
	s30 =	sadd.s32 $0x8, s30;
	v16 =	vand.u32 $0xFFFF0000, v10;
	v10 =	vshll.u32 v10, $0x10;
	v17 =	vld [tilespmem:s29+$0xFFFFFFE0];
	s28 =	sadd.s32 $0x400, s28  }
0x4a: {  	s0 =	sadd.s32 $0xFFFFFFA0, s31;
	s6 =	sadd.s32 $0xFFFFFFB0, s31;
	v19 =	vand.u32 $0xFFFF0000, v4;
	v18 =	vor.u32 s2, v1;
	p1 =	slt.u32 s30, $0x78;
	v20 =	vld [tilespmem:s29+$0xFFFFFFF0];
	[tilespmem:s28+$0x20] =	vst v14  }
0x4b: {  	v14 =	vor.u32 s0, v1;
	v21 =	vor.u32 s6, v1;
	s0 =	sadd.s32 $0xFFFFFFC0, s31;
	s2 =	sadd.s32 $0xFFFFFFD0, s31;
	s6 =	sadd.s32 $0xFFFFFFE0, s31;
	v22 =	vand.u32 $0xFFFF0000, v6;
	v23 =	vld [tilespmem:s29+$0x0]  }
0x4c: {  	s7 =	sadd.s32 $0xFFFFFF90, s31;
	v24 =	vor.u32 s0, v1;
	v25 =	vor.u32 s2, v1;
	v26 =	vor.u32 s6, v1;
	v27 =	vld [tilespmem:s29+$0x10]  }
0x4d: {  	v28 =	vor.u32 s7, v1;
	v11 =	vmul.f32 v13, v11;
	v13 =	vand.u32 $0xFFFF0000, v5;
	v29 =	vld [tilespmem:s29+$0x30]  }
0x4e: {  	v4 =	vshll.u32 v4, $0x10;
	v8 =	vmul.f32 v8, v12;
	v15 =	vld.idx.msk [tilespmem:v15+s14+$0x0], $0xffff;
	v12 =	vmul.f32 v16, v17  }
0x4f: {  	v6 =	vshll.u32 v6, $0x10;
	v5 =	vshll.u32 v5, $0x10;
	v16 =	vld.idx.msk [tilespmem:v18+s14+$0x0], $0xffff;
	v17 =	vmul.f32 v19, v20  }
0x50: {  	s29 =	sadd.s32 $0x400, s29;
	v9 =	vadd.f32 v9, v11;
	v7 =	vadd.f32 v7, v8;
	v14 =	vld.idx.msk [tilespmem:v14+s14+$0x0], $0xffff;
	v8 =	vmul.f32 v22, v23  }
0x51: {  	v12 =	vadd.f32 v10, v12;
	v11 =	vld [tilespmem:s29+$0x20];
	v17 =	vadd.f32 v4, v17;
	v4 =	vmul.f32 v13, v27  }
0x52: {  	v18 =	vld.idx.msk [tilespmem:v28+s14+$0x0], $0xffff;
	[tilespmem:s28+$0xFFFFFFC0] =	vst v9;
	v9 =	vadd.f32 v6, v8;
	v6 =	vmul.f32 v3, v29  }
0x53: {  	v10 =	vld.idx.msk [tilespmem:v21+s14+$0x0], $0xffff;
	[tilespmem:s28+$0xFFFFFFD0] =	vst v7;
	v13 =	vadd.f32 v5, v4  }
.Ltmp2:
0x54: {  	v3 =	vand.u32 $0xFFFF0000, v15;
	v4 =	vld.idx.msk [tilespmem:v24+s14+$0x0], $0xffff;
	[tilespmem:s28+$0xFFFFFFE0] =	vst v12;
	v19 =	vadd.f32 v2, v6;
	v2 =	vshll.u32 v15, $0x10;
	(pc) =	sbr.rel @p1 .LBB2_3-.Ltmp2, $4  }
0x55: {  	v12 =	vand.u32 $0xFFFF0000, v16;
	v6 =	vld.idx.msk [tilespmem:v25+s14+$0x0], $0xffff;
	[tilespmem:s28+$0xFFFFFFF0] =	vst v17  }
0x56: {  	v8 =	vand.u32 $0xFFFF0000, v14;
	v7 =	vshll.u32 v14, $0x10;
	v5 =	vld.idx.msk [tilespmem:v26+s14+$0x0], $0xffff;
	v14 =	vmul.f32 v12, v11;
	[tilespmem:s28+$0x0] =	vst v9  }
0x57: {  	v15 =	vshll.u32 v16, $0x10;
	v11 =	vld [tilespmem:s29+$0xFFFFFFC0];
	[tilespmem:s28+$0x10] =	vst v13  }
0x58: {  	s31 =	sadd.s32 $0x80, s31;
	v13 =	vand.u32 $0xFFFF0000, v18;
	v9 =	vshll.u32 v18, $0x10;
	v12 =	vld [tilespmem:s29+$0xFFFFFFD0];
	v14 =	vadd.f32 v15, v14;
	[tilespmem:s28+$0x30] =	vst v19  }
0x59: {  	v1 =	vld [tilespmem:s29+$0xFFFFFFE0]  }
0x5a: {  	v15 =	vld [tilespmem:s29+$0xFFFFFFF0]  }
0x5b: {  	v16 =	vand.u32 $0xFFFF0000, v10;
	v10 =	vshll.u32 v10, $0x10;
	v17 =	vld [tilespmem:s29+$0x0]  }
0x5c: {  	v18 =	vand.u32 $0xFFFF0000, v4;
	v21 =	vld [tilespmem:s29+$0x30];
	v4 =	vshll.u32 v4, $0x10;
	v11 =	vmul.f32 v13, v11  }
0x5d: {  	v20 =	vld [tilespmem:s29+$0x10];
	v19 =	vand.u32 $0xFFFF0000, v6;
	v6 =	vshll.u32 v6, $0x10;
	v8 =	vmul.f32 v8, v12  }
0x5e: {  	s0 =	sadd.s32 $0x400, s28;
	s2 =	sor.u32 $0x1, s26;
	v13 =	vand.u32 $0xFFFF0000, v5;
	v1 =	vmul.f32 v16, v1;
	v9 =	vadd.f32 v9, v11  }
0x5f: {  	[tilespmem:s0+$0x20] =	vst v14;
	v12 =	vmul.f32 v18, v15;
	v7 =	vadd.f32 v7, v8;
	v8 =	vmov s2  }
0x60: {  	v11 =	vmul.f32 v19, v17;
	v1 =	vadd.f32 v10, v1;
	[tilespmem:s0+$0xFFFFFFC0] =	vst v9;
	v8 =	vand.u32 $0xFFFFFFF1, v8  }
0x61: {  	v3 =	vmul.f32 v3, v21;
	v4 =	vadd.f32 v4, v12;
	[tilespmem:s0+$0xFFFFFFD0] =	vst v7;
	v7 =	vbroadcast v8, $0x0  }
0x62: {  	v9 =	vmul.f32 v13, v20;
	v6 =	vadd.f32 v6, v11;
	[tilespmem:s0+$0xFFFFFFE0] =	vst v1  }
0x63: {  	v5 =	vshll.u32 v5, $0x10;
	v2 =	vadd.f32 v2, v3;
	[tilespmem:s0+$0xFFFFFFF0] =	vst v4  }
0x64: {  	v1 =	vadd.f32 v5, v9;
	[tilespmem:s0+$0x0] =	vst v6  }
0x65: {  	[tilespmem:s0+$0x30] =	vst v2  }
0x66: {  	[tilespmem:s0+$0x10] =	vst v1  }
0x67: {  	v1 =	vld.idx.msk [tilespmem:v7+s4+$0x0], $0xffff;
	_ =	sdelay $0x4  }
0x68: {  	v1 =	vshll.u32 v1, $0xB  }
0x69: {  	s6 =	simm.s32 $0x70;
	s0 =	simm.s32 $0x81F0;
	v1 =	vor.u32 v0, v1  }
0x6a: {  	s7 =	simm.s32 $0x60;
	v10 =	vld [tilespmem:s0+$0xFFFFFFF0];
	v2 =	vor.u32 s6, v1  }
0x6b: {  	s9 =	simm.s32 $0x10;
	v11 =	vld [tilespmem:s0+$0xFFFFFF90];
	v3 =	vor.u32 s7, v1  }
0x6c: {  	s2 =	simm.s32 $0x0;
	v54 =	vld [tilespmem:s0+$0xFFFFFFB0];
	v4 =	vor.u32 s9, v1  }
0x6d: {  	v55 =	vld [tilespmem:s0+$0xFFFFFFC0];
	v5 =	vor.u32 s2, v1;
	s7 =	simm.s32 $0x30  }
0x6e: {  	v58 =	vld [tilespmem:s0+$0xFFFFFFD0];
	s9 =	simm.s32 $0x40;
	v7 =	vor.u32 s7, v1  }
0x6f: {  	s6 =	simm.s32 $0x20;
	v8 =	vor.u32 s9, v1;
	v2 =	vld.idx.msk [tilespmem:v2+s14+$0x0], $0xffff  }
0x70: {  	v6 =	vor.u32 s6, v1;
	v3 =	vld.idx.msk [tilespmem:v3+s14+$0x0], $0xffff  }
0x71: {  	v4 =	vld.idx.msk [tilespmem:v4+s14+$0x0], $0xffff  }
0x72: {  	s6 =	simm.s32 $0x50;
	v5 =	vld.idx.msk [tilespmem:v5+s14+$0x0], $0xffff  }
0x73: {  	s9 =	simm.s32 $0x90;
	v9 =	vor.u32 s6, v1;
	s6 =	simm.s32 $0xF0;
	v7 =	vld.idx.msk [tilespmem:v7+s14+$0x0], $0xffff  }
0x74: {  	v57 =	vor.u32 s9, v1;
	s9 =	simm.s32 $0xA0;
	v53 =	vor.u32 s6, v1;
	s6 =	simm.s32 $0xB0;
	v8 =	vld.idx.msk [tilespmem:v8+s14+$0x0], $0xffff  }
0x75: {  	v26 =	vor.u32 s9, v1;
	v59 =	vor.u32 s6, v1;
	v6 =	vld.idx.msk [tilespmem:v6+s14+$0x0], $0xffff;
	v12 =	vand.u32 $0xFFFF0000, v2  }
0x76: {  	v22 =	vld [tilespmem:s0+$0xFFFFFFE0];
	s7 =	simm.s32 $0xE0;
	v13 =	vshll.u32 v2, $0x10;
	v14 =	vand.u32 $0xFFFF0000, v3;
	v15 =	vand.u32 $0xFFFF0000, v4  }
0x77: {  	v2 =	vld [tilespmem:s0+$0xFFFFFFA0];
	v4 =	vshll.u32 v4, $0x10;
	v10 =	vmul.f32 v14, v10;
	v14 =	vor.u32 s7, v1  }
0x78: {  	v9 =	vld.idx.msk [tilespmem:v9+s14+$0x0], $0xffff;
	v3 =	vshll.u32 v3, $0x10;
	v56 =	vand.u32 $0xFFFF0000, v5;
	v5 =	vshll.u32 v5, $0x10  }
0x79: {  	s29 =	simm.s32 $0x85F0;
	v25 =	vld [tilespmem:s0+$0x0];
	s7 =	simm.s32 $0x80;
	v23 =	vand.u32 $0xFFFF0000, v7;
	v27 =	vand.u32 $0xFFFF0000, v8;
	v11 =	vmul.f32 v56, v11  }
0x7a: {  	v61 =	vld [tilespmem:s29+$0xFFFFFFF0];
	v24 =	vor.u32 s7, v1;
	s7 =	simm.s32 $0xC0;
	v3 =	vadd.f32 v3, v10;
	v10 =	vand.u32 $0xFFFF0000, v6  }
0x7b: {  	v16 =	vld.idx.msk [tilespmem:v53+s14+$0x0], $0xffff;
	v6 =	vshll.u32 v6, $0x10;
	v28 =	vor.u32 s7, v1;
	v10 =	vmul.f32 v10, v54  }
0x7c: {  	s28 =	simm.s32 $0x101F0;
	s9 =	simm.s32 $0xD0;
	v5 =	vadd.f32 v5, v11;
	v11 =	vmul.f32 v23, v55;
	v2 =	vmul.f32 v15, v2;
	v14 =	vld.idx.msk [tilespmem:v14+s14+$0x0], $0xffff  }
0x7d: {  	v60 =	vld.idx.msk [tilespmem:v57+s14+$0x0], $0xffff;
	v15 =	vor.u32 s9, v1;
	[tilespmem:s28+$0xFFFFFFF0] =	vst v3;
	v3 =	vand.u32 $0xFFFF0000, v9;
	v6 =	vadd.f32 v6, v10  }
0x7e: {  	[tilespmem:s28+$0xFFFFFF90] =	vst v5;
	v10 =	vld.idx.msk [tilespmem:v26+s14+$0x0], $0xffff;
	v2 =	vadd.f32 v4, v2;
	v4 =	vshll.u32 v7, $0x10;
	v7 =	vmul.f32 v27, v58  }
0x7f: {  	v5 =	vshll.u32 v8, $0x10;
	v3 =	vmul.f32 v3, v22;
	v62 =	vld.idx.msk [tilespmem:v24+s14+$0x0], $0xffff;
	v8 =	vadd.f32 v4, v11;
	[tilespmem:s28+$0xFFFFFFB0] =	vst v6  }
0x80: {  	v4 =	vld.idx.msk [tilespmem:v59+s14+$0x0], $0xffff;
	[tilespmem:s28+$0xFFFFFFA0] =	vst v2;
	v2 =	vshll.u32 v9, $0x10;
	v7 =	vadd.f32 v5, v7;
	v5 =	vmul.f32 v12, v25  }
0x81: {  	v6 =	vld.idx.msk [tilespmem:v28+s14+$0x0], $0xffff;
	v9 =	vadd.f32 v2, v3;
	v3 =	vand.u32 $0xFFFF0000, v16;
	[tilespmem:s28+$0xFFFFFFC0] =	vst v8;
	v11 =	vand.u32 $0xFFFF0000, v14  }
0x82: {  	v2 =	vshll.u32 v16, $0x10;
	v63 =	vadd.f32 v13, v5;
	v5 =	vld.idx.msk [tilespmem:v15+s14+$0x0], $0xffff;
	[tilespmem:s28+$0xFFFFFFD0] =	vst v7;
	v15 =	vmul.f32 v11, v61  }
0x83: {  	v12 =	vld [tilespmem:s29+$0xFFFFFFA0];
	v8 =	vand.u32 $0xFFFF0000, v60;
	v7 =	vshll.u32 v60, $0x10;
	v14 =	vshll.u32 v14, $0x10;
	[tilespmem:s28+$0xFFFFFFE0] =	vst v9  }
0x84: {  	s30 =	simm.s32 $0x8;
	s31 =	simm.s32 $0x170;
	v11 =	vld [tilespmem:s29+$0xFFFFFF90];
	v13 =	vand.u32 $0xFFFF0000, v62;
	v9 =	vshll.u32 v62, $0x10;
	[tilespmem:s28+$0x0] =	vst v63;
	v14 =	vadd.f32 v14, v15  }
.LBB2_5:
0x85: {  	s0 =	sadd.s32 $0xFFFFFFF0, s31;
	v15 =	vor.u32 s31, v1;
	s30 =	sadd.s32 $0x8, s30;
	v16 =	vand.u32 $0xFFFF0000, v10;
	v10 =	vshll.u32 v10, $0x10;
	v17 =	vld [tilespmem:s29+$0xFFFFFFB0];
	s28 =	sadd.s32 $0x400, s28  }
0x86: {  	s2 =	sadd.s32 $0xFFFFFFA0, s31;
	s6 =	sadd.s32 $0xFFFFFFB0, s31;
	v19 =	vand.u32 $0xFFFF0000, v4;
	v18 =	vor.u32 s0, v1;
	p1 =	slt.u32 s30, $0x78;
	v20 =	vld [tilespmem:s29+$0xFFFFFFC0];
	[tilespmem:s28+$0xFFFFFFF0] =	vst v14  }
0x87: {  	v14 =	vor.u32 s2, v1;
	v21 =	vor.u32 s6, v1;
	s0 =	sadd.s32 $0xFFFFFFC0, s31;
	s2 =	sadd.s32 $0xFFFFFFD0, s31;
	s6 =	sadd.s32 $0xFFFFFFE0, s31;
	v22 =	vand.u32 $0xFFFF0000, v6;
	v23 =	vld [tilespmem:s29+$0xFFFFFFD0]  }
0x88: {  	s7 =	sadd.s32 $0xFFFFFF90, s31;
	v24 =	vor.u32 s0, v1;
	v25 =	vor.u32 s2, v1;
	v26 =	vor.u32 s6, v1;
	v27 =	vld [tilespmem:s29+$0xFFFFFFE0]  }
0x89: {  	v28 =	vor.u32 s7, v1;
	v11 =	vmul.f32 v13, v11;
	v13 =	vand.u32 $0xFFFF0000, v5;
	v29 =	vld [tilespmem:s29+$0x0]  }
0x8a: {  	v4 =	vshll.u32 v4, $0x10;
	v8 =	vmul.f32 v8, v12;
	v15 =	vld.idx.msk [tilespmem:v15+s14+$0x0], $0xffff;
	v12 =	vmul.f32 v16, v17  }
0x8b: {  	v6 =	vshll.u32 v6, $0x10;
	v5 =	vshll.u32 v5, $0x10;
	v16 =	vld.idx.msk [tilespmem:v18+s14+$0x0], $0xffff;
	v17 =	vmul.f32 v19, v20  }
0x8c: {  	s29 =	sadd.s32 $0x400, s29;
	v9 =	vadd.f32 v9, v11;
	v7 =	vadd.f32 v7, v8;
	v14 =	vld.idx.msk [tilespmem:v14+s14+$0x0], $0xffff;
	v8 =	vmul.f32 v22, v23  }
0x8d: {  	v12 =	vadd.f32 v10, v12;
	v11 =	vld [tilespmem:s29+$0xFFFFFFF0];
	v17 =	vadd.f32 v4, v17;
	v4 =	vmul.f32 v13, v27  }
0x8e: {  	v18 =	vld.idx.msk [tilespmem:v28+s14+$0x0], $0xffff;
	[tilespmem:s28+$0xFFFFFF90] =	vst v9;
	v9 =	vadd.f32 v6, v8;
	v6 =	vmul.f32 v3, v29  }
0x8f: {  	v10 =	vld.idx.msk [tilespmem:v21+s14+$0x0], $0xffff;
	[tilespmem:s28+$0xFFFFFFA0] =	vst v7;
	v13 =	vadd.f32 v5, v4  }
.Ltmp3:
0x90: {  	v3 =	vand.u32 $0xFFFF0000, v15;
	v4 =	vld.idx.msk [tilespmem:v24+s14+$0x0], $0xffff;
	[tilespmem:s28+$0xFFFFFFB0] =	vst v12;
	v19 =	vadd.f32 v2, v6;
	v2 =	vshll.u32 v15, $0x10;
	(pc) =	sbr.rel @p1 .LBB2_5-.Ltmp3, $4  }
0x91: {  	v12 =	vand.u32 $0xFFFF0000, v16;
	v6 =	vld.idx.msk [tilespmem:v25+s14+$0x0], $0xffff;
	[tilespmem:s28+$0xFFFFFFC0] =	vst v17  }
0x92: {  	v8 =	vand.u32 $0xFFFF0000, v14;
	v7 =	vshll.u32 v14, $0x10;
	v5 =	vld.idx.msk [tilespmem:v26+s14+$0x0], $0xffff;
	v14 =	vmul.f32 v12, v11;
	[tilespmem:s28+$0xFFFFFFD0] =	vst v9  }
0x93: {  	v15 =	vshll.u32 v16, $0x10;
	v11 =	vld [tilespmem:s29+$0xFFFFFF90];
	[tilespmem:s28+$0xFFFFFFE0] =	vst v13  }
0x94: {  	s31 =	sadd.s32 $0x80, s31;
	v13 =	vand.u32 $0xFFFF0000, v18;
	v9 =	vshll.u32 v18, $0x10;
	v12 =	vld [tilespmem:s29+$0xFFFFFFA0];
	v14 =	vadd.f32 v15, v14;
	[tilespmem:s28+$0x0] =	vst v19  }
0x95: {  	v1 =	vld [tilespmem:s29+$0xFFFFFFB0]  }
0x96: {  	v15 =	vld [tilespmem:s29+$0xFFFFFFC0]  }
0x97: {  	v16 =	vand.u32 $0xFFFF0000, v10;
	v10 =	vshll.u32 v10, $0x10;
	v17 =	vld [tilespmem:s29+$0xFFFFFFD0]  }
0x98: {  	v18 =	vand.u32 $0xFFFF0000, v4;
	v21 =	vld [tilespmem:s29+$0x0];
	v4 =	vshll.u32 v4, $0x10;
	v11 =	vmul.f32 v13, v11  }
0x99: {  	v20 =	vld [tilespmem:s29+$0xFFFFFFE0];
	v19 =	vand.u32 $0xFFFF0000, v6;
	v6 =	vshll.u32 v6, $0x10;
	v8 =	vmul.f32 v8, v12  }
0x9a: {  	s0 =	sadd.s32 $0x400, s28;
	s2 =	sor.u32 $0x2, s26;
	v13 =	vand.u32 $0xFFFF0000, v5;
	v1 =	vmul.f32 v16, v1;
	v9 =	vadd.f32 v9, v11  }
0x9b: {  	[tilespmem:s0+$0xFFFFFFF0] =	vst v14;
	v12 =	vmul.f32 v18, v15;
	v7 =	vadd.f32 v7, v8;
	v8 =	vmov s2  }
0x9c: {  	v11 =	vmul.f32 v19, v17;
	v1 =	vadd.f32 v10, v1;
	[tilespmem:s0+$0xFFFFFF90] =	vst v9;
	v8 =	vand.u32 $0xFFFFFFF2, v8  }
0x9d: {  	v3 =	vmul.f32 v3, v21;
	v4 =	vadd.f32 v4, v12;
	[tilespmem:s0+$0xFFFFFFA0] =	vst v7;
	v7 =	vbroadcast v8, $0x0  }
0x9e: {  	v9 =	vmul.f32 v13, v20;
	v6 =	vadd.f32 v6, v11;
	[tilespmem:s0+$0xFFFFFFB0] =	vst v1  }
0x9f: {  	v5 =	vshll.u32 v5, $0x10;
	v2 =	vadd.f32 v2, v3;
	[tilespmem:s0+$0xFFFFFFC0] =	vst v4  }
0xa0: {  	v1 =	vadd.f32 v5, v9;
	[tilespmem:s0+$0xFFFFFFD0] =	vst v6  }
0xa1: {  	[tilespmem:s0+$0x0] =	vst v2  }
0xa2: {  	[tilespmem:s0+$0xFFFFFFE0] =	vst v1  }
0xa3: {  	v1 =	vld.idx.msk [tilespmem:v7+s4+$0x0], $0xffff;
	_ =	sdelay $0x4  }
0xa4: {  	v1 =	vshll.u32 v1, $0xB  }
0xa5: {  	s6 =	simm.s32 $0x70;
	s0 =	simm.s32 $0x8270;
	v1 =	vor.u32 v0, v1  }
0xa6: {  	s7 =	simm.s32 $0x60;
	v10 =	vld [tilespmem:s0+$0xFFFFFFF0];
	v2 =	vor.u32 s6, v1  }
0xa7: {  	s9 =	simm.s32 $0x10;
	v11 =	vld [tilespmem:s0+$0xFFFFFF90];
	v3 =	vor.u32 s7, v1  }
0xa8: {  	s2 =	simm.s32 $0x0;
	v54 =	vld [tilespmem:s0+$0xFFFFFFB0];
	v4 =	vor.u32 s9, v1  }
0xa9: {  	v55 =	vld [tilespmem:s0+$0xFFFFFFC0];
	v5 =	vor.u32 s2, v1;
	s7 =	simm.s32 $0x30  }
0xaa: {  	v58 =	vld [tilespmem:s0+$0xFFFFFFD0];
	s9 =	simm.s32 $0x40;
	v7 =	vor.u32 s7, v1  }
0xab: {  	s6 =	simm.s32 $0x20;
	v8 =	vor.u32 s9, v1;
	v2 =	vld.idx.msk [tilespmem:v2+s14+$0x0], $0xffff  }
0xac: {  	v6 =	vor.u32 s6, v1;
	v3 =	vld.idx.msk [tilespmem:v3+s14+$0x0], $0xffff  }
0xad: {  	v4 =	vld.idx.msk [tilespmem:v4+s14+$0x0], $0xffff  }
0xae: {  	s6 =	simm.s32 $0x50;
	v5 =	vld.idx.msk [tilespmem:v5+s14+$0x0], $0xffff  }
0xaf: {  	s9 =	simm.s32 $0x90;
	v9 =	vor.u32 s6, v1;
	s6 =	simm.s32 $0xF0;
	v7 =	vld.idx.msk [tilespmem:v7+s14+$0x0], $0xffff  }
0xb0: {  	v57 =	vor.u32 s9, v1;
	s9 =	simm.s32 $0xA0;
	v53 =	vor.u32 s6, v1;
	s6 =	simm.s32 $0xB0;
	v8 =	vld.idx.msk [tilespmem:v8+s14+$0x0], $0xffff  }
0xb1: {  	v26 =	vor.u32 s9, v1;
	v59 =	vor.u32 s6, v1;
	v6 =	vld.idx.msk [tilespmem:v6+s14+$0x0], $0xffff;
	v12 =	vand.u32 $0xFFFF0000, v2  }
0xb2: {  	v22 =	vld [tilespmem:s0+$0xFFFFFFE0];
	s7 =	simm.s32 $0xE0;
	v13 =	vshll.u32 v2, $0x10;
	v14 =	vand.u32 $0xFFFF0000, v3;
	v15 =	vand.u32 $0xFFFF0000, v4  }
0xb3: {  	v2 =	vld [tilespmem:s0+$0xFFFFFFA0];
	v4 =	vshll.u32 v4, $0x10;
	v10 =	vmul.f32 v14, v10;
	v14 =	vor.u32 s7, v1  }
0xb4: {  	v9 =	vld.idx.msk [tilespmem:v9+s14+$0x0], $0xffff;
	v3 =	vshll.u32 v3, $0x10;
	v56 =	vand.u32 $0xFFFF0000, v5;
	v5 =	vshll.u32 v5, $0x10  }
0xb5: {  	s29 =	simm.s32 $0x8670;
	v25 =	vld [tilespmem:s0+$0x0];
	s7 =	simm.s32 $0x80;
	v23 =	vand.u32 $0xFFFF0000, v7;
	v27 =	vand.u32 $0xFFFF0000, v8;
	v11 =	vmul.f32 v56, v11  }
0xb6: {  	v61 =	vld [tilespmem:s29+$0xFFFFFFF0];
	v24 =	vor.u32 s7, v1;
	s7 =	simm.s32 $0xC0;
	v3 =	vadd.f32 v3, v10;
	v10 =	vand.u32 $0xFFFF0000, v6  }
0xb7: {  	v16 =	vld.idx.msk [tilespmem:v53+s14+$0x0], $0xffff;
	v6 =	vshll.u32 v6, $0x10;
	v28 =	vor.u32 s7, v1;
	v10 =	vmul.f32 v10, v54  }
0xb8: {  	s28 =	simm.s32 $0x10270;
	s9 =	simm.s32 $0xD0;
	v5 =	vadd.f32 v5, v11;
	v11 =	vmul.f32 v23, v55;
	v2 =	vmul.f32 v15, v2;
	v14 =	vld.idx.msk [tilespmem:v14+s14+$0x0], $0xffff  }
0xb9: {  	v60 =	vld.idx.msk [tilespmem:v57+s14+$0x0], $0xffff;
	v15 =	vor.u32 s9, v1;
	[tilespmem:s28+$0xFFFFFFF0] =	vst v3;
	v3 =	vand.u32 $0xFFFF0000, v9;
	v6 =	vadd.f32 v6, v10  }
0xba: {  	[tilespmem:s28+$0xFFFFFF90] =	vst v5;
	v10 =	vld.idx.msk [tilespmem:v26+s14+$0x0], $0xffff;
	v2 =	vadd.f32 v4, v2;
	v4 =	vshll.u32 v7, $0x10;
	v7 =	vmul.f32 v27, v58  }
0xbb: {  	v5 =	vshll.u32 v8, $0x10;
	v3 =	vmul.f32 v3, v22;
	v62 =	vld.idx.msk [tilespmem:v24+s14+$0x0], $0xffff;
	v8 =	vadd.f32 v4, v11;
	[tilespmem:s28+$0xFFFFFFB0] =	vst v6  }
0xbc: {  	v4 =	vld.idx.msk [tilespmem:v59+s14+$0x0], $0xffff;
	[tilespmem:s28+$0xFFFFFFA0] =	vst v2;
	v2 =	vshll.u32 v9, $0x10;
	v7 =	vadd.f32 v5, v7;
	v5 =	vmul.f32 v12, v25  }
0xbd: {  	v6 =	vld.idx.msk [tilespmem:v28+s14+$0x0], $0xffff;
	v9 =	vadd.f32 v2, v3;
	v3 =	vand.u32 $0xFFFF0000, v16;
	[tilespmem:s28+$0xFFFFFFC0] =	vst v8;
	v11 =	vand.u32 $0xFFFF0000, v14  }
0xbe: {  	v2 =	vshll.u32 v16, $0x10;
	v63 =	vadd.f32 v13, v5;
	v5 =	vld.idx.msk [tilespmem:v15+s14+$0x0], $0xffff;
	[tilespmem:s28+$0xFFFFFFD0] =	vst v7;
	v15 =	vmul.f32 v11, v61  }
0xbf: {  	v12 =	vld [tilespmem:s29+$0xFFFFFFA0];
	v8 =	vand.u32 $0xFFFF0000, v60;
	v7 =	vshll.u32 v60, $0x10;
	v14 =	vshll.u32 v14, $0x10;
	[tilespmem:s28+$0xFFFFFFE0] =	vst v9  }
0xc0: {  	s30 =	simm.s32 $0x8;
	s31 =	simm.s32 $0x170;
	v11 =	vld [tilespmem:s29+$0xFFFFFF90];
	v13 =	vand.u32 $0xFFFF0000, v62;
	v9 =	vshll.u32 v62, $0x10;
	[tilespmem:s28+$0x0] =	vst v63;
	v14 =	vadd.f32 v14, v15  }
.LBB2_7:
0xc1: {  	s0 =	sadd.s32 $0xFFFFFFF0, s31;
	v15 =	vor.u32 s31, v1;
	s30 =	sadd.s32 $0x8, s30;
	v16 =	vand.u32 $0xFFFF0000, v10;
	v10 =	vshll.u32 v10, $0x10;
	v17 =	vld [tilespmem:s29+$0xFFFFFFB0];
	s28 =	sadd.s32 $0x400, s28  }
0xc2: {  	s2 =	sadd.s32 $0xFFFFFFA0, s31;
	s6 =	sadd.s32 $0xFFFFFFB0, s31;
	v19 =	vand.u32 $0xFFFF0000, v4;
	v18 =	vor.u32 s0, v1;
	p1 =	slt.u32 s30, $0x78;
	v20 =	vld [tilespmem:s29+$0xFFFFFFC0];
	[tilespmem:s28+$0xFFFFFFF0] =	vst v14  }
0xc3: {  	v14 =	vor.u32 s2, v1;
	v21 =	vor.u32 s6, v1;
	s0 =	sadd.s32 $0xFFFFFFC0, s31;
	s2 =	sadd.s32 $0xFFFFFFD0, s31;
	s6 =	sadd.s32 $0xFFFFFFE0, s31;
	v22 =	vand.u32 $0xFFFF0000, v6;
	v23 =	vld [tilespmem:s29+$0xFFFFFFD0]  }
0xc4: {  	s7 =	sadd.s32 $0xFFFFFF90, s31;
	v24 =	vor.u32 s0, v1;
	v25 =	vor.u32 s2, v1;
	v26 =	vor.u32 s6, v1;
	v27 =	vld [tilespmem:s29+$0xFFFFFFE0]  }
0xc5: {  	v28 =	vor.u32 s7, v1;
	v11 =	vmul.f32 v13, v11;
	v13 =	vand.u32 $0xFFFF0000, v5;
	v29 =	vld [tilespmem:s29+$0x0]  }
0xc6: {  	v4 =	vshll.u32 v4, $0x10;
	v8 =	vmul.f32 v8, v12;
	v15 =	vld.idx.msk [tilespmem:v15+s14+$0x0], $0xffff;
	v12 =	vmul.f32 v16, v17  }
0xc7: {  	v6 =	vshll.u32 v6, $0x10;
	v5 =	vshll.u32 v5, $0x10;
	v16 =	vld.idx.msk [tilespmem:v18+s14+$0x0], $0xffff;
	v17 =	vmul.f32 v19, v20  }
0xc8: {  	s29 =	sadd.s32 $0x400, s29;
	v9 =	vadd.f32 v9, v11;
	v7 =	vadd.f32 v7, v8;
	v14 =	vld.idx.msk [tilespmem:v14+s14+$0x0], $0xffff;
	v8 =	vmul.f32 v22, v23  }
0xc9: {  	v12 =	vadd.f32 v10, v12;
	v11 =	vld [tilespmem:s29+$0xFFFFFFF0];
	v17 =	vadd.f32 v4, v17;
	v4 =	vmul.f32 v13, v27  }
0xca: {  	v18 =	vld.idx.msk [tilespmem:v28+s14+$0x0], $0xffff;
	[tilespmem:s28+$0xFFFFFF90] =	vst v9;
	v9 =	vadd.f32 v6, v8;
	v6 =	vmul.f32 v3, v29  }
0xcb: {  	v10 =	vld.idx.msk [tilespmem:v21+s14+$0x0], $0xffff;
	[tilespmem:s28+$0xFFFFFFA0] =	vst v7;
	v13 =	vadd.f32 v5, v4  }
.Ltmp4:
0xcc: {  	v3 =	vand.u32 $0xFFFF0000, v15;
	v4 =	vld.idx.msk [tilespmem:v24+s14+$0x0], $0xffff;
	[tilespmem:s28+$0xFFFFFFB0] =	vst v12;
	v19 =	vadd.f32 v2, v6;
	v2 =	vshll.u32 v15, $0x10;
	(pc) =	sbr.rel @p1 .LBB2_7-.Ltmp4, $4  }
0xcd: {  	v12 =	vand.u32 $0xFFFF0000, v16;
	v6 =	vld.idx.msk [tilespmem:v25+s14+$0x0], $0xffff;
	[tilespmem:s28+$0xFFFFFFC0] =	vst v17  }
0xce: {  	v8 =	vand.u32 $0xFFFF0000, v14;
	v7 =	vshll.u32 v14, $0x10;
	v5 =	vld.idx.msk [tilespmem:v26+s14+$0x0], $0xffff;
	v14 =	vmul.f32 v12, v11;
	[tilespmem:s28+$0xFFFFFFD0] =	vst v9  }
0xcf: {  	v15 =	vshll.u32 v16, $0x10;
	v11 =	vld [tilespmem:s29+$0xFFFFFF90];
	[tilespmem:s28+$0xFFFFFFE0] =	vst v13  }
0xd0: {  	s31 =	sadd.s32 $0x80, s31;
	v13 =	vand.u32 $0xFFFF0000, v18;
	v9 =	vshll.u32 v18, $0x10;
	v12 =	vld [tilespmem:s29+$0xFFFFFFA0];
	v14 =	vadd.f32 v15, v14;
	[tilespmem:s28+$0x0] =	vst v19  }
0xd1: {  	v1 =	vld [tilespmem:s29+$0xFFFFFFB0]  }
0xd2: {  	v15 =	vld [tilespmem:s29+$0xFFFFFFC0]  }
0xd3: {  	v16 =	vand.u32 $0xFFFF0000, v10;
	v10 =	vshll.u32 v10, $0x10;
	v17 =	vld [tilespmem:s29+$0xFFFFFFD0]  }
0xd4: {  	v18 =	vand.u32 $0xFFFF0000, v4;
	v21 =	vld [tilespmem:s29+$0x0];
	v4 =	vshll.u32 v4, $0x10;
	v11 =	vmul.f32 v13, v11  }
0xd5: {  	v20 =	vld [tilespmem:s29+$0xFFFFFFE0];
	v19 =	vand.u32 $0xFFFF0000, v6;
	v6 =	vshll.u32 v6, $0x10;
	v8 =	vmul.f32 v8, v12  }
0xd6: {  	s0 =	sadd.s32 $0x400, s28;
	s2 =	sor.u32 $0x3, s26;
	v13 =	vand.u32 $0xFFFF0000, v5;
	v1 =	vmul.f32 v16, v1;
	v9 =	vadd.f32 v9, v11  }
0xd7: {  	[tilespmem:s0+$0xFFFFFFF0] =	vst v14;
	v12 =	vmul.f32 v18, v15;
	v7 =	vadd.f32 v7, v8;
	v8 =	vmov s2  }
0xd8: {  	v11 =	vmul.f32 v19, v17;
	v1 =	vadd.f32 v10, v1;
	[tilespmem:s0+$0xFFFFFF90] =	vst v9;
	v8 =	vand.u32 $0xFFFFFFF3, v8  }
0xd9: {  	v3 =	vmul.f32 v3, v21;
	v4 =	vadd.f32 v4, v12;
	[tilespmem:s0+$0xFFFFFFA0] =	vst v7;
	v7 =	vbroadcast v8, $0x0  }
0xda: {  	v9 =	vmul.f32 v13, v20;
	v6 =	vadd.f32 v6, v11;
	[tilespmem:s0+$0xFFFFFFB0] =	vst v1  }
0xdb: {  	v5 =	vshll.u32 v5, $0x10;
	v2 =	vadd.f32 v2, v3;
	[tilespmem:s0+$0xFFFFFFC0] =	vst v4  }
0xdc: {  	v1 =	vadd.f32 v5, v9;
	[tilespmem:s0+$0xFFFFFFD0] =	vst v6  }
0xdd: {  	[tilespmem:s0+$0x0] =	vst v2  }
0xde: {  	[tilespmem:s0+$0xFFFFFFE0] =	vst v1  }
0xdf: {  	v1 =	vld.idx.msk [tilespmem:v7+s4+$0x0], $0xffff;
	_ =	sdelay $0x4  }
0xe0: {  	v1 =	vshll.u32 v1, $0xB  }
0xe1: {  	s6 =	simm.s32 $0x70;
	s0 =	simm.s32 $0x82F0;
	v1 =	vor.u32 v0, v1  }
0xe2: {  	s7 =	simm.s32 $0x60;
	v10 =	vld [tilespmem:s0+$0xFFFFFFF0];
	v2 =	vor.u32 s6, v1  }
0xe3: {  	s9 =	simm.s32 $0x10;
	v11 =	vld [tilespmem:s0+$0xFFFFFF90];
	v3 =	vor.u32 s7, v1  }
0xe4: {  	s2 =	simm.s32 $0x0;
	v54 =	vld [tilespmem:s0+$0xFFFFFFB0];
	v4 =	vor.u32 s9, v1  }
0xe5: {  	v55 =	vld [tilespmem:s0+$0xFFFFFFC0];
	v5 =	vor.u32 s2, v1;
	s7 =	simm.s32 $0x30  }
0xe6: {  	v58 =	vld [tilespmem:s0+$0xFFFFFFD0];
	s9 =	simm.s32 $0x40;
	v7 =	vor.u32 s7, v1  }
0xe7: {  	s6 =	simm.s32 $0x20;
	v8 =	vor.u32 s9, v1;
	v2 =	vld.idx.msk [tilespmem:v2+s14+$0x0], $0xffff  }
0xe8: {  	v6 =	vor.u32 s6, v1;
	v3 =	vld.idx.msk [tilespmem:v3+s14+$0x0], $0xffff  }
0xe9: {  	v4 =	vld.idx.msk [tilespmem:v4+s14+$0x0], $0xffff  }
0xea: {  	s6 =	simm.s32 $0x50;
	v5 =	vld.idx.msk [tilespmem:v5+s14+$0x0], $0xffff  }
0xeb: {  	s9 =	simm.s32 $0x90;
	v9 =	vor.u32 s6, v1;
	s6 =	simm.s32 $0xF0;
	v7 =	vld.idx.msk [tilespmem:v7+s14+$0x0], $0xffff  }
0xec: {  	v57 =	vor.u32 s9, v1;
	s9 =	simm.s32 $0xA0;
	v53 =	vor.u32 s6, v1;
	s6 =	simm.s32 $0xB0;
	v8 =	vld.idx.msk [tilespmem:v8+s14+$0x0], $0xffff  }
0xed: {  	v26 =	vor.u32 s9, v1;
	v59 =	vor.u32 s6, v1;
	v6 =	vld.idx.msk [tilespmem:v6+s14+$0x0], $0xffff;
	v12 =	vand.u32 $0xFFFF0000, v2  }
0xee: {  	v22 =	vld [tilespmem:s0+$0xFFFFFFE0];
	s7 =	simm.s32 $0xE0;
	v13 =	vshll.u32 v2, $0x10;
	v14 =	vand.u32 $0xFFFF0000, v3;
	v15 =	vand.u32 $0xFFFF0000, v4  }
0xef: {  	v2 =	vld [tilespmem:s0+$0xFFFFFFA0];
	v4 =	vshll.u32 v4, $0x10;
	v10 =	vmul.f32 v14, v10;
	v14 =	vor.u32 s7, v1  }
0xf0: {  	v9 =	vld.idx.msk [tilespmem:v9+s14+$0x0], $0xffff;
	v3 =	vshll.u32 v3, $0x10;
	v56 =	vand.u32 $0xFFFF0000, v5;
	v5 =	vshll.u32 v5, $0x10  }
0xf1: {  	s29 =	simm.s32 $0x86F0;
	v25 =	vld [tilespmem:s0+$0x0];
	s7 =	simm.s32 $0x80;
	v23 =	vand.u32 $0xFFFF0000, v7;
	v27 =	vand.u32 $0xFFFF0000, v8;
	v11 =	vmul.f32 v56, v11  }
0xf2: {  	v61 =	vld [tilespmem:s29+$0xFFFFFFF0];
	v24 =	vor.u32 s7, v1;
	s7 =	simm.s32 $0xC0;
	v3 =	vadd.f32 v3, v10;
	v10 =	vand.u32 $0xFFFF0000, v6  }
0xf3: {  	v16 =	vld.idx.msk [tilespmem:v53+s14+$0x0], $0xffff;
	v6 =	vshll.u32 v6, $0x10;
	v28 =	vor.u32 s7, v1;
	v10 =	vmul.f32 v10, v54  }
0xf4: {  	s28 =	simm.s32 $0x102F0;
	s9 =	simm.s32 $0xD0;
	v5 =	vadd.f32 v5, v11;
	v11 =	vmul.f32 v23, v55;
	v2 =	vmul.f32 v15, v2;
	v14 =	vld.idx.msk [tilespmem:v14+s14+$0x0], $0xffff  }
0xf5: {  	v60 =	vld.idx.msk [tilespmem:v57+s14+$0x0], $0xffff;
	v15 =	vor.u32 s9, v1;
	[tilespmem:s28+$0xFFFFFFF0] =	vst v3;
	v3 =	vand.u32 $0xFFFF0000, v9;
	v6 =	vadd.f32 v6, v10  }
0xf6: {  	[tilespmem:s28+$0xFFFFFF90] =	vst v5;
	v10 =	vld.idx.msk [tilespmem:v26+s14+$0x0], $0xffff;
	v2 =	vadd.f32 v4, v2;
	v4 =	vshll.u32 v7, $0x10;
	v7 =	vmul.f32 v27, v58  }
0xf7: {  	v5 =	vshll.u32 v8, $0x10;
	v3 =	vmul.f32 v3, v22;
	v62 =	vld.idx.msk [tilespmem:v24+s14+$0x0], $0xffff;
	v8 =	vadd.f32 v4, v11;
	[tilespmem:s28+$0xFFFFFFB0] =	vst v6  }
0xf8: {  	v4 =	vld.idx.msk [tilespmem:v59+s14+$0x0], $0xffff;
	[tilespmem:s28+$0xFFFFFFA0] =	vst v2;
	v2 =	vshll.u32 v9, $0x10;
	v7 =	vadd.f32 v5, v7;
	v5 =	vmul.f32 v12, v25  }
0xf9: {  	v6 =	vld.idx.msk [tilespmem:v28+s14+$0x0], $0xffff;
	v9 =	vadd.f32 v2, v3;
	v3 =	vand.u32 $0xFFFF0000, v16;
	[tilespmem:s28+$0xFFFFFFC0] =	vst v8;
	v11 =	vand.u32 $0xFFFF0000, v14  }
0xfa: {  	v2 =	vshll.u32 v16, $0x10;
	v63 =	vadd.f32 v13, v5;
	v5 =	vld.idx.msk [tilespmem:v15+s14+$0x0], $0xffff;
	[tilespmem:s28+$0xFFFFFFD0] =	vst v7;
	v15 =	vmul.f32 v11, v61  }
0xfb: {  	v12 =	vld [tilespmem:s29+$0xFFFFFFA0];
	v8 =	vand.u32 $0xFFFF0000, v60;
	v7 =	vshll.u32 v60, $0x10;
	v14 =	vshll.u32 v14, $0x10;
	[tilespmem:s28+$0xFFFFFFE0] =	vst v9  }
0xfc: {  	s30 =	simm.s32 $0x8;
	s31 =	simm.s32 $0x170;
	v11 =	vld [tilespmem:s29+$0xFFFFFF90];
	v13 =	vand.u32 $0xFFFF0000, v62;
	v9 =	vshll.u32 v62, $0x10;
	[tilespmem:s28+$0x0] =	vst v63;
	v14 =	vadd.f32 v14, v15  }
.LBB2_9:
0xfd: {  	s0 =	sadd.s32 $0xFFFFFFF0, s31;
	v15 =	vor.u32 s31, v1;
	s30 =	sadd.s32 $0x8, s30;
	v16 =	vand.u32 $0xFFFF0000, v10;
	v10 =	vshll.u32 v10, $0x10;
	v17 =	vld [tilespmem:s29+$0xFFFFFFB0];
	s28 =	sadd.s32 $0x400, s28  }
0xfe: {  	s2 =	sadd.s32 $0xFFFFFFA0, s31;
	s6 =	sadd.s32 $0xFFFFFFB0, s31;
	v19 =	vand.u32 $0xFFFF0000, v4;
	v18 =	vor.u32 s0, v1;
	p1 =	slt.u32 s30, $0x78;
	v20 =	vld [tilespmem:s29+$0xFFFFFFC0];
	[tilespmem:s28+$0xFFFFFFF0] =	vst v14  }
0xff: {  	v14 =	vor.u32 s2, v1;
	v21 =	vor.u32 s6, v1;
	s0 =	sadd.s32 $0xFFFFFFC0, s31;
	s2 =	sadd.s32 $0xFFFFFFD0, s31;
	s6 =	sadd.s32 $0xFFFFFFE0, s31;
	v22 =	vand.u32 $0xFFFF0000, v6;
	v23 =	vld [tilespmem:s29+$0xFFFFFFD0]  }
0x100: {  	s7 =	sadd.s32 $0xFFFFFF90, s31;
	v24 =	vor.u32 s0, v1;
	v25 =	vor.u32 s2, v1;
	v26 =	vor.u32 s6, v1;
	v27 =	vld [tilespmem:s29+$0xFFFFFFE0]  }
0x101: {  	v28 =	vor.u32 s7, v1;
	v11 =	vmul.f32 v13, v11;
	v13 =	vand.u32 $0xFFFF0000, v5;
	v29 =	vld [tilespmem:s29+$0x0]  }
0x102: {  	v4 =	vshll.u32 v4, $0x10;
	v8 =	vmul.f32 v8, v12;
	v15 =	vld.idx.msk [tilespmem:v15+s14+$0x0], $0xffff;
	v12 =	vmul.f32 v16, v17  }
0x103: {  	v6 =	vshll.u32 v6, $0x10;
	v5 =	vshll.u32 v5, $0x10;
	v16 =	vld.idx.msk [tilespmem:v18+s14+$0x0], $0xffff;
	v17 =	vmul.f32 v19, v20  }
0x104: {  	s29 =	sadd.s32 $0x400, s29;
	v9 =	vadd.f32 v9, v11;
	v7 =	vadd.f32 v7, v8;
	v14 =	vld.idx.msk [tilespmem:v14+s14+$0x0], $0xffff;
	v8 =	vmul.f32 v22, v23  }
0x105: {  	v12 =	vadd.f32 v10, v12;
	v11 =	vld [tilespmem:s29+$0xFFFFFFF0];
	v17 =	vadd.f32 v4, v17;
	v4 =	vmul.f32 v13, v27  }
0x106: {  	v18 =	vld.idx.msk [tilespmem:v28+s14+$0x0], $0xffff;
	[tilespmem:s28+$0xFFFFFF90] =	vst v9;
	v9 =	vadd.f32 v6, v8;
	v6 =	vmul.f32 v3, v29  }
0x107: {  	v10 =	vld.idx.msk [tilespmem:v21+s14+$0x0], $0xffff;
	[tilespmem:s28+$0xFFFFFFA0] =	vst v7;
	v13 =	vadd.f32 v5, v4  }
.Ltmp5:
0x108: {  	v3 =	vand.u32 $0xFFFF0000, v15;
	v4 =	vld.idx.msk [tilespmem:v24+s14+$0x0], $0xffff;
	[tilespmem:s28+$0xFFFFFFB0] =	vst v12;
	v19 =	vadd.f32 v2, v6;
	v2 =	vshll.u32 v15, $0x10;
	(pc) =	sbr.rel @p1 .LBB2_9-.Ltmp5, $4  }
0x109: {  	v12 =	vand.u32 $0xFFFF0000, v16;
	v6 =	vld.idx.msk [tilespmem:v25+s14+$0x0], $0xffff;
	[tilespmem:s28+$0xFFFFFFC0] =	vst v17  }
0x10a: {  	v8 =	vand.u32 $0xFFFF0000, v14;
	v7 =	vshll.u32 v14, $0x10;
	v5 =	vld.idx.msk [tilespmem:v26+s14+$0x0], $0xffff;
	v14 =	vmul.f32 v12, v11;
	[tilespmem:s28+$0xFFFFFFD0] =	vst v9  }
0x10b: {  	v15 =	vshll.u32 v16, $0x10;
	v11 =	vld [tilespmem:s29+$0xFFFFFF90];
	[tilespmem:s28+$0xFFFFFFE0] =	vst v13  }
0x10c: {  	s31 =	sadd.s32 $0x80, s31;
	v13 =	vand.u32 $0xFFFF0000, v18;
	v9 =	vshll.u32 v18, $0x10;
	v12 =	vld [tilespmem:s29+$0xFFFFFFA0];
	v14 =	vadd.f32 v15, v14;
	[tilespmem:s28+$0x0] =	vst v19  }
0x10d: {  	v1 =	vld [tilespmem:s29+$0xFFFFFFB0]  }
0x10e: {  	v15 =	vld [tilespmem:s29+$0xFFFFFFC0]  }
0x10f: {  	v16 =	vand.u32 $0xFFFF0000, v10;
	v10 =	vshll.u32 v10, $0x10;
	v17 =	vld [tilespmem:s29+$0xFFFFFFD0]  }
0x110: {  	v18 =	vand.u32 $0xFFFF0000, v4;
	v21 =	vld [tilespmem:s29+$0x0];
	v4 =	vshll.u32 v4, $0x10;
	v11 =	vmul.f32 v13, v11  }
0x111: {  	v20 =	vld [tilespmem:s29+$0xFFFFFFE0];
	v19 =	vand.u32 $0xFFFF0000, v6;
	v6 =	vshll.u32 v6, $0x10;
	v8 =	vmul.f32 v8, v12  }
0x112: {  	s0 =	sadd.s32 $0x400, s28;
	s2 =	sor.u32 $0x4, s26;
	v13 =	vand.u32 $0xFFFF0000, v5;
	v1 =	vmul.f32 v16, v1;
	v9 =	vadd.f32 v9, v11  }
0x113: {  	[tilespmem:s0+$0xFFFFFFF0] =	vst v14;
	v12 =	vmul.f32 v18, v15;
	v7 =	vadd.f32 v7, v8;
	v8 =	vmov s2  }
0x114: {  	v11 =	vmul.f32 v19, v17;
	v1 =	vadd.f32 v10, v1;
	[tilespmem:s0+$0xFFFFFF90] =	vst v9;
	v8 =	vand.u32 $0xFFFFFFF4, v8  }
0x115: {  	v3 =	vmul.f32 v3, v21;
	v4 =	vadd.f32 v4, v12;
	[tilespmem:s0+$0xFFFFFFA0] =	vst v7;
	v7 =	vbroadcast v8, $0x0  }
0x116: {  	v9 =	vmul.f32 v13, v20;
	v6 =	vadd.f32 v6, v11;
	[tilespmem:s0+$0xFFFFFFB0] =	vst v1  }
0x117: {  	v5 =	vshll.u32 v5, $0x10;
	v2 =	vadd.f32 v2, v3;
	[tilespmem:s0+$0xFFFFFFC0] =	vst v4  }
0x118: {  	v1 =	vadd.f32 v5, v9;
	[tilespmem:s0+$0xFFFFFFD0] =	vst v6  }
0x119: {  	[tilespmem:s0+$0x0] =	vst v2  }
0x11a: {  	[tilespmem:s0+$0xFFFFFFE0] =	vst v1  }
0x11b: {  	v1 =	vld.idx.msk [tilespmem:v7+s4+$0x0], $0xffff;
	_ =	sdelay $0x4  }
0x11c: {  	v1 =	vshll.u32 v1, $0xB  }
0x11d: {  	s6 =	simm.s32 $0x70;
	s0 =	simm.s32 $0x8370;
	v1 =	vor.u32 v0, v1  }
0x11e: {  	s7 =	simm.s32 $0x60;
	v10 =	vld [tilespmem:s0+$0xFFFFFFF0];
	v2 =	vor.u32 s6, v1  }
0x11f: {  	s9 =	simm.s32 $0x10;
	v11 =	vld [tilespmem:s0+$0xFFFFFF90];
	v3 =	vor.u32 s7, v1  }
0x120: {  	s2 =	simm.s32 $0x0;
	v54 =	vld [tilespmem:s0+$0xFFFFFFB0];
	v4 =	vor.u32 s9, v1  }
0x121: {  	v55 =	vld [tilespmem:s0+$0xFFFFFFC0];
	v5 =	vor.u32 s2, v1;
	s7 =	simm.s32 $0x30  }
0x122: {  	v58 =	vld [tilespmem:s0+$0xFFFFFFD0];
	s9 =	simm.s32 $0x40;
	v7 =	vor.u32 s7, v1  }
0x123: {  	s6 =	simm.s32 $0x20;
	v8 =	vor.u32 s9, v1;
	v2 =	vld.idx.msk [tilespmem:v2+s14+$0x0], $0xffff  }
0x124: {  	v6 =	vor.u32 s6, v1;
	v3 =	vld.idx.msk [tilespmem:v3+s14+$0x0], $0xffff  }
0x125: {  	v4 =	vld.idx.msk [tilespmem:v4+s14+$0x0], $0xffff  }
0x126: {  	s6 =	simm.s32 $0x50;
	v5 =	vld.idx.msk [tilespmem:v5+s14+$0x0], $0xffff  }
0x127: {  	s9 =	simm.s32 $0x90;
	v9 =	vor.u32 s6, v1;
	s6 =	simm.s32 $0xF0;
	v7 =	vld.idx.msk [tilespmem:v7+s14+$0x0], $0xffff  }
0x128: {  	v57 =	vor.u32 s9, v1;
	s9 =	simm.s32 $0xA0;
	v53 =	vor.u32 s6, v1;
	s6 =	simm.s32 $0xB0;
	v8 =	vld.idx.msk [tilespmem:v8+s14+$0x0], $0xffff  }
0x129: {  	v26 =	vor.u32 s9, v1;
	v59 =	vor.u32 s6, v1;
	v6 =	vld.idx.msk [tilespmem:v6+s14+$0x0], $0xffff;
	v12 =	vand.u32 $0xFFFF0000, v2  }
0x12a: {  	v22 =	vld [tilespmem:s0+$0xFFFFFFE0];
	s7 =	simm.s32 $0xE0;
	v13 =	vshll.u32 v2, $0x10;
	v14 =	vand.u32 $0xFFFF0000, v3;
	v15 =	vand.u32 $0xFFFF0000, v4  }
0x12b: {  	v2 =	vld [tilespmem:s0+$0xFFFFFFA0];
	v4 =	vshll.u32 v4, $0x10;
	v10 =	vmul.f32 v14, v10;
	v14 =	vor.u32 s7, v1  }
0x12c: {  	v9 =	vld.idx.msk [tilespmem:v9+s14+$0x0], $0xffff;
	v3 =	vshll.u32 v3, $0x10;
	v56 =	vand.u32 $0xFFFF0000, v5;
	v5 =	vshll.u32 v5, $0x10  }
0x12d: {  	s29 =	simm.s32 $0x8770;
	v25 =	vld [tilespmem:s0+$0x0];
	s7 =	simm.s32 $0x80;
	v23 =	vand.u32 $0xFFFF0000, v7;
	v27 =	vand.u32 $0xFFFF0000, v8;
	v11 =	vmul.f32 v56, v11  }
0x12e: {  	v61 =	vld [tilespmem:s29+$0xFFFFFFF0];
	v24 =	vor.u32 s7, v1;
	s7 =	simm.s32 $0xC0;
	v3 =	vadd.f32 v3, v10;
	v10 =	vand.u32 $0xFFFF0000, v6  }
0x12f: {  	v16 =	vld.idx.msk [tilespmem:v53+s14+$0x0], $0xffff;
	v6 =	vshll.u32 v6, $0x10;
	v28 =	vor.u32 s7, v1;
	v10 =	vmul.f32 v10, v54  }
0x130: {  	s28 =	simm.s32 $0x10370;
	s9 =	simm.s32 $0xD0;
	v5 =	vadd.f32 v5, v11;
	v11 =	vmul.f32 v23, v55;
	v2 =	vmul.f32 v15, v2;
	v14 =	vld.idx.msk [tilespmem:v14+s14+$0x0], $0xffff  }
0x131: {  	v60 =	vld.idx.msk [tilespmem:v57+s14+$0x0], $0xffff;
	v15 =	vor.u32 s9, v1;
	[tilespmem:s28+$0xFFFFFFF0] =	vst v3;
	v3 =	vand.u32 $0xFFFF0000, v9;
	v6 =	vadd.f32 v6, v10  }
0x132: {  	[tilespmem:s28+$0xFFFFFF90] =	vst v5;
	v10 =	vld.idx.msk [tilespmem:v26+s14+$0x0], $0xffff;
	v2 =	vadd.f32 v4, v2;
	v4 =	vshll.u32 v7, $0x10;
	v7 =	vmul.f32 v27, v58  }
0x133: {  	v5 =	vshll.u32 v8, $0x10;
	v3 =	vmul.f32 v3, v22;
	v62 =	vld.idx.msk [tilespmem:v24+s14+$0x0], $0xffff;
	v8 =	vadd.f32 v4, v11;
	[tilespmem:s28+$0xFFFFFFB0] =	vst v6  }
0x134: {  	v4 =	vld.idx.msk [tilespmem:v59+s14+$0x0], $0xffff;
	[tilespmem:s28+$0xFFFFFFA0] =	vst v2;
	v2 =	vshll.u32 v9, $0x10;
	v7 =	vadd.f32 v5, v7;
	v5 =	vmul.f32 v12, v25  }
0x135: {  	v6 =	vld.idx.msk [tilespmem:v28+s14+$0x0], $0xffff;
	v9 =	vadd.f32 v2, v3;
	v3 =	vand.u32 $0xFFFF0000, v16;
	[tilespmem:s28+$0xFFFFFFC0] =	vst v8;
	v11 =	vand.u32 $0xFFFF0000, v14  }
0x136: {  	v2 =	vshll.u32 v16, $0x10;
	v63 =	vadd.f32 v13, v5;
	v5 =	vld.idx.msk [tilespmem:v15+s14+$0x0], $0xffff;
	[tilespmem:s28+$0xFFFFFFD0] =	vst v7;
	v15 =	vmul.f32 v11, v61  }
0x137: {  	v12 =	vld [tilespmem:s29+$0xFFFFFFA0];
	v8 =	vand.u32 $0xFFFF0000, v60;
	v7 =	vshll.u32 v60, $0x10;
	v14 =	vshll.u32 v14, $0x10;
	[tilespmem:s28+$0xFFFFFFE0] =	vst v9  }
0x138: {  	s30 =	simm.s32 $0x8;
	s31 =	simm.s32 $0x170;
	v11 =	vld [tilespmem:s29+$0xFFFFFF90];
	v13 =	vand.u32 $0xFFFF0000, v62;
	v9 =	vshll.u32 v62, $0x10;
	[tilespmem:s28+$0x0] =	vst v63;
	v14 =	vadd.f32 v14, v15  }
.LBB2_11:
0x139: {  	s0 =	sadd.s32 $0xFFFFFFF0, s31;
	v15 =	vor.u32 s31, v1;
	s30 =	sadd.s32 $0x8, s30;
	v16 =	vand.u32 $0xFFFF0000, v10;
	v10 =	vshll.u32 v10, $0x10;
	v17 =	vld [tilespmem:s29+$0xFFFFFFB0];
	s28 =	sadd.s32 $0x400, s28  }
0x13a: {  	s2 =	sadd.s32 $0xFFFFFFA0, s31;
	s6 =	sadd.s32 $0xFFFFFFB0, s31;
	v19 =	vand.u32 $0xFFFF0000, v4;
	v18 =	vor.u32 s0, v1;
	p1 =	slt.u32 s30, $0x78;
	v20 =	vld [tilespmem:s29+$0xFFFFFFC0];
	[tilespmem:s28+$0xFFFFFFF0] =	vst v14  }
0x13b: {  	v14 =	vor.u32 s2, v1;
	v21 =	vor.u32 s6, v1;
	s0 =	sadd.s32 $0xFFFFFFC0, s31;
	s2 =	sadd.s32 $0xFFFFFFD0, s31;
	s6 =	sadd.s32 $0xFFFFFFE0, s31;
	v22 =	vand.u32 $0xFFFF0000, v6;
	v23 =	vld [tilespmem:s29+$0xFFFFFFD0]  }
0x13c: {  	s7 =	sadd.s32 $0xFFFFFF90, s31;
	v24 =	vor.u32 s0, v1;
	v25 =	vor.u32 s2, v1;
	v26 =	vor.u32 s6, v1;
	v27 =	vld [tilespmem:s29+$0xFFFFFFE0]  }
0x13d: {  	v28 =	vor.u32 s7, v1;
	v11 =	vmul.f32 v13, v11;
	v13 =	vand.u32 $0xFFFF0000, v5;
	v29 =	vld [tilespmem:s29+$0x0]  }
0x13e: {  	v4 =	vshll.u32 v4, $0x10;
	v8 =	vmul.f32 v8, v12;
	v15 =	vld.idx.msk [tilespmem:v15+s14+$0x0], $0xffff;
	v12 =	vmul.f32 v16, v17  }
0x13f: {  	v6 =	vshll.u32 v6, $0x10;
	v5 =	vshll.u32 v5, $0x10;
	v16 =	vld.idx.msk [tilespmem:v18+s14+$0x0], $0xffff;
	v17 =	vmul.f32 v19, v20  }
0x140: {  	s29 =	sadd.s32 $0x400, s29;
	v9 =	vadd.f32 v9, v11;
	v7 =	vadd.f32 v7, v8;
	v14 =	vld.idx.msk [tilespmem:v14+s14+$0x0], $0xffff;
	v8 =	vmul.f32 v22, v23  }
0x141: {  	v12 =	vadd.f32 v10, v12;
	v11 =	vld [tilespmem:s29+$0xFFFFFFF0];
	v17 =	vadd.f32 v4, v17;
	v4 =	vmul.f32 v13, v27  }
0x142: {  	v18 =	vld.idx.msk [tilespmem:v28+s14+$0x0], $0xffff;
	[tilespmem:s28+$0xFFFFFF90] =	vst v9;
	v9 =	vadd.f32 v6, v8;
	v6 =	vmul.f32 v3, v29  }
0x143: {  	v10 =	vld.idx.msk [tilespmem:v21+s14+$0x0], $0xffff;
	[tilespmem:s28+$0xFFFFFFA0] =	vst v7;
	v13 =	vadd.f32 v5, v4  }
.Ltmp6:
0x144: {  	v3 =	vand.u32 $0xFFFF0000, v15;
	v4 =	vld.idx.msk [tilespmem:v24+s14+$0x0], $0xffff;
	[tilespmem:s28+$0xFFFFFFB0] =	vst v12;
	v19 =	vadd.f32 v2, v6;
	v2 =	vshll.u32 v15, $0x10;
	(pc) =	sbr.rel @p1 .LBB2_11-.Ltmp6, $4  }
0x145: {  	v12 =	vand.u32 $0xFFFF0000, v16;
	v6 =	vld.idx.msk [tilespmem:v25+s14+$0x0], $0xffff;
	[tilespmem:s28+$0xFFFFFFC0] =	vst v17  }
0x146: {  	v8 =	vand.u32 $0xFFFF0000, v14;
	v7 =	vshll.u32 v14, $0x10;
	v5 =	vld.idx.msk [tilespmem:v26+s14+$0x0], $0xffff;
	v14 =	vmul.f32 v12, v11;
	[tilespmem:s28+$0xFFFFFFD0] =	vst v9  }
0x147: {  	v15 =	vshll.u32 v16, $0x10;
	v11 =	vld [tilespmem:s29+$0xFFFFFF90];
	[tilespmem:s28+$0xFFFFFFE0] =	vst v13  }
0x148: {  	s31 =	sadd.s32 $0x80, s31;
	v13 =	vand.u32 $0xFFFF0000, v18;
	v9 =	vshll.u32 v18, $0x10;
	v12 =	vld [tilespmem:s29+$0xFFFFFFA0];
	v14 =	vadd.f32 v15, v14;
	[tilespmem:s28+$0x0] =	vst v19  }
0x149: {  	v1 =	vld [tilespmem:s29+$0xFFFFFFB0]  }
0x14a: {  	v15 =	vld [tilespmem:s29+$0xFFFFFFC0]  }
0x14b: {  	v16 =	vand.u32 $0xFFFF0000, v10;
	v10 =	vshll.u32 v10, $0x10;
	v17 =	vld [tilespmem:s29+$0xFFFFFFD0]  }
0x14c: {  	v18 =	vand.u32 $0xFFFF0000, v4;
	v21 =	vld [tilespmem:s29+$0x0];
	v4 =	vshll.u32 v4, $0x10;
	v11 =	vmul.f32 v13, v11  }
0x14d: {  	v20 =	vld [tilespmem:s29+$0xFFFFFFE0];
	v19 =	vand.u32 $0xFFFF0000, v6;
	v6 =	vshll.u32 v6, $0x10;
	v8 =	vmul.f32 v8, v12  }
0x14e: {  	s0 =	sadd.s32 $0x400, s28;
	s2 =	sor.u32 $0x5, s26;
	v13 =	vand.u32 $0xFFFF0000, v5;
	v1 =	vmul.f32 v16, v1;
	v9 =	vadd.f32 v9, v11  }
0x14f: {  	[tilespmem:s0+$0xFFFFFFF0] =	vst v14;
	v12 =	vmul.f32 v18, v15;
	v7 =	vadd.f32 v7, v8;
	v8 =	vmov s2  }
0x150: {  	v11 =	vmul.f32 v19, v17;
	v1 =	vadd.f32 v10, v1;
	[tilespmem:s0+$0xFFFFFF90] =	vst v9;
	v8 =	vand.u32 $0xFFFFFFF5, v8  }
0x151: {  	v3 =	vmul.f32 v3, v21;
	v4 =	vadd.f32 v4, v12;
	[tilespmem:s0+$0xFFFFFFA0] =	vst v7;
	v7 =	vbroadcast v8, $0x0  }
0x152: {  	v9 =	vmul.f32 v13, v20;
	v6 =	vadd.f32 v6, v11;
	[tilespmem:s0+$0xFFFFFFB0] =	vst v1  }
0x153: {  	v5 =	vshll.u32 v5, $0x10;
	v2 =	vadd.f32 v2, v3;
	[tilespmem:s0+$0xFFFFFFC0] =	vst v4  }
0x154: {  	v1 =	vadd.f32 v5, v9;
	[tilespmem:s0+$0xFFFFFFD0] =	vst v6  }
0x155: {  	[tilespmem:s0+$0x0] =	vst v2  }
0x156: {  	[tilespmem:s0+$0xFFFFFFE0] =	vst v1  }
0x157: {  	v1 =	vld.idx.msk [tilespmem:v7+s4+$0x0], $0xffff;
	_ =	sdelay $0x4  }
0x158: {  	v1 =	vshll.u32 v1, $0xB  }
0x159: {  	s6 =	simm.s32 $0x70;
	s0 =	simm.s32 $0x83F0;
	v1 =	vor.u32 v0, v1  }
0x15a: {  	s7 =	simm.s32 $0x60;
	v10 =	vld [tilespmem:s0+$0xFFFFFFF0];
	v2 =	vor.u32 s6, v1  }
0x15b: {  	s9 =	simm.s32 $0x10;
	v11 =	vld [tilespmem:s0+$0xFFFFFF90];
	v3 =	vor.u32 s7, v1  }
0x15c: {  	s2 =	simm.s32 $0x0;
	v54 =	vld [tilespmem:s0+$0xFFFFFFB0];
	v4 =	vor.u32 s9, v1  }
0x15d: {  	v55 =	vld [tilespmem:s0+$0xFFFFFFC0];
	v5 =	vor.u32 s2, v1;
	s7 =	simm.s32 $0x30  }
0x15e: {  	v58 =	vld [tilespmem:s0+$0xFFFFFFD0];
	s9 =	simm.s32 $0x40;
	v7 =	vor.u32 s7, v1  }
0x15f: {  	s6 =	simm.s32 $0x20;
	v8 =	vor.u32 s9, v1;
	v2 =	vld.idx.msk [tilespmem:v2+s14+$0x0], $0xffff  }
0x160: {  	v6 =	vor.u32 s6, v1;
	v3 =	vld.idx.msk [tilespmem:v3+s14+$0x0], $0xffff  }
0x161: {  	v4 =	vld.idx.msk [tilespmem:v4+s14+$0x0], $0xffff  }
0x162: {  	s6 =	simm.s32 $0x50;
	v5 =	vld.idx.msk [tilespmem:v5+s14+$0x0], $0xffff  }
0x163: {  	s9 =	simm.s32 $0x90;
	v9 =	vor.u32 s6, v1;
	s6 =	simm.s32 $0xF0;
	v7 =	vld.idx.msk [tilespmem:v7+s14+$0x0], $0xffff  }
0x164: {  	v57 =	vor.u32 s9, v1;
	s9 =	simm.s32 $0xA0;
	v53 =	vor.u32 s6, v1;
	s6 =	simm.s32 $0xB0;
	v8 =	vld.idx.msk [tilespmem:v8+s14+$0x0], $0xffff  }
0x165: {  	v26 =	vor.u32 s9, v1;
	v59 =	vor.u32 s6, v1;
	v6 =	vld.idx.msk [tilespmem:v6+s14+$0x0], $0xffff;
	v12 =	vand.u32 $0xFFFF0000, v2  }
0x166: {  	v22 =	vld [tilespmem:s0+$0xFFFFFFE0];
	s7 =	simm.s32 $0xE0;
	v13 =	vshll.u32 v2, $0x10;
	v14 =	vand.u32 $0xFFFF0000, v3;
	v15 =	vand.u32 $0xFFFF0000, v4  }
0x167: {  	v2 =	vld [tilespmem:s0+$0xFFFFFFA0];
	v4 =	vshll.u32 v4, $0x10;
	v10 =	vmul.f32 v14, v10;
	v14 =	vor.u32 s7, v1  }
0x168: {  	v9 =	vld.idx.msk [tilespmem:v9+s14+$0x0], $0xffff;
	v3 =	vshll.u32 v3, $0x10;
	v56 =	vand.u32 $0xFFFF0000, v5;
	v5 =	vshll.u32 v5, $0x10  }
0x169: {  	s29 =	simm.s32 $0x87F0;
	v25 =	vld [tilespmem:s0+$0x0];
	s7 =	simm.s32 $0x80;
	v23 =	vand.u32 $0xFFFF0000, v7;
	v27 =	vand.u32 $0xFFFF0000, v8;
	v11 =	vmul.f32 v56, v11  }
0x16a: {  	v61 =	vld [tilespmem:s29+$0xFFFFFFF0];
	v24 =	vor.u32 s7, v1;
	s7 =	simm.s32 $0xC0;
	v3 =	vadd.f32 v3, v10;
	v10 =	vand.u32 $0xFFFF0000, v6  }
0x16b: {  	v16 =	vld.idx.msk [tilespmem:v53+s14+$0x0], $0xffff;
	v6 =	vshll.u32 v6, $0x10;
	v28 =	vor.u32 s7, v1;
	v10 =	vmul.f32 v10, v54  }
0x16c: {  	s28 =	simm.s32 $0x103F0;
	s9 =	simm.s32 $0xD0;
	v5 =	vadd.f32 v5, v11;
	v11 =	vmul.f32 v23, v55;
	v2 =	vmul.f32 v15, v2;
	v14 =	vld.idx.msk [tilespmem:v14+s14+$0x0], $0xffff  }
0x16d: {  	v60 =	vld.idx.msk [tilespmem:v57+s14+$0x0], $0xffff;
	v15 =	vor.u32 s9, v1;
	[tilespmem:s28+$0xFFFFFFF0] =	vst v3;
	v3 =	vand.u32 $0xFFFF0000, v9;
	v6 =	vadd.f32 v6, v10  }
0x16e: {  	[tilespmem:s28+$0xFFFFFF90] =	vst v5;
	v10 =	vld.idx.msk [tilespmem:v26+s14+$0x0], $0xffff;
	v2 =	vadd.f32 v4, v2;
	v4 =	vshll.u32 v7, $0x10;
	v7 =	vmul.f32 v27, v58  }
0x16f: {  	v5 =	vshll.u32 v8, $0x10;
	v3 =	vmul.f32 v3, v22;
	v62 =	vld.idx.msk [tilespmem:v24+s14+$0x0], $0xffff;
	v8 =	vadd.f32 v4, v11;
	[tilespmem:s28+$0xFFFFFFB0] =	vst v6  }
0x170: {  	v4 =	vld.idx.msk [tilespmem:v59+s14+$0x0], $0xffff;
	[tilespmem:s28+$0xFFFFFFA0] =	vst v2;
	v2 =	vshll.u32 v9, $0x10;
	v7 =	vadd.f32 v5, v7;
	v5 =	vmul.f32 v12, v25  }
0x171: {  	v6 =	vld.idx.msk [tilespmem:v28+s14+$0x0], $0xffff;
	v9 =	vadd.f32 v2, v3;
	v3 =	vand.u32 $0xFFFF0000, v16;
	[tilespmem:s28+$0xFFFFFFC0] =	vst v8;
	v11 =	vand.u32 $0xFFFF0000, v14  }
0x172: {  	v2 =	vshll.u32 v16, $0x10;
	v63 =	vadd.f32 v13, v5;
	v5 =	vld.idx.msk [tilespmem:v15+s14+$0x0], $0xffff;
	[tilespmem:s28+$0xFFFFFFD0] =	vst v7;
	v15 =	vmul.f32 v11, v61  }
0x173: {  	v12 =	vld [tilespmem:s29+$0xFFFFFFA0];
	v8 =	vand.u32 $0xFFFF0000, v60;
	v7 =	vshll.u32 v60, $0x10;
	v14 =	vshll.u32 v14, $0x10;
	[tilespmem:s28+$0xFFFFFFE0] =	vst v9  }
0x174: {  	s30 =	simm.s32 $0x8;
	s31 =	simm.s32 $0x170;
	v11 =	vld [tilespmem:s29+$0xFFFFFF90];
	v13 =	vand.u32 $0xFFFF0000, v62;
	v9 =	vshll.u32 v62, $0x10;
	[tilespmem:s28+$0x0] =	vst v63;
	v14 =	vadd.f32 v14, v15  }
.LBB2_13:
0x175: {  	s0 =	sadd.s32 $0xFFFFFFF0, s31;
	v15 =	vor.u32 s31, v1;
	s30 =	sadd.s32 $0x8, s30;
	v16 =	vand.u32 $0xFFFF0000, v10;
	v10 =	vshll.u32 v10, $0x10;
	v17 =	vld [tilespmem:s29+$0xFFFFFFB0];
	s28 =	sadd.s32 $0x400, s28  }
0x176: {  	s2 =	sadd.s32 $0xFFFFFFA0, s31;
	s6 =	sadd.s32 $0xFFFFFFB0, s31;
	v19 =	vand.u32 $0xFFFF0000, v4;
	v18 =	vor.u32 s0, v1;
	p1 =	slt.u32 s30, $0x78;
	v20 =	vld [tilespmem:s29+$0xFFFFFFC0];
	[tilespmem:s28+$0xFFFFFFF0] =	vst v14  }
0x177: {  	v14 =	vor.u32 s2, v1;
	v21 =	vor.u32 s6, v1;
	s0 =	sadd.s32 $0xFFFFFFC0, s31;
	s2 =	sadd.s32 $0xFFFFFFD0, s31;
	s6 =	sadd.s32 $0xFFFFFFE0, s31;
	v22 =	vand.u32 $0xFFFF0000, v6;
	v23 =	vld [tilespmem:s29+$0xFFFFFFD0]  }
0x178: {  	s7 =	sadd.s32 $0xFFFFFF90, s31;
	v24 =	vor.u32 s0, v1;
	v25 =	vor.u32 s2, v1;
	v26 =	vor.u32 s6, v1;
	v27 =	vld [tilespmem:s29+$0xFFFFFFE0]  }
0x179: {  	v28 =	vor.u32 s7, v1;
	v11 =	vmul.f32 v13, v11;
	v13 =	vand.u32 $0xFFFF0000, v5;
	v29 =	vld [tilespmem:s29+$0x0]  }
0x17a: {  	v4 =	vshll.u32 v4, $0x10;
	v8 =	vmul.f32 v8, v12;
	v15 =	vld.idx.msk [tilespmem:v15+s14+$0x0], $0xffff;
	v12 =	vmul.f32 v16, v17  }
0x17b: {  	v6 =	vshll.u32 v6, $0x10;
	v5 =	vshll.u32 v5, $0x10;
	v16 =	vld.idx.msk [tilespmem:v18+s14+$0x0], $0xffff;
	v17 =	vmul.f32 v19, v20  }
0x17c: {  	s29 =	sadd.s32 $0x400, s29;
	v9 =	vadd.f32 v9, v11;
	v7 =	vadd.f32 v7, v8;
	v14 =	vld.idx.msk [tilespmem:v14+s14+$0x0], $0xffff;
	v8 =	vmul.f32 v22, v23  }
0x17d: {  	v12 =	vadd.f32 v10, v12;
	v11 =	vld [tilespmem:s29+$0xFFFFFFF0];
	v17 =	vadd.f32 v4, v17;
	v4 =	vmul.f32 v13, v27  }
0x17e: {  	v18 =	vld.idx.msk [tilespmem:v28+s14+$0x0], $0xffff;
	[tilespmem:s28+$0xFFFFFF90] =	vst v9;
	v9 =	vadd.f32 v6, v8;
	v6 =	vmul.f32 v3, v29  }
0x17f: {  	v10 =	vld.idx.msk [tilespmem:v21+s14+$0x0], $0xffff;
	[tilespmem:s28+$0xFFFFFFA0] =	vst v7;
	v13 =	vadd.f32 v5, v4  }
.Ltmp7:
0x180: {  	v3 =	vand.u32 $0xFFFF0000, v15;
	v4 =	vld.idx.msk [tilespmem:v24+s14+$0x0], $0xffff;
	[tilespmem:s28+$0xFFFFFFB0] =	vst v12;
	v19 =	vadd.f32 v2, v6;
	v2 =	vshll.u32 v15, $0x10;
	(pc) =	sbr.rel @p1 .LBB2_13-.Ltmp7, $4  }
0x181: {  	v12 =	vand.u32 $0xFFFF0000, v16;
	v6 =	vld.idx.msk [tilespmem:v25+s14+$0x0], $0xffff;
	[tilespmem:s28+$0xFFFFFFC0] =	vst v17  }
0x182: {  	v8 =	vand.u32 $0xFFFF0000, v14;
	v7 =	vshll.u32 v14, $0x10;
	v5 =	vld.idx.msk [tilespmem:v26+s14+$0x0], $0xffff;
	v14 =	vmul.f32 v12, v11;
	[tilespmem:s28+$0xFFFFFFD0] =	vst v9  }
0x183: {  	v15 =	vshll.u32 v16, $0x10;
	v11 =	vld [tilespmem:s29+$0xFFFFFF90];
	[tilespmem:s28+$0xFFFFFFE0] =	vst v13  }
0x184: {  	s31 =	sadd.s32 $0x80, s31;
	v13 =	vand.u32 $0xFFFF0000, v18;
	v9 =	vshll.u32 v18, $0x10;
	v12 =	vld [tilespmem:s29+$0xFFFFFFA0];
	v14 =	vadd.f32 v15, v14;
	[tilespmem:s28+$0x0] =	vst v19  }
0x185: {  	v1 =	vld [tilespmem:s29+$0xFFFFFFB0]  }
0x186: {  	v15 =	vld [tilespmem:s29+$0xFFFFFFC0]  }
0x187: {  	v16 =	vand.u32 $0xFFFF0000, v10;
	v10 =	vshll.u32 v10, $0x10;
	v17 =	vld [tilespmem:s29+$0xFFFFFFD0]  }
0x188: {  	v18 =	vand.u32 $0xFFFF0000, v4;
	v21 =	vld [tilespmem:s29+$0x0];
	v4 =	vshll.u32 v4, $0x10;
	v11 =	vmul.f32 v13, v11  }
0x189: {  	v20 =	vld [tilespmem:s29+$0xFFFFFFE0];
	v19 =	vand.u32 $0xFFFF0000, v6;
	v6 =	vshll.u32 v6, $0x10;
	v8 =	vmul.f32 v8, v12  }
0x18a: {  	s0 =	sadd.s32 $0x400, s28;
	s2 =	sor.u32 $0x6, s26;
	v13 =	vand.u32 $0xFFFF0000, v5;
	v1 =	vmul.f32 v16, v1;
	v9 =	vadd.f32 v9, v11  }
0x18b: {  	[tilespmem:s0+$0xFFFFFFF0] =	vst v14;
	v12 =	vmul.f32 v18, v15;
	v7 =	vadd.f32 v7, v8;
	v8 =	vmov s2  }
0x18c: {  	v11 =	vmul.f32 v19, v17;
	v1 =	vadd.f32 v10, v1;
	[tilespmem:s0+$0xFFFFFF90] =	vst v9;
	v8 =	vand.u32 $0xFFFFFFF6, v8  }
0x18d: {  	v3 =	vmul.f32 v3, v21;
	v4 =	vadd.f32 v4, v12;
	[tilespmem:s0+$0xFFFFFFA0] =	vst v7;
	v7 =	vbroadcast v8, $0x0  }
0x18e: {  	v9 =	vmul.f32 v13, v20;
	v6 =	vadd.f32 v6, v11;
	[tilespmem:s0+$0xFFFFFFB0] =	vst v1  }
0x18f: {  	v5 =	vshll.u32 v5, $0x10;
	v2 =	vadd.f32 v2, v3;
	[tilespmem:s0+$0xFFFFFFC0] =	vst v4  }
0x190: {  	v1 =	vadd.f32 v5, v9;
	[tilespmem:s0+$0xFFFFFFD0] =	vst v6  }
0x191: {  	[tilespmem:s0+$0x0] =	vst v2  }
0x192: {  	[tilespmem:s0+$0xFFFFFFE0] =	vst v1  }
0x193: {  	v1 =	vld.idx.msk [tilespmem:v7+s4+$0x0], $0xffff;
	_ =	sdelay $0x4  }
0x194: {  	v1 =	vshll.u32 v1, $0xB  }
0x195: {  	s6 =	simm.s32 $0x70;
	s0 =	simm.s32 $0x8470;
	v1 =	vor.u32 v0, v1  }
0x196: {  	s7 =	simm.s32 $0x60;
	v10 =	vld [tilespmem:s0+$0xFFFFFFF0];
	v2 =	vor.u32 s6, v1  }
0x197: {  	s9 =	simm.s32 $0x10;
	v11 =	vld [tilespmem:s0+$0xFFFFFF90];
	v3 =	vor.u32 s7, v1  }
0x198: {  	s2 =	simm.s32 $0x0;
	v54 =	vld [tilespmem:s0+$0xFFFFFFB0];
	v4 =	vor.u32 s9, v1  }
0x199: {  	v55 =	vld [tilespmem:s0+$0xFFFFFFC0];
	v5 =	vor.u32 s2, v1;
	s7 =	simm.s32 $0x30  }
0x19a: {  	v58 =	vld [tilespmem:s0+$0xFFFFFFD0];
	s9 =	simm.s32 $0x40;
	v7 =	vor.u32 s7, v1  }
0x19b: {  	s6 =	simm.s32 $0x20;
	v8 =	vor.u32 s9, v1;
	v2 =	vld.idx.msk [tilespmem:v2+s14+$0x0], $0xffff  }
0x19c: {  	v6 =	vor.u32 s6, v1;
	v3 =	vld.idx.msk [tilespmem:v3+s14+$0x0], $0xffff  }
0x19d: {  	v4 =	vld.idx.msk [tilespmem:v4+s14+$0x0], $0xffff  }
0x19e: {  	s6 =	simm.s32 $0x50;
	v5 =	vld.idx.msk [tilespmem:v5+s14+$0x0], $0xffff  }
0x19f: {  	s9 =	simm.s32 $0x90;
	v9 =	vor.u32 s6, v1;
	s6 =	simm.s32 $0xF0;
	v7 =	vld.idx.msk [tilespmem:v7+s14+$0x0], $0xffff  }
0x1a0: {  	v57 =	vor.u32 s9, v1;
	s9 =	simm.s32 $0xA0;
	v53 =	vor.u32 s6, v1;
	s6 =	simm.s32 $0xB0;
	v8 =	vld.idx.msk [tilespmem:v8+s14+$0x0], $0xffff  }
0x1a1: {  	v26 =	vor.u32 s9, v1;
	v59 =	vor.u32 s6, v1;
	v6 =	vld.idx.msk [tilespmem:v6+s14+$0x0], $0xffff;
	v12 =	vand.u32 $0xFFFF0000, v2  }
0x1a2: {  	v22 =	vld [tilespmem:s0+$0xFFFFFFE0];
	s7 =	simm.s32 $0xE0;
	v13 =	vshll.u32 v2, $0x10;
	v14 =	vand.u32 $0xFFFF0000, v3;
	v15 =	vand.u32 $0xFFFF0000, v4  }
0x1a3: {  	v2 =	vld [tilespmem:s0+$0xFFFFFFA0];
	v4 =	vshll.u32 v4, $0x10;
	v10 =	vmul.f32 v14, v10;
	v14 =	vor.u32 s7, v1  }
0x1a4: {  	v9 =	vld.idx.msk [tilespmem:v9+s14+$0x0], $0xffff;
	v3 =	vshll.u32 v3, $0x10;
	v56 =	vand.u32 $0xFFFF0000, v5;
	v5 =	vshll.u32 v5, $0x10  }
0x1a5: {  	s29 =	simm.s32 $0x8870;
	v25 =	vld [tilespmem:s0+$0x0];
	s7 =	simm.s32 $0x80;
	v23 =	vand.u32 $0xFFFF0000, v7;
	v27 =	vand.u32 $0xFFFF0000, v8;
	v11 =	vmul.f32 v56, v11  }
0x1a6: {  	v61 =	vld [tilespmem:s29+$0xFFFFFFF0];
	v24 =	vor.u32 s7, v1;
	s7 =	simm.s32 $0xC0;
	v3 =	vadd.f32 v3, v10;
	v10 =	vand.u32 $0xFFFF0000, v6  }
0x1a7: {  	v16 =	vld.idx.msk [tilespmem:v53+s14+$0x0], $0xffff;
	v6 =	vshll.u32 v6, $0x10;
	v28 =	vor.u32 s7, v1;
	v10 =	vmul.f32 v10, v54  }
0x1a8: {  	s28 =	simm.s32 $0x10470;
	s9 =	simm.s32 $0xD0;
	v5 =	vadd.f32 v5, v11;
	v11 =	vmul.f32 v23, v55;
	v2 =	vmul.f32 v15, v2;
	v14 =	vld.idx.msk [tilespmem:v14+s14+$0x0], $0xffff  }
0x1a9: {  	v60 =	vld.idx.msk [tilespmem:v57+s14+$0x0], $0xffff;
	v15 =	vor.u32 s9, v1;
	[tilespmem:s28+$0xFFFFFFF0] =	vst v3;
	v3 =	vand.u32 $0xFFFF0000, v9;
	v6 =	vadd.f32 v6, v10  }
0x1aa: {  	[tilespmem:s28+$0xFFFFFF90] =	vst v5;
	v10 =	vld.idx.msk [tilespmem:v26+s14+$0x0], $0xffff;
	v2 =	vadd.f32 v4, v2;
	v4 =	vshll.u32 v7, $0x10;
	v7 =	vmul.f32 v27, v58  }
0x1ab: {  	v5 =	vshll.u32 v8, $0x10;
	v3 =	vmul.f32 v3, v22;
	v62 =	vld.idx.msk [tilespmem:v24+s14+$0x0], $0xffff;
	v8 =	vadd.f32 v4, v11;
	[tilespmem:s28+$0xFFFFFFB0] =	vst v6  }
0x1ac: {  	v4 =	vld.idx.msk [tilespmem:v59+s14+$0x0], $0xffff;
	[tilespmem:s28+$0xFFFFFFA0] =	vst v2;
	v2 =	vshll.u32 v9, $0x10;
	v7 =	vadd.f32 v5, v7;
	v5 =	vmul.f32 v12, v25  }
0x1ad: {  	v6 =	vld.idx.msk [tilespmem:v28+s14+$0x0], $0xffff;
	v9 =	vadd.f32 v2, v3;
	v3 =	vand.u32 $0xFFFF0000, v16;
	[tilespmem:s28+$0xFFFFFFC0] =	vst v8;
	v11 =	vand.u32 $0xFFFF0000, v14  }
0x1ae: {  	v2 =	vshll.u32 v16, $0x10;
	v63 =	vadd.f32 v13, v5;
	v5 =	vld.idx.msk [tilespmem:v15+s14+$0x0], $0xffff;
	[tilespmem:s28+$0xFFFFFFD0] =	vst v7;
	v15 =	vmul.f32 v11, v61  }
0x1af: {  	v12 =	vld [tilespmem:s29+$0xFFFFFFA0];
	v8 =	vand.u32 $0xFFFF0000, v60;
	v7 =	vshll.u32 v60, $0x10;
	v14 =	vshll.u32 v14, $0x10;
	[tilespmem:s28+$0xFFFFFFE0] =	vst v9  }
0x1b0: {  	s30 =	simm.s32 $0x8;
	s31 =	simm.s32 $0x170;
	v11 =	vld [tilespmem:s29+$0xFFFFFF90];
	v13 =	vand.u32 $0xFFFF0000, v62;
	v9 =	vshll.u32 v62, $0x10;
	[tilespmem:s28+$0x0] =	vst v63;
	v14 =	vadd.f32 v14, v15  }
.LBB2_15:
0x1b1: {  	s0 =	sadd.s32 $0xFFFFFFF0, s31;
	v15 =	vor.u32 s31, v1;
	s30 =	sadd.s32 $0x8, s30;
	v16 =	vand.u32 $0xFFFF0000, v10;
	v10 =	vshll.u32 v10, $0x10;
	v17 =	vld [tilespmem:s29+$0xFFFFFFB0];
	s28 =	sadd.s32 $0x400, s28  }
0x1b2: {  	s2 =	sadd.s32 $0xFFFFFFA0, s31;
	s6 =	sadd.s32 $0xFFFFFFB0, s31;
	v19 =	vand.u32 $0xFFFF0000, v4;
	v18 =	vor.u32 s0, v1;
	p1 =	slt.u32 s30, $0x78;
	v20 =	vld [tilespmem:s29+$0xFFFFFFC0];
	[tilespmem:s28+$0xFFFFFFF0] =	vst v14  }
0x1b3: {  	v14 =	vor.u32 s2, v1;
	v21 =	vor.u32 s6, v1;
	s0 =	sadd.s32 $0xFFFFFFC0, s31;
	s2 =	sadd.s32 $0xFFFFFFD0, s31;
	s6 =	sadd.s32 $0xFFFFFFE0, s31;
	v22 =	vand.u32 $0xFFFF0000, v6;
	v23 =	vld [tilespmem:s29+$0xFFFFFFD0]  }
0x1b4: {  	s7 =	sadd.s32 $0xFFFFFF90, s31;
	v24 =	vor.u32 s0, v1;
	v25 =	vor.u32 s2, v1;
	v26 =	vor.u32 s6, v1;
	v27 =	vld [tilespmem:s29+$0xFFFFFFE0]  }
0x1b5: {  	v28 =	vor.u32 s7, v1;
	v11 =	vmul.f32 v13, v11;
	v13 =	vand.u32 $0xFFFF0000, v5;
	v29 =	vld [tilespmem:s29+$0x0]  }
0x1b6: {  	v4 =	vshll.u32 v4, $0x10;
	v8 =	vmul.f32 v8, v12;
	v15 =	vld.idx.msk [tilespmem:v15+s14+$0x0], $0xffff;
	v12 =	vmul.f32 v16, v17  }
0x1b7: {  	v6 =	vshll.u32 v6, $0x10;
	v5 =	vshll.u32 v5, $0x10;
	v16 =	vld.idx.msk [tilespmem:v18+s14+$0x0], $0xffff;
	v17 =	vmul.f32 v19, v20  }
0x1b8: {  	s29 =	sadd.s32 $0x400, s29;
	v9 =	vadd.f32 v9, v11;
	v7 =	vadd.f32 v7, v8;
	v14 =	vld.idx.msk [tilespmem:v14+s14+$0x0], $0xffff;
	v8 =	vmul.f32 v22, v23  }
0x1b9: {  	v12 =	vadd.f32 v10, v12;
	v11 =	vld [tilespmem:s29+$0xFFFFFFF0];
	v17 =	vadd.f32 v4, v17;
	v4 =	vmul.f32 v13, v27  }
0x1ba: {  	v18 =	vld.idx.msk [tilespmem:v28+s14+$0x0], $0xffff;
	[tilespmem:s28+$0xFFFFFF90] =	vst v9;
	v9 =	vadd.f32 v6, v8;
	v6 =	vmul.f32 v3, v29  }
0x1bb: {  	v10 =	vld.idx.msk [tilespmem:v21+s14+$0x0], $0xffff;
	[tilespmem:s28+$0xFFFFFFA0] =	vst v7;
	v13 =	vadd.f32 v5, v4  }
.Ltmp8:
0x1bc: {  	v3 =	vand.u32 $0xFFFF0000, v15;
	v4 =	vld.idx.msk [tilespmem:v24+s14+$0x0], $0xffff;
	[tilespmem:s28+$0xFFFFFFB0] =	vst v12;
	v19 =	vadd.f32 v2, v6;
	v2 =	vshll.u32 v15, $0x10;
	(pc) =	sbr.rel @p1 .LBB2_15-.Ltmp8, $4  }
0x1bd: {  	v12 =	vand.u32 $0xFFFF0000, v16;
	v6 =	vld.idx.msk [tilespmem:v25+s14+$0x0], $0xffff;
	[tilespmem:s28+$0xFFFFFFC0] =	vst v17  }
0x1be: {  	v8 =	vand.u32 $0xFFFF0000, v14;
	v7 =	vshll.u32 v14, $0x10;
	v5 =	vld.idx.msk [tilespmem:v26+s14+$0x0], $0xffff;
	v14 =	vmul.f32 v12, v11;
	[tilespmem:s28+$0xFFFFFFD0] =	vst v9  }
0x1bf: {  	v15 =	vshll.u32 v16, $0x10;
	v11 =	vld [tilespmem:s29+$0xFFFFFF90];
	[tilespmem:s28+$0xFFFFFFE0] =	vst v13  }
0x1c0: {  	s31 =	sadd.s32 $0x80, s31;
	v13 =	vand.u32 $0xFFFF0000, v18;
	v9 =	vshll.u32 v18, $0x10;
	v12 =	vld [tilespmem:s29+$0xFFFFFFA0];
	v14 =	vadd.f32 v15, v14;
	[tilespmem:s28+$0x0] =	vst v19  }
0x1c1: {  	v1 =	vld [tilespmem:s29+$0xFFFFFFB0]  }
0x1c2: {  	v15 =	vld [tilespmem:s29+$0xFFFFFFC0]  }
0x1c3: {  	v16 =	vand.u32 $0xFFFF0000, v10;
	v10 =	vshll.u32 v10, $0x10;
	v17 =	vld [tilespmem:s29+$0xFFFFFFD0]  }
0x1c4: {  	v18 =	vand.u32 $0xFFFF0000, v4;
	v21 =	vld [tilespmem:s29+$0x0];
	v4 =	vshll.u32 v4, $0x10;
	v11 =	vmul.f32 v13, v11  }
0x1c5: {  	v20 =	vld [tilespmem:s29+$0xFFFFFFE0];
	v19 =	vand.u32 $0xFFFF0000, v6;
	v6 =	vshll.u32 v6, $0x10;
	v8 =	vmul.f32 v8, v12  }
0x1c6: {  	s0 =	sadd.s32 $0x400, s28;
	s2 =	sor.u32 $0x7, s26;
	v13 =	vand.u32 $0xFFFF0000, v5;
	v1 =	vmul.f32 v16, v1;
	v9 =	vadd.f32 v9, v11  }
0x1c7: {  	[tilespmem:s0+$0xFFFFFFF0] =	vst v14;
	v12 =	vmul.f32 v18, v15;
	v7 =	vadd.f32 v7, v8;
	v8 =	vmov s2  }
0x1c8: {  	v11 =	vmul.f32 v19, v17;
	v1 =	vadd.f32 v10, v1;
	[tilespmem:s0+$0xFFFFFF90] =	vst v9;
	v8 =	vand.u32 $0xFFFFFFF7, v8  }
0x1c9: {  	v3 =	vmul.f32 v3, v21;
	v4 =	vadd.f32 v4, v12;
	[tilespmem:s0+$0xFFFFFFA0] =	vst v7;
	v7 =	vbroadcast v8, $0x0  }
0x1ca: {  	v9 =	vmul.f32 v13, v20;
	v6 =	vadd.f32 v6, v11;
	[tilespmem:s0+$0xFFFFFFB0] =	vst v1  }
0x1cb: {  	v5 =	vshll.u32 v5, $0x10;
	v2 =	vadd.f32 v2, v3;
	[tilespmem:s0+$0xFFFFFFC0] =	vst v4  }
0x1cc: {  	v1 =	vadd.f32 v5, v9;
	[tilespmem:s0+$0xFFFFFFD0] =	vst v6  }
0x1cd: {  	[tilespmem:s0+$0x0] =	vst v2  }
0x1ce: {  	[tilespmem:s0+$0xFFFFFFE0] =	vst v1  }
0x1cf: {  	v1 =	vld.idx.msk [tilespmem:v7+s4+$0x0], $0xffff;
	_ =	sdelay $0x4  }
0x1d0: {  	v1 =	vshll.u32 v1, $0xB  }
0x1d1: {  	s6 =	simm.s32 $0x70;
	v1 =	vor.u32 v0, v1  }
0x1d2: {  	s7 =	simm.s32 $0x60;
	v2 =	vor.u32 s6, v1  }
0x1d3: {  	s9 =	simm.s32 $0x10;
	s0 =	simm.s32 $0x84F0;
	v3 =	vor.u32 s7, v1  }
0x1d4: {  	s2 =	simm.s32 $0x0;
	v10 =	vld [tilespmem:s0+$0xFFFFFFF0];
	v4 =	vor.u32 s9, v1  }
0x1d5: {  	v54 =	vld [tilespmem:s0+$0xFFFFFFB0];
	s6 =	simm.s32 $0x20;
	v5 =	vor.u32 s2, v1  }
0x1d6: {  	v55 =	vld [tilespmem:s0+$0xFFFFFFC0];
	s7 =	simm.s32 $0x30;
	v6 =	vor.u32 s6, v1  }
0x1d7: {  	s9 =	simm.s32 $0x40;
	v7 =	vor.u32 s7, v1;
	v2 =	vld.idx.msk [tilespmem:v2+s14+$0x0], $0xffff  }
0x1d8: {  	s6 =	simm.s32 $0x50;
	v8 =	vor.u32 s9, v1;
	v3 =	vld.idx.msk [tilespmem:v3+s14+$0x0], $0xffff  }
0x1d9: {  	v9 =	vor.u32 s6, v1;
	v4 =	vld.idx.msk [tilespmem:v4+s14+$0x0], $0xffff  }
0x1da: {  	v5 =	vld.idx.msk [tilespmem:v5+s14+$0x0], $0xffff  }
0x1db: {  	v6 =	vld.idx.msk [tilespmem:v6+s14+$0x0], $0xffff  }
0x1dc: {  	v7 =	vld.idx.msk [tilespmem:v7+s14+$0x0], $0xffff  }
0x1dd: {  	s9 =	simm.s32 $0x90;
	s6 =	simm.s32 $0xF0;
	v8 =	vld.idx.msk [tilespmem:v8+s14+$0x0], $0xffff  }
0x1de: {  	v57 =	vor.u32 s9, v1;
	s9 =	simm.s32 $0xA0;
	v53 =	vor.u32 s6, v1;
	s6 =	simm.s32 $0xB0;
	v11 =	vld.idx.msk [tilespmem:v9+s14+$0x0], $0xffff  }
0x1df: {  	v26 =	vor.u32 s9, v1;
	v59 =	vor.u32 s6, v1;
	v9 =	vld [tilespmem:s0+$0xFFFFFF90];
	v12 =	vand.u32 $0xFFFF0000, v2  }
0x1e0: {  	v58 =	vld [tilespmem:s0+$0xFFFFFFD0];
	s7 =	simm.s32 $0xE0;
	v13 =	vshll.u32 v2, $0x10;
	v14 =	vand.u32 $0xFFFF0000, v3;
	v15 =	vand.u32 $0xFFFF0000, v4  }
0x1e1: {  	v2 =	vld [tilespmem:s0+$0xFFFFFFA0];
	v4 =	vshll.u32 v4, $0x10;
	v10 =	vmul.f32 v14, v10;
	v14 =	vor.u32 s7, v1  }
0x1e2: {  	v22 =	vld [tilespmem:s0+$0xFFFFFFE0];
	v3 =	vshll.u32 v3, $0x10;
	v56 =	vand.u32 $0xFFFF0000, v5;
	v5 =	vshll.u32 v5, $0x10;
	s7 =	simm.s32 $0x80  }
0x1e3: {  	s29 =	simm.s32 $0x88F0;
	v25 =	vld [tilespmem:s0+$0x0];
	v23 =	vand.u32 $0xFFFF0000, v7;
	v27 =	vand.u32 $0xFFFF0000, v8;
	v24 =	vor.u32 s7, v1  }
0x1e4: {  	v61 =	vld [tilespmem:s29+$0xFFFFFFF0];
	s7 =	simm.s32 $0xC0;
	v9 =	vmul.f32 v56, v9;
	v3 =	vadd.f32 v3, v10;
	v10 =	vand.u32 $0xFFFF0000, v6  }
0x1e5: {  	v16 =	vld.idx.msk [tilespmem:v53+s14+$0x0], $0xffff;
	v6 =	vshll.u32 v6, $0x10;
	v28 =	vor.u32 s7, v1;
	v10 =	vmul.f32 v10, v54  }
0x1e6: {  	s28 =	simm.s32 $0x104F0;
	s9 =	simm.s32 $0xD0;
	v5 =	vadd.f32 v5, v9;
	v9 =	vmul.f32 v23, v55;
	v2 =	vmul.f32 v15, v2;
	v14 =	vld.idx.msk [tilespmem:v14+s14+$0x0], $0xffff  }
0x1e7: {  	v60 =	vld.idx.msk [tilespmem:v57+s14+$0x0], $0xffff;
	v15 =	vor.u32 s9, v1;
	[tilespmem:s28+$0xFFFFFFF0] =	vst v3;
	v3 =	vand.u32 $0xFFFF0000, v11;
	v6 =	vadd.f32 v6, v10  }
0x1e8: {  	[tilespmem:s28+$0xFFFFFF90] =	vst v5;
	v2 =	vadd.f32 v4, v2;
	v4 =	vshll.u32 v7, $0x10;
	v7 =	vmul.f32 v27, v58;
	v10 =	vld.idx.msk [tilespmem:v24+s14+$0x0], $0xffff  }
0x1e9: {  	v5 =	vshll.u32 v8, $0x10;
	v3 =	vmul.f32 v3, v22;
	v8 =	vadd.f32 v4, v9;
	v9 =	vld.idx.msk [tilespmem:v26+s14+$0x0], $0xffff;
	[tilespmem:s28+$0xFFFFFFB0] =	vst v6  }
0x1ea: {  	v4 =	vld.idx.msk [tilespmem:v59+s14+$0x0], $0xffff;
	[tilespmem:s28+$0xFFFFFFA0] =	vst v2;
	v2 =	vshll.u32 v11, $0x10;
	v7 =	vadd.f32 v5, v7;
	v11 =	vmul.f32 v12, v25  }
0x1eb: {  	v5 =	vld.idx.msk [tilespmem:v28+s14+$0x0], $0xffff;
	v12 =	vadd.f32 v2, v3;
	v3 =	vand.u32 $0xFFFF0000, v16;
	[tilespmem:s28+$0xFFFFFFC0] =	vst v8;
	v62 =	vand.u32 $0xFFFF0000, v14  }
0x1ec: {  	v2 =	vshll.u32 v16, $0x10;
	v6 =	vld.idx.msk [tilespmem:v15+s14+$0x0], $0xffff;
	v63 =	vadd.f32 v13, v11;
	[tilespmem:s28+$0xFFFFFFD0] =	vst v7;
	v15 =	vmul.f32 v62, v61  }
0x1ed: {  	v8 =	vand.u32 $0xFFFF0000, v60;
	v7 =	vshll.u32 v60, $0x10;
	v11 =	vld [tilespmem:s29+$0xFFFFFF90];
	v14 =	vshll.u32 v14, $0x10;
	[tilespmem:s28+$0xFFFFFFE0] =	vst v12  }
0x1ee: {  	s30 =	simm.s32 $0x8;
	s31 =	simm.s32 $0x170;
	v13 =	vand.u32 $0xFFFF0000, v10;
	v10 =	vshll.u32 v10, $0x10;
	v12 =	vld [tilespmem:s29+$0xFFFFFFA0];
	[tilespmem:s28+$0x0] =	vst v63;
	v14 =	vadd.f32 v14, v15  }
.LBB2_17:
0x1ef: {  	s0 =	sadd.s32 $0xFFFFFFF0, s31;
	v15 =	vor.u32 s31, v1;
	s30 =	sadd.s32 $0x8, s30;
	v16 =	vand.u32 $0xFFFF0000, v9;
	v9 =	vshll.u32 v9, $0x10;
	v17 =	vld [tilespmem:s29+$0xFFFFFFB0];
	s28 =	sadd.s32 $0x400, s28  }
0x1f0: {  	s2 =	sadd.s32 $0xFFFFFFA0, s31;
	s6 =	sadd.s32 $0xFFFFFFB0, s31;
	v19 =	vand.u32 $0xFFFF0000, v4;
	v18 =	vor.u32 s0, v1;
	p1 =	slt.u32 s30, $0x78;
	v20 =	vld [tilespmem:s29+$0xFFFFFFC0];
	[tilespmem:s28+$0xFFFFFFF0] =	vst v14  }
0x1f1: {  	v14 =	vor.u32 s2, v1;
	v21 =	vor.u32 s6, v1;
	s0 =	sadd.s32 $0xFFFFFFC0, s31;
	s2 =	sadd.s32 $0xFFFFFFD0, s31;
	s6 =	sadd.s32 $0xFFFFFFE0, s31;
	v22 =	vand.u32 $0xFFFF0000, v5;
	v23 =	vld [tilespmem:s29+$0xFFFFFFD0]  }
0x1f2: {  	s7 =	sadd.s32 $0xFFFFFF90, s31;
	v24 =	vor.u32 s0, v1;
	v25 =	vor.u32 s2, v1;
	v26 =	vor.u32 s6, v1;
	v27 =	vld [tilespmem:s29+$0xFFFFFFE0]  }
0x1f3: {  	v28 =	vor.u32 s7, v1;
	v11 =	vmul.f32 v13, v11;
	v13 =	vand.u32 $0xFFFF0000, v6;
	v29 =	vld [tilespmem:s29+$0x0]  }
0x1f4: {  	v4 =	vshll.u32 v4, $0x10;
	v8 =	vmul.f32 v8, v12;
	v15 =	vld.idx.msk [tilespmem:v15+s14+$0x0], $0xffff;
	v12 =	vmul.f32 v16, v17  }
0x1f5: {  	v5 =	vshll.u32 v5, $0x10;
	v6 =	vshll.u32 v6, $0x10;
	v16 =	vld.idx.msk [tilespmem:v18+s14+$0x0], $0xffff;
	v17 =	vmul.f32 v19, v20  }
0x1f6: {  	s29 =	sadd.s32 $0x400, s29;
	v10 =	vadd.f32 v10, v11;
	v7 =	vadd.f32 v7, v8;
	v14 =	vld.idx.msk [tilespmem:v14+s14+$0x0], $0xffff;
	v8 =	vmul.f32 v22, v23  }
0x1f7: {  	v12 =	vadd.f32 v9, v12;
	v11 =	vld [tilespmem:s29+$0xFFFFFFF0];
	v17 =	vadd.f32 v4, v17;
	v4 =	vmul.f32 v13, v27  }
0x1f8: {  	v18 =	vld.idx.msk [tilespmem:v28+s14+$0x0], $0xffff;
	[tilespmem:s28+$0xFFFFFF90] =	vst v10;
	v10 =	vadd.f32 v5, v8;
	v5 =	vmul.f32 v3, v29  }
0x1f9: {  	v9 =	vld.idx.msk [tilespmem:v21+s14+$0x0], $0xffff;
	[tilespmem:s28+$0xFFFFFFA0] =	vst v7;
	v13 =	vadd.f32 v6, v4  }
.Ltmp9:
0x1fa: {  	v3 =	vand.u32 $0xFFFF0000, v15;
	v4 =	vld.idx.msk [tilespmem:v24+s14+$0x0], $0xffff;
	[tilespmem:s28+$0xFFFFFFB0] =	vst v12;
	v19 =	vadd.f32 v2, v5;
	v2 =	vshll.u32 v15, $0x10;
	(pc) =	sbr.rel @p1 .LBB2_17-.Ltmp9, $4  }
0x1fb: {  	v12 =	vand.u32 $0xFFFF0000, v16;
	v5 =	vld.idx.msk [tilespmem:v25+s14+$0x0], $0xffff;
	[tilespmem:s28+$0xFFFFFFC0] =	vst v17  }
0x1fc: {  	v8 =	vand.u32 $0xFFFF0000, v14;
	v7 =	vshll.u32 v14, $0x10;
	v6 =	vld.idx.msk [tilespmem:v26+s14+$0x0], $0xffff;
	v14 =	vmul.f32 v12, v11;
	[tilespmem:s28+$0xFFFFFFD0] =	vst v10  }
0x1fd: {  	v15 =	vshll.u32 v16, $0x10;
	v11 =	vld [tilespmem:s29+$0xFFFFFF90];
	[tilespmem:s28+$0xFFFFFFE0] =	vst v13  }
0x1fe: {  	s31 =	sadd.s32 $0x80, s31;
	v13 =	vand.u32 $0xFFFF0000, v18;
	v10 =	vshll.u32 v18, $0x10;
	v12 =	vld [tilespmem:s29+$0xFFFFFFA0];
	v14 =	vadd.f32 v15, v14;
	[tilespmem:s28+$0x0] =	vst v19  }
0x1ff: {  	v1 =	vld [tilespmem:s29+$0xFFFFFFB0]  }
0x200: {  	v15 =	vld [tilespmem:s29+$0xFFFFFFC0]  }
0x201: {  	v16 =	vld [tilespmem:s29+$0xFFFFFFD0]  }
0x202: {  	v17 =	vand.u32 $0xFFFF0000, v9;
	v19 =	vld [tilespmem:s29+$0x0];
	v11 =	vmul.f32 v13, v11  }
0x203: {  	v18 =	vld [tilespmem:s29+$0xFFFFFFE0];
	v55 =	vshll.u32 v9, $0x10;
	v56 =	vand.u32 $0xFFFF0000, v4;
	v8 =	vmul.f32 v8, v12  }
0x204: {  	s0 =	sadd.s32 $0x400, s28;
	v59 =	vshll.u32 v4, $0x10;
	v1 =	vmul.f32 v17, v1;
	v10 =	vadd.f32 v10, v11  }
0x205: {  	v57 =	vand.u32 $0xFFFF0000, v5;
	[tilespmem:s0+$0xFFFFFFF0] =	vst v14;
	v13 =	vmul.f32 v56, v15;
	v7 =	vadd.f32 v7, v8  }
0x206: {  	v61 =	vshll.u32 v5, $0x10;
	v60 =	vmul.f32 v57, v16;
	v1 =	vadd.f32 v55, v1;
	[tilespmem:s0+$0xFFFFFF90] =	vst v10  }
0x207: {  	v58 =	vand.u32 $0xFFFF0000, v6;
	v3 =	vmul.f32 v3, v19;
	v4 =	vadd.f32 v59, v13;
	[tilespmem:s0+$0xFFFFFFA0] =	vst v7  }
0x208: {  	p1 =	sne.s32 s24, $0xF;
	v62 =	vmul.f32 v58, v18;
	v5 =	vadd.f32 v61, v60;
	[tilespmem:s0+$0xFFFFFFB0] =	vst v1  }
.Ltmp10:
0x209: {  	v63 =	vshll.u32 v6, $0x10;
	v2 =	vadd.f32 v2, v3;
	[tilespmem:s0+$0xFFFFFFC0] =	vst v4;
	(pc) =	sbr.rel @p1 .LBB2_20-.Ltmp10, $4  }
0x20a: {  	s2 =	sadd.s32 s5, s26;
	v1 =	vadd.f32 v63, v62;
	[tilespmem:s0+$0xFFFFFFD0] =	vst v5  }
0x20b: {  	s2 =	sshll.u32 s2, $0x8;
	[tilespmem:s0+$0x0] =	vst v2  }
0x20c: {  	s31 =	sadd.s32 s3, s2;
	[tilespmem:s0+$0xFFFFFFE0] =	vst v1  }
0x20d: {  	[hbm4b:s31+s4] =	stream.linear.scatter [tilespmem:s18], [sflag:$0x3], $0x4000, $0x38;
	[tilespmem:$0x18100] =	vst v63  }
.Ltmp11:
0x20e: {  	(pc) =	sbr.rel .LBB2_21-.Ltmp11, $4  }
0x20f: {  	_ = 	snop  }
0x210: {  	_ =	swait.ge [sflag:s19], $0x4000  }
0x211: {  	[sflag:s19] =	ssyncset.done $0x0  }
0x212: {  	[sflag:s19] =	ssyncadd.s32 $0xFFFFC000  }
.LBB2_20:
0x213: {  	s0 =	sadd.s32 s25, s10  }
0x214: {  	s0 =	sshll.u32 s0, $0xB  }
0x215: {  	s0 =	sand.u32 $0x1FFFF000, s0  }
.Ltmp12:
0x216: {  	s0 =	sadd.s32 s1, s0;
	(pc) =	sbr.rel @p0 .LBB2_22-.Ltmp12, $4  }
0x217: {  	[tilespmem:s15], [sflag:$0x1] =	stream.linear.gather [hbm4b:s0+s4], $0x4000, $0x38;
	[tilespmem:$0x18100] =	vst v63  }
0x218: {  	_ =	swait.ge [sflag:s19], $0x4000  }
0x219: {  	[sflag:s19] =	ssyncset.done $0x0  }
0x21a: {  	[sflag:s19] =	ssyncadd.s32 $0xFFFFC000  }
.LBB2_21:
0x21b: {  	_ =	swait.ge [sflag:s20], $0x4000  }
0x21c: {  	[sflag:s20] =	ssyncset.done $0x0  }
0x21d: {  	[sflag:s20] =	ssyncadd.s32 $0xFFFFC000  }
.LBB2_22:
0x21e: {  	s28 =	sor.u32 $0x8, s26  }
0x21f: {  	v1 =	vmov s28  }
0x220: {  	v1 =	vand.u32 $0xFFFFFFF8, v1  }
0x221: {  	v1 =	vbroadcast v1, $0x0;
	_ =	sdelay $0x5  }
0x222: {  	v1 =	vld.idx.msk [tilespmem:v1+s4+$0x0], $0xffff;
	_ =	sdelay $0x4  }
0x223: {  	v1 =	vshll.u32 v1, $0xB  }
0x224: {  	s0 =	simm.s32 $0x70;
	s30 =	simm.s32 $0xC540;
	v1 =	vor.u32 v0, v1  }
0x225: {  	s2 =	simm.s32 $0x60;
	v61 =	vld [tilespmem:s30+$0x20];
	v2 =	vor.u32 s0, v1;
	s0 =	simm.s32 $0xC140  }
0x226: {  	s9 =	simm.s32 $0x10;
	v3 =	vor.u32 s2, v1;
	v10 =	vld [tilespmem:s0+$0x20]  }
0x227: {  	s7 =	simm.s32 $0x30;
	v4 =	vor.u32 s9, v1;
	v11 =	vld [tilespmem:s0+$0xFFFFFFC0]  }
0x228: {  	s2 =	simm.s32 $0x0;
	v7 =	vor.u32 s7, v1;
	v17 =	vld [tilespmem:s0+$0xFFFFFFE0]  }
0x229: {  	s9 =	simm.s32 $0x40;
	v5 =	vor.u32 s2, v1;
	v18 =	vld [tilespmem:s0+$0xFFFFFFF0]  }
0x22a: {  	s6 =	simm.s32 $0x20;
	v8 =	vor.u32 s9, v1;
	v2 =	vld.idx.msk [tilespmem:v2+s14+$0x0], $0xffff  }
0x22b: {  	v6 =	vor.u32 s6, v1;
	v3 =	vld.idx.msk [tilespmem:v3+s14+$0x0], $0xffff  }
0x22c: {  	v4 =	vld.idx.msk [tilespmem:v4+s14+$0x0], $0xffff  }
0x22d: {  	s6 =	simm.s32 $0x50;
	v7 =	vld.idx.msk [tilespmem:v7+s14+$0x0], $0xffff  }
0x22e: {  	v9 =	vor.u32 s6, v1;
	s6 =	simm.s32 $0xF0;
	s9 =	simm.s32 $0x90;
	v5 =	vld.idx.msk [tilespmem:v5+s14+$0x0], $0xffff  }
0x22f: {  	v16 =	vor.u32 s6, v1;
	v20 =	vor.u32 s9, v1;
	s9 =	simm.s32 $0xA0;
	s6 =	simm.s32 $0xB0;
	v8 =	vld.idx.msk [tilespmem:v8+s14+$0x0], $0xffff  }
0x230: {  	v26 =	vor.u32 s9, v1;
	v59 =	vor.u32 s6, v1;
	v6 =	vld.idx.msk [tilespmem:v6+s14+$0x0], $0xffff;
	v12 =	vand.u32 $0xFFFF0000, v2  }
0x231: {  	s7 =	simm.s32 $0xE0;
	v21 =	vld [tilespmem:s0+$0x0];
	v13 =	vshll.u32 v2, $0x10;
	v14 =	vand.u32 $0xFFFF0000, v3;
	v15 =	vand.u32 $0xFFFF0000, v4  }
0x232: {  	v2 =	vld [tilespmem:s0+$0xFFFFFFD0];
	v4 =	vshll.u32 v4, $0x10;
	v10 =	vmul.f32 v14, v10;
	v14 =	vor.u32 s7, v1  }
0x233: {  	v9 =	vld.idx.msk [tilespmem:v9+s14+$0x0], $0xffff;
	v3 =	vshll.u32 v3, $0x10;
	v23 =	vand.u32 $0xFFFF0000, v7;
	v19 =	vand.u32 $0xFFFF0000, v5;
	s7 =	simm.s32 $0x80  }
0x234: {  	v22 =	vld [tilespmem:s0+$0x10];
	v5 =	vshll.u32 v5, $0x10;
	v27 =	vand.u32 $0xFFFF0000, v8;
	v24 =	vor.u32 s7, v1  }
0x235: {  	v25 =	vld [tilespmem:s0+$0x30];
	s7 =	simm.s32 $0xC0;
	v11 =	vmul.f32 v19, v11;
	v3 =	vadd.f32 v3, v10;
	v10 =	vand.u32 $0xFFFF0000, v6  }
0x236: {  	v16 =	vld.idx.msk [tilespmem:v16+s14+$0x0], $0xffff;
	v6 =	vshll.u32 v6, $0x10;
	v28 =	vor.u32 s7, v1;
	v10 =	vmul.f32 v10, v17  }
0x237: {  	s29 =	simm.s32 $0x14140;
	s9 =	simm.s32 $0xD0;
	v5 =	vadd.f32 v5, v11;
	v11 =	vmul.f32 v23, v18;
	v2 =	vmul.f32 v15, v2;
	v14 =	vld.idx.msk [tilespmem:v14+s14+$0x0], $0xffff  }
0x238: {  	v60 =	vld.idx.msk [tilespmem:v20+s14+$0x0], $0xffff;
	v15 =	vor.u32 s9, v1;
	[tilespmem:s29+$0x20] =	vst v3;
	v3 =	vand.u32 $0xFFFF0000, v9;
	v6 =	vadd.f32 v6, v10  }
0x239: {  	[tilespmem:s29+$0xFFFFFFC0] =	vst v5;
	v10 =	vld.idx.msk [tilespmem:v26+s14+$0x0], $0xffff;
	v2 =	vadd.f32 v4, v2;
	v4 =	vshll.u32 v7, $0x10;
	v7 =	vmul.f32 v27, v21  }
0x23a: {  	v5 =	vshll.u32 v8, $0x10;
	v3 =	vmul.f32 v3, v22;
	v62 =	vld.idx.msk [tilespmem:v24+s14+$0x0], $0xffff;
	v8 =	vadd.f32 v4, v11;
	[tilespmem:s29+$0xFFFFFFE0] =	vst v6  }
0x23b: {  	v4 =	vld.idx.msk [tilespmem:v59+s14+$0x0], $0xffff;
	[tilespmem:s29+$0xFFFFFFD0] =	vst v2;
	v2 =	vshll.u32 v9, $0x10;
	v7 =	vadd.f32 v5, v7;
	v5 =	vmul.f32 v12, v25  }
0x23c: {  	v6 =	vld.idx.msk [tilespmem:v28+s14+$0x0], $0xffff;
	v9 =	vadd.f32 v2, v3;
	v3 =	vand.u32 $0xFFFF0000, v16;
	[tilespmem:s29+$0xFFFFFFF0] =	vst v8;
	v11 =	vand.u32 $0xFFFF0000, v14  }
0x23d: {  	v2 =	vshll.u32 v16, $0x10;
	v63 =	vadd.f32 v13, v5;
	v5 =	vld.idx.msk [tilespmem:v15+s14+$0x0], $0xffff;
	[tilespmem:s29+$0x0] =	vst v7;
	v15 =	vmul.f32 v11, v61  }
0x23e: {  	v12 =	vld [tilespmem:s30+$0xFFFFFFD0];
	v8 =	vand.u32 $0xFFFF0000, v60;
	v7 =	vshll.u32 v60, $0x10;
	v14 =	vshll.u32 v14, $0x10;
	[tilespmem:s29+$0x10] =	vst v9  }
0x23f: {  	s31 =	simm.s32 $0x8;
	s2 =	simm.s32 $0x170;
	v11 =	vld [tilespmem:s30+$0xFFFFFFC0];
	v13 =	vand.u32 $0xFFFF0000, v62;
	v9 =	vshll.u32 v62, $0x10;
	[tilespmem:s29+$0x30] =	vst v63;
	v14 =	vadd.f32 v14, v15  }
.LBB2_23:
0x240: {  	s0 =	sadd.s32 $0xFFFFFFF0, s2;
	v15 =	vor.u32 s2, v1;
	s31 =	sadd.s32 $0x8, s31;
	v16 =	vand.u32 $0xFFFF0000, v10;
	v10 =	vshll.u32 v10, $0x10;
	v17 =	vld [tilespmem:s30+$0xFFFFFFE0];
	s29 =	sadd.s32 $0x400, s29  }
0x241: {  	s6 =	sadd.s32 $0xFFFFFFA0, s2;
	s7 =	sadd.s32 $0xFFFFFFB0, s2;
	v19 =	vand.u32 $0xFFFF0000, v4;
	v18 =	vor.u32 s0, v1;
	p0 =	slt.u32 s31, $0x78;
	v20 =	vld [tilespmem:s30+$0xFFFFFFF0];
	[tilespmem:s29+$0x20] =	vst v14  }
0x242: {  	v14 =	vor.u32 s6, v1;
	v21 =	vor.u32 s7, v1;
	s0 =	sadd.s32 $0xFFFFFFC0, s2;
	s6 =	sadd.s32 $0xFFFFFFD0, s2;
	s7 =	sadd.s32 $0xFFFFFFE0, s2;
	v22 =	vand.u32 $0xFFFF0000, v6;
	v23 =	vld [tilespmem:s30+$0x0]  }
0x243: {  	s9 =	sadd.s32 $0xFFFFFF90, s2;
	v24 =	vor.u32 s0, v1;
	v25 =	vor.u32 s6, v1;
	v26 =	vor.u32 s7, v1;
	v27 =	vld [tilespmem:s30+$0x10]  }
0x244: {  	v28 =	vor.u32 s9, v1;
	v11 =	vmul.f32 v13, v11;
	v13 =	vand.u32 $0xFFFF0000, v5;
	v29 =	vld [tilespmem:s30+$0x30]  }
0x245: {  	v4 =	vshll.u32 v4, $0x10;
	v8 =	vmul.f32 v8, v12;
	v15 =	vld.idx.msk [tilespmem:v15+s14+$0x0], $0xffff;
	v12 =	vmul.f32 v16, v17  }
0x246: {  	v6 =	vshll.u32 v6, $0x10;
	v5 =	vshll.u32 v5, $0x10;
	v16 =	vld.idx.msk [tilespmem:v18+s14+$0x0], $0xffff;
	v17 =	vmul.f32 v19, v20  }
0x247: {  	s30 =	sadd.s32 $0x400, s30;
	v9 =	vadd.f32 v9, v11;
	v7 =	vadd.f32 v7, v8;
	v14 =	vld.idx.msk [tilespmem:v14+s14+$0x0], $0xffff;
	v8 =	vmul.f32 v22, v23  }
0x248: {  	v12 =	vadd.f32 v10, v12;
	v11 =	vld [tilespmem:s30+$0x20];
	v17 =	vadd.f32 v4, v17;
	v4 =	vmul.f32 v13, v27  }
0x249: {  	v18 =	vld.idx.msk [tilespmem:v28+s14+$0x0], $0xffff;
	[tilespmem:s29+$0xFFFFFFC0] =	vst v9;
	v9 =	vadd.f32 v6, v8;
	v6 =	vmul.f32 v3, v29  }
0x24a: {  	v10 =	vld.idx.msk [tilespmem:v21+s14+$0x0], $0xffff;
	[tilespmem:s29+$0xFFFFFFD0] =	vst v7;
	v13 =	vadd.f32 v5, v4  }
.Ltmp13:
0x24b: {  	v3 =	vand.u32 $0xFFFF0000, v15;
	v4 =	vld.idx.msk [tilespmem:v24+s14+$0x0], $0xffff;
	[tilespmem:s29+$0xFFFFFFE0] =	vst v12;
	v19 =	vadd.f32 v2, v6;
	v2 =	vshll.u32 v15, $0x10;
	(pc) =	sbr.rel @p0 .LBB2_23-.Ltmp13, $4  }
0x24c: {  	v12 =	vand.u32 $0xFFFF0000, v16;
	v6 =	vld.idx.msk [tilespmem:v25+s14+$0x0], $0xffff;
	[tilespmem:s29+$0xFFFFFFF0] =	vst v17  }
0x24d: {  	v8 =	vand.u32 $0xFFFF0000, v14;
	v7 =	vshll.u32 v14, $0x10;
	v5 =	vld.idx.msk [tilespmem:v26+s14+$0x0], $0xffff;
	v14 =	vmul.f32 v12, v11;
	[tilespmem:s29+$0x0] =	vst v9  }
0x24e: {  	v15 =	vshll.u32 v16, $0x10;
	v11 =	vld [tilespmem:s30+$0xFFFFFFC0];
	[tilespmem:s29+$0x10] =	vst v13  }
0x24f: {  	s2 =	sadd.s32 $0x80, s2;
	v13 =	vand.u32 $0xFFFF0000, v18;
	v9 =	vshll.u32 v18, $0x10;
	v12 =	vld [tilespmem:s30+$0xFFFFFFD0];
	v14 =	vadd.f32 v15, v14;
	[tilespmem:s29+$0x30] =	vst v19  }
0x250: {  	v1 =	vld [tilespmem:s30+$0xFFFFFFE0]  }
0x251: {  	v15 =	vld [tilespmem:s30+$0xFFFFFFF0]  }
0x252: {  	v16 =	vand.u32 $0xFFFF0000, v10;
	v10 =	vshll.u32 v10, $0x10;
	v17 =	vld [tilespmem:s30+$0x0]  }
0x253: {  	v18 =	vand.u32 $0xFFFF0000, v4;
	v21 =	vld [tilespmem:s30+$0x30];
	v4 =	vshll.u32 v4, $0x10;
	v11 =	vmul.f32 v13, v11  }
0x254: {  	v20 =	vld [tilespmem:s30+$0x10];
	v19 =	vand.u32 $0xFFFF0000, v6;
	v6 =	vshll.u32 v6, $0x10;
	v8 =	vmul.f32 v8, v12  }
0x255: {  	s0 =	sadd.s32 $0x400, s29;
	s2 =	sor.u32 $0x9, s26;
	v13 =	vand.u32 $0xFFFF0000, v5;
	v1 =	vmul.f32 v16, v1;
	v9 =	vadd.f32 v9, v11  }
0x256: {  	[tilespmem:s0+$0x20] =	vst v14;
	v12 =	vmul.f32 v18, v15;
	v7 =	vadd.f32 v7, v8;
	v8 =	vmov s2  }
0x257: {  	v11 =	vmul.f32 v19, v17;
	v1 =	vadd.f32 v10, v1;
	[tilespmem:s0+$0xFFFFFFC0] =	vst v9;
	v8 =	vand.u32 $0xFFFFFFF9, v8  }
0x258: {  	v3 =	vmul.f32 v3, v21;
	v4 =	vadd.f32 v4, v12;
	[tilespmem:s0+$0xFFFFFFD0] =	vst v7;
	v7 =	vbroadcast v8, $0x0  }
0x259: {  	v9 =	vmul.f32 v13, v20;
	v6 =	vadd.f32 v6, v11;
	[tilespmem:s0+$0xFFFFFFE0] =	vst v1  }
0x25a: {  	v5 =	vshll.u32 v5, $0x10;
	v2 =	vadd.f32 v2, v3;
	[tilespmem:s0+$0xFFFFFFF0] =	vst v4  }
0x25b: {  	v1 =	vadd.f32 v5, v9;
	[tilespmem:s0+$0x0] =	vst v6  }
0x25c: {  	[tilespmem:s0+$0x30] =	vst v2  }
0x25d: {  	[tilespmem:s0+$0x10] =	vst v1  }
0x25e: {  	v1 =	vld.idx.msk [tilespmem:v7+s4+$0x0], $0xffff;
	_ =	sdelay $0x4  }
0x25f: {  	v1 =	vshll.u32 v1, $0xB  }
0x260: {  	s6 =	simm.s32 $0x70;
	s0 =	simm.s32 $0xC1F0;
	v1 =	vor.u32 v0, v1  }
0x261: {  	s7 =	simm.s32 $0x60;
	v10 =	vld [tilespmem:s0+$0xFFFFFFF0];
	v2 =	vor.u32 s6, v1  }
0x262: {  	s9 =	simm.s32 $0x10;
	v11 =	vld [tilespmem:s0+$0xFFFFFF90];
	v3 =	vor.u32 s7, v1  }
0x263: {  	s2 =	simm.s32 $0x0;
	v54 =	vld [tilespmem:s0+$0xFFFFFFB0];
	v4 =	vor.u32 s9, v1  }
0x264: {  	v55 =	vld [tilespmem:s0+$0xFFFFFFC0];
	v5 =	vor.u32 s2, v1;
	s7 =	simm.s32 $0x30  }
0x265: {  	v58 =	vld [tilespmem:s0+$0xFFFFFFD0];
	s9 =	simm.s32 $0x40;
	v7 =	vor.u32 s7, v1  }
0x266: {  	s6 =	simm.s32 $0x20;
	v8 =	vor.u32 s9, v1;
	v2 =	vld.idx.msk [tilespmem:v2+s14+$0x0], $0xffff  }
0x267: {  	v6 =	vor.u32 s6, v1;
	v3 =	vld.idx.msk [tilespmem:v3+s14+$0x0], $0xffff  }
0x268: {  	v4 =	vld.idx.msk [tilespmem:v4+s14+$0x0], $0xffff  }
0x269: {  	s6 =	simm.s32 $0x50;
	v5 =	vld.idx.msk [tilespmem:v5+s14+$0x0], $0xffff  }
0x26a: {  	s9 =	simm.s32 $0x90;
	v9 =	vor.u32 s6, v1;
	s6 =	simm.s32 $0xF0;
	v7 =	vld.idx.msk [tilespmem:v7+s14+$0x0], $0xffff  }
0x26b: {  	v57 =	vor.u32 s9, v1;
	s9 =	simm.s32 $0xA0;
	v53 =	vor.u32 s6, v1;
	s6 =	simm.s32 $0xB0;
	v8 =	vld.idx.msk [tilespmem:v8+s14+$0x0], $0xffff  }
0x26c: {  	v26 =	vor.u32 s9, v1;
	v59 =	vor.u32 s6, v1;
	v6 =	vld.idx.msk [tilespmem:v6+s14+$0x0], $0xffff;
	v12 =	vand.u32 $0xFFFF0000, v2  }
0x26d: {  	v22 =	vld [tilespmem:s0+$0xFFFFFFE0];
	s7 =	simm.s32 $0xE0;
	v13 =	vshll.u32 v2, $0x10;
	v14 =	vand.u32 $0xFFFF0000, v3;
	v15 =	vand.u32 $0xFFFF0000, v4  }
0x26e: {  	v2 =	vld [tilespmem:s0+$0xFFFFFFA0];
	v4 =	vshll.u32 v4, $0x10;
	v10 =	vmul.f32 v14, v10;
	v14 =	vor.u32 s7, v1  }
0x26f: {  	v9 =	vld.idx.msk [tilespmem:v9+s14+$0x0], $0xffff;
	v3 =	vshll.u32 v3, $0x10;
	v56 =	vand.u32 $0xFFFF0000, v5;
	v5 =	vshll.u32 v5, $0x10  }
0x270: {  	s30 =	simm.s32 $0xC5F0;
	v25 =	vld [tilespmem:s0+$0x0];
	s7 =	simm.s32 $0x80;
	v23 =	vand.u32 $0xFFFF0000, v7;
	v27 =	vand.u32 $0xFFFF0000, v8;
	v11 =	vmul.f32 v56, v11  }
0x271: {  	v61 =	vld [tilespmem:s30+$0xFFFFFFF0];
	v24 =	vor.u32 s7, v1;
	s7 =	simm.s32 $0xC0;
	v3 =	vadd.f32 v3, v10;
	v10 =	vand.u32 $0xFFFF0000, v6  }
0x272: {  	v16 =	vld.idx.msk [tilespmem:v53+s14+$0x0], $0xffff;
	v6 =	vshll.u32 v6, $0x10;
	v28 =	vor.u32 s7, v1;
	v10 =	vmul.f32 v10, v54  }
0x273: {  	s29 =	simm.s32 $0x141F0;
	s9 =	simm.s32 $0xD0;
	v5 =	vadd.f32 v5, v11;
	v11 =	vmul.f32 v23, v55;
	v2 =	vmul.f32 v15, v2;
	v14 =	vld.idx.msk [tilespmem:v14+s14+$0x0], $0xffff  }
0x274: {  	v60 =	vld.idx.msk [tilespmem:v57+s14+$0x0], $0xffff;
	v15 =	vor.u32 s9, v1;
	[tilespmem:s29+$0xFFFFFFF0] =	vst v3;
	v3 =	vand.u32 $0xFFFF0000, v9;
	v6 =	vadd.f32 v6, v10  }
0x275: {  	[tilespmem:s29+$0xFFFFFF90] =	vst v5;
	v10 =	vld.idx.msk [tilespmem:v26+s14+$0x0], $0xffff;
	v2 =	vadd.f32 v4, v2;
	v4 =	vshll.u32 v7, $0x10;
	v7 =	vmul.f32 v27, v58  }
0x276: {  	v5 =	vshll.u32 v8, $0x10;
	v3 =	vmul.f32 v3, v22;
	v62 =	vld.idx.msk [tilespmem:v24+s14+$0x0], $0xffff;
	v8 =	vadd.f32 v4, v11;
	[tilespmem:s29+$0xFFFFFFB0] =	vst v6  }
0x277: {  	v4 =	vld.idx.msk [tilespmem:v59+s14+$0x0], $0xffff;
	[tilespmem:s29+$0xFFFFFFA0] =	vst v2;
	v2 =	vshll.u32 v9, $0x10;
	v7 =	vadd.f32 v5, v7;
	v5 =	vmul.f32 v12, v25  }
0x278: {  	v6 =	vld.idx.msk [tilespmem:v28+s14+$0x0], $0xffff;
	v9 =	vadd.f32 v2, v3;
	v3 =	vand.u32 $0xFFFF0000, v16;
	[tilespmem:s29+$0xFFFFFFC0] =	vst v8;
	v11 =	vand.u32 $0xFFFF0000, v14  }
0x279: {  	v2 =	vshll.u32 v16, $0x10;
	v63 =	vadd.f32 v13, v5;
	v5 =	vld.idx.msk [tilespmem:v15+s14+$0x0], $0xffff;
	[tilespmem:s29+$0xFFFFFFD0] =	vst v7;
	v15 =	vmul.f32 v11, v61  }
0x27a: {  	v12 =	vld [tilespmem:s30+$0xFFFFFFA0];
	v8 =	vand.u32 $0xFFFF0000, v60;
	v7 =	vshll.u32 v60, $0x10;
	v14 =	vshll.u32 v14, $0x10;
	[tilespmem:s29+$0xFFFFFFE0] =	vst v9  }
0x27b: {  	s31 =	simm.s32 $0x8;
	s2 =	simm.s32 $0x170;
	v11 =	vld [tilespmem:s30+$0xFFFFFF90];
	v13 =	vand.u32 $0xFFFF0000, v62;
	v9 =	vshll.u32 v62, $0x10;
	[tilespmem:s29+$0x0] =	vst v63;
	v14 =	vadd.f32 v14, v15  }
.LBB2_25:
0x27c: {  	s0 =	sadd.s32 $0xFFFFFFF0, s2;
	v15 =	vor.u32 s2, v1;
	s31 =	sadd.s32 $0x8, s31;
	v16 =	vand.u32 $0xFFFF0000, v10;
	v10 =	vshll.u32 v10, $0x10;
	v17 =	vld [tilespmem:s30+$0xFFFFFFB0];
	s29 =	sadd.s32 $0x400, s29  }
0x27d: {  	s6 =	sadd.s32 $0xFFFFFFA0, s2;
	s7 =	sadd.s32 $0xFFFFFFB0, s2;
	v19 =	vand.u32 $0xFFFF0000, v4;
	v18 =	vor.u32 s0, v1;
	p0 =	slt.u32 s31, $0x78;
	v20 =	vld [tilespmem:s30+$0xFFFFFFC0];
	[tilespmem:s29+$0xFFFFFFF0] =	vst v14  }
0x27e: {  	v14 =	vor.u32 s6, v1;
	v21 =	vor.u32 s7, v1;
	s0 =	sadd.s32 $0xFFFFFFC0, s2;
	s6 =	sadd.s32 $0xFFFFFFD0, s2;
	s7 =	sadd.s32 $0xFFFFFFE0, s2;
	v22 =	vand.u32 $0xFFFF0000, v6;
	v23 =	vld [tilespmem:s30+$0xFFFFFFD0]  }
0x27f: {  	s9 =	sadd.s32 $0xFFFFFF90, s2;
	v24 =	vor.u32 s0, v1;
	v25 =	vor.u32 s6, v1;
	v26 =	vor.u32 s7, v1;
	v27 =	vld [tilespmem:s30+$0xFFFFFFE0]  }
0x280: {  	v28 =	vor.u32 s9, v1;
	v11 =	vmul.f32 v13, v11;
	v13 =	vand.u32 $0xFFFF0000, v5;
	v29 =	vld [tilespmem:s30+$0x0]  }
0x281: {  	v4 =	vshll.u32 v4, $0x10;
	v8 =	vmul.f32 v8, v12;
	v15 =	vld.idx.msk [tilespmem:v15+s14+$0x0], $0xffff;
	v12 =	vmul.f32 v16, v17  }
0x282: {  	v6 =	vshll.u32 v6, $0x10;
	v5 =	vshll.u32 v5, $0x10;
	v16 =	vld.idx.msk [tilespmem:v18+s14+$0x0], $0xffff;
	v17 =	vmul.f32 v19, v20  }
0x283: {  	s30 =	sadd.s32 $0x400, s30;
	v9 =	vadd.f32 v9, v11;
	v7 =	vadd.f32 v7, v8;
	v14 =	vld.idx.msk [tilespmem:v14+s14+$0x0], $0xffff;
	v8 =	vmul.f32 v22, v23  }
0x284: {  	v12 =	vadd.f32 v10, v12;
	v11 =	vld [tilespmem:s30+$0xFFFFFFF0];
	v17 =	vadd.f32 v4, v17;
	v4 =	vmul.f32 v13, v27  }
0x285: {  	v18 =	vld.idx.msk [tilespmem:v28+s14+$0x0], $0xffff;
	[tilespmem:s29+$0xFFFFFF90] =	vst v9;
	v9 =	vadd.f32 v6, v8;
	v6 =	vmul.f32 v3, v29  }
0x286: {  	v10 =	vld.idx.msk [tilespmem:v21+s14+$0x0], $0xffff;
	[tilespmem:s29+$0xFFFFFFA0] =	vst v7;
	v13 =	vadd.f32 v5, v4  }
.Ltmp14:
0x287: {  	v3 =	vand.u32 $0xFFFF0000, v15;
	v4 =	vld.idx.msk [tilespmem:v24+s14+$0x0], $0xffff;
	[tilespmem:s29+$0xFFFFFFB0] =	vst v12;
	v19 =	vadd.f32 v2, v6;
	v2 =	vshll.u32 v15, $0x10;
	(pc) =	sbr.rel @p0 .LBB2_25-.Ltmp14, $4  }
0x288: {  	v12 =	vand.u32 $0xFFFF0000, v16;
	v6 =	vld.idx.msk [tilespmem:v25+s14+$0x0], $0xffff;
	[tilespmem:s29+$0xFFFFFFC0] =	vst v17  }
0x289: {  	v8 =	vand.u32 $0xFFFF0000, v14;
	v7 =	vshll.u32 v14, $0x10;
	v5 =	vld.idx.msk [tilespmem:v26+s14+$0x0], $0xffff;
	v14 =	vmul.f32 v12, v11;
	[tilespmem:s29+$0xFFFFFFD0] =	vst v9  }
0x28a: {  	v15 =	vshll.u32 v16, $0x10;
	v11 =	vld [tilespmem:s30+$0xFFFFFF90];
	[tilespmem:s29+$0xFFFFFFE0] =	vst v13  }
0x28b: {  	s2 =	sadd.s32 $0x80, s2;
	v13 =	vand.u32 $0xFFFF0000, v18;
	v9 =	vshll.u32 v18, $0x10;
	v12 =	vld [tilespmem:s30+$0xFFFFFFA0];
	v14 =	vadd.f32 v15, v14;
	[tilespmem:s29+$0x0] =	vst v19  }
0x28c: {  	v1 =	vld [tilespmem:s30+$0xFFFFFFB0]  }
0x28d: {  	v15 =	vld [tilespmem:s30+$0xFFFFFFC0]  }
0x28e: {  	v16 =	vand.u32 $0xFFFF0000, v10;
	v10 =	vshll.u32 v10, $0x10;
	v17 =	vld [tilespmem:s30+$0xFFFFFFD0]  }
0x28f: {  	v18 =	vand.u32 $0xFFFF0000, v4;
	v21 =	vld [tilespmem:s30+$0x0];
	v4 =	vshll.u32 v4, $0x10;
	v11 =	vmul.f32 v13, v11  }
0x290: {  	v20 =	vld [tilespmem:s30+$0xFFFFFFE0];
	v19 =	vand.u32 $0xFFFF0000, v6;
	v6 =	vshll.u32 v6, $0x10;
	v8 =	vmul.f32 v8, v12  }
0x291: {  	s0 =	sadd.s32 $0x400, s29;
	s2 =	sor.u32 $0xA, s26;
	v13 =	vand.u32 $0xFFFF0000, v5;
	v1 =	vmul.f32 v16, v1;
	v9 =	vadd.f32 v9, v11  }
0x292: {  	[tilespmem:s0+$0xFFFFFFF0] =	vst v14;
	v12 =	vmul.f32 v18, v15;
	v7 =	vadd.f32 v7, v8;
	v8 =	vmov s2  }
0x293: {  	v11 =	vmul.f32 v19, v17;
	v1 =	vadd.f32 v10, v1;
	[tilespmem:s0+$0xFFFFFF90] =	vst v9;
	v8 =	vand.u32 $0xFFFFFFFA, v8  }
0x294: {  	v3 =	vmul.f32 v3, v21;
	v4 =	vadd.f32 v4, v12;
	[tilespmem:s0+$0xFFFFFFA0] =	vst v7;
	v7 =	vbroadcast v8, $0x0  }
0x295: {  	v9 =	vmul.f32 v13, v20;
	v6 =	vadd.f32 v6, v11;
	[tilespmem:s0+$0xFFFFFFB0] =	vst v1  }
0x296: {  	v5 =	vshll.u32 v5, $0x10;
	v2 =	vadd.f32 v2, v3;
	[tilespmem:s0+$0xFFFFFFC0] =	vst v4  }
0x297: {  	v1 =	vadd.f32 v5, v9;
	[tilespmem:s0+$0xFFFFFFD0] =	vst v6  }
0x298: {  	[tilespmem:s0+$0x0] =	vst v2  }
0x299: {  	[tilespmem:s0+$0xFFFFFFE0] =	vst v1  }
0x29a: {  	v1 =	vld.idx.msk [tilespmem:v7+s4+$0x0], $0xffff;
	_ =	sdelay $0x4  }
0x29b: {  	v1 =	vshll.u32 v1, $0xB  }
0x29c: {  	s6 =	simm.s32 $0x70;
	s0 =	simm.s32 $0xC270;
	v1 =	vor.u32 v0, v1  }
0x29d: {  	s7 =	simm.s32 $0x60;
	v10 =	vld [tilespmem:s0+$0xFFFFFFF0];
	v2 =	vor.u32 s6, v1  }
0x29e: {  	s9 =	simm.s32 $0x10;
	v11 =	vld [tilespmem:s0+$0xFFFFFF90];
	v3 =	vor.u32 s7, v1  }
0x29f: {  	s2 =	simm.s32 $0x0;
	v54 =	vld [tilespmem:s0+$0xFFFFFFB0];
	v4 =	vor.u32 s9, v1  }
0x2a0: {  	v55 =	vld [tilespmem:s0+$0xFFFFFFC0];
	v5 =	vor.u32 s2, v1;
	s7 =	simm.s32 $0x30  }
0x2a1: {  	v58 =	vld [tilespmem:s0+$0xFFFFFFD0];
	s9 =	simm.s32 $0x40;
	v7 =	vor.u32 s7, v1  }
0x2a2: {  	s6 =	simm.s32 $0x20;
	v8 =	vor.u32 s9, v1;
	v2 =	vld.idx.msk [tilespmem:v2+s14+$0x0], $0xffff  }
0x2a3: {  	v6 =	vor.u32 s6, v1;
	v3 =	vld.idx.msk [tilespmem:v3+s14+$0x0], $0xffff  }
0x2a4: {  	v4 =	vld.idx.msk [tilespmem:v4+s14+$0x0], $0xffff  }
0x2a5: {  	s6 =	simm.s32 $0x50;
	v5 =	vld.idx.msk [tilespmem:v5+s14+$0x0], $0xffff  }
0x2a6: {  	s9 =	simm.s32 $0x90;
	v9 =	vor.u32 s6, v1;
	s6 =	simm.s32 $0xF0;
	v7 =	vld.idx.msk [tilespmem:v7+s14+$0x0], $0xffff  }
0x2a7: {  	v57 =	vor.u32 s9, v1;
	s9 =	simm.s32 $0xA0;
	v53 =	vor.u32 s6, v1;
	s6 =	simm.s32 $0xB0;
	v8 =	vld.idx.msk [tilespmem:v8+s14+$0x0], $0xffff  }
0x2a8: {  	v26 =	vor.u32 s9, v1;
	v59 =	vor.u32 s6, v1;
	v6 =	vld.idx.msk [tilespmem:v6+s14+$0x0], $0xffff;
	v12 =	vand.u32 $0xFFFF0000, v2  }
0x2a9: {  	v22 =	vld [tilespmem:s0+$0xFFFFFFE0];
	s7 =	simm.s32 $0xE0;
	v13 =	vshll.u32 v2, $0x10;
	v14 =	vand.u32 $0xFFFF0000, v3;
	v15 =	vand.u32 $0xFFFF0000, v4  }
0x2aa: {  	v2 =	vld [tilespmem:s0+$0xFFFFFFA0];
	v4 =	vshll.u32 v4, $0x10;
	v10 =	vmul.f32 v14, v10;
	v14 =	vor.u32 s7, v1  }
0x2ab: {  	v9 =	vld.idx.msk [tilespmem:v9+s14+$0x0], $0xffff;
	v3 =	vshll.u32 v3, $0x10;
	v56 =	vand.u32 $0xFFFF0000, v5;
	v5 =	vshll.u32 v5, $0x10  }
0x2ac: {  	s30 =	simm.s32 $0xC670;
	v25 =	vld [tilespmem:s0+$0x0];
	s7 =	simm.s32 $0x80;
	v23 =	vand.u32 $0xFFFF0000, v7;
	v27 =	vand.u32 $0xFFFF0000, v8;
	v11 =	vmul.f32 v56, v11  }
0x2ad: {  	v61 =	vld [tilespmem:s30+$0xFFFFFFF0];
	v24 =	vor.u32 s7, v1;
	s7 =	simm.s32 $0xC0;
	v3 =	vadd.f32 v3, v10;
	v10 =	vand.u32 $0xFFFF0000, v6  }
0x2ae: {  	v16 =	vld.idx.msk [tilespmem:v53+s14+$0x0], $0xffff;
	v6 =	vshll.u32 v6, $0x10;
	v28 =	vor.u32 s7, v1;
	v10 =	vmul.f32 v10, v54  }
0x2af: {  	s29 =	simm.s32 $0x14270;
	s9 =	simm.s32 $0xD0;
	v5 =	vadd.f32 v5, v11;
	v11 =	vmul.f32 v23, v55;
	v2 =	vmul.f32 v15, v2;
	v14 =	vld.idx.msk [tilespmem:v14+s14+$0x0], $0xffff  }
0x2b0: {  	v60 =	vld.idx.msk [tilespmem:v57+s14+$0x0], $0xffff;
	v15 =	vor.u32 s9, v1;
	[tilespmem:s29+$0xFFFFFFF0] =	vst v3;
	v3 =	vand.u32 $0xFFFF0000, v9;
	v6 =	vadd.f32 v6, v10  }
0x2b1: {  	[tilespmem:s29+$0xFFFFFF90] =	vst v5;
	v10 =	vld.idx.msk [tilespmem:v26+s14+$0x0], $0xffff;
	v2 =	vadd.f32 v4, v2;
	v4 =	vshll.u32 v7, $0x10;
	v7 =	vmul.f32 v27, v58  }
0x2b2: {  	v5 =	vshll.u32 v8, $0x10;
	v3 =	vmul.f32 v3, v22;
	v62 =	vld.idx.msk [tilespmem:v24+s14+$0x0], $0xffff;
	v8 =	vadd.f32 v4, v11;
	[tilespmem:s29+$0xFFFFFFB0] =	vst v6  }
0x2b3: {  	v4 =	vld.idx.msk [tilespmem:v59+s14+$0x0], $0xffff;
	[tilespmem:s29+$0xFFFFFFA0] =	vst v2;
	v2 =	vshll.u32 v9, $0x10;
	v7 =	vadd.f32 v5, v7;
	v5 =	vmul.f32 v12, v25  }
0x2b4: {  	v6 =	vld.idx.msk [tilespmem:v28+s14+$0x0], $0xffff;
	v9 =	vadd.f32 v2, v3;
	v3 =	vand.u32 $0xFFFF0000, v16;
	[tilespmem:s29+$0xFFFFFFC0] =	vst v8;
	v11 =	vand.u32 $0xFFFF0000, v14  }
0x2b5: {  	v2 =	vshll.u32 v16, $0x10;
	v63 =	vadd.f32 v13, v5;
	v5 =	vld.idx.msk [tilespmem:v15+s14+$0x0], $0xffff;
	[tilespmem:s29+$0xFFFFFFD0] =	vst v7;
	v15 =	vmul.f32 v11, v61  }
0x2b6: {  	v12 =	vld [tilespmem:s30+$0xFFFFFFA0];
	v8 =	vand.u32 $0xFFFF0000, v60;
	v7 =	vshll.u32 v60, $0x10;
	v14 =	vshll.u32 v14, $0x10;
	[tilespmem:s29+$0xFFFFFFE0] =	vst v9  }
0x2b7: {  	s31 =	simm.s32 $0x8;
	s2 =	simm.s32 $0x170;
	v11 =	vld [tilespmem:s30+$0xFFFFFF90];
	v13 =	vand.u32 $0xFFFF0000, v62;
	v9 =	vshll.u32 v62, $0x10;
	[tilespmem:s29+$0x0] =	vst v63;
	v14 =	vadd.f32 v14, v15  }
.LBB2_27:
0x2b8: {  	s0 =	sadd.s32 $0xFFFFFFF0, s2;
	v15 =	vor.u32 s2, v1;
	s31 =	sadd.s32 $0x8, s31;
	v16 =	vand.u32 $0xFFFF0000, v10;
	v10 =	vshll.u32 v10, $0x10;
	v17 =	vld [tilespmem:s30+$0xFFFFFFB0];
	s29 =	sadd.s32 $0x400, s29  }
0x2b9: {  	s6 =	sadd.s32 $0xFFFFFFA0, s2;
	s7 =	sadd.s32 $0xFFFFFFB0, s2;
	v19 =	vand.u32 $0xFFFF0000, v4;
	v18 =	vor.u32 s0, v1;
	p0 =	slt.u32 s31, $0x78;
	v20 =	vld [tilespmem:s30+$0xFFFFFFC0];
	[tilespmem:s29+$0xFFFFFFF0] =	vst v14  }
0x2ba: {  	v14 =	vor.u32 s6, v1;
	v21 =	vor.u32 s7, v1;
	s0 =	sadd.s32 $0xFFFFFFC0, s2;
	s6 =	sadd.s32 $0xFFFFFFD0, s2;
	s7 =	sadd.s32 $0xFFFFFFE0, s2;
	v22 =	vand.u32 $0xFFFF0000, v6;
	v23 =	vld [tilespmem:s30+$0xFFFFFFD0]  }
0x2bb: {  	s9 =	sadd.s32 $0xFFFFFF90, s2;
	v24 =	vor.u32 s0, v1;
	v25 =	vor.u32 s6, v1;
	v26 =	vor.u32 s7, v1;
	v27 =	vld [tilespmem:s30+$0xFFFFFFE0]  }
0x2bc: {  	v28 =	vor.u32 s9, v1;
	v11 =	vmul.f32 v13, v11;
	v13 =	vand.u32 $0xFFFF0000, v5;
	v29 =	vld [tilespmem:s30+$0x0]  }
0x2bd: {  	v4 =	vshll.u32 v4, $0x10;
	v8 =	vmul.f32 v8, v12;
	v15 =	vld.idx.msk [tilespmem:v15+s14+$0x0], $0xffff;
	v12 =	vmul.f32 v16, v17  }
0x2be: {  	v6 =	vshll.u32 v6, $0x10;
	v5 =	vshll.u32 v5, $0x10;
	v16 =	vld.idx.msk [tilespmem:v18+s14+$0x0], $0xffff;
	v17 =	vmul.f32 v19, v20  }
0x2bf: {  	s30 =	sadd.s32 $0x400, s30;
	v9 =	vadd.f32 v9, v11;
	v7 =	vadd.f32 v7, v8;
	v14 =	vld.idx.msk [tilespmem:v14+s14+$0x0], $0xffff;
	v8 =	vmul.f32 v22, v23  }
0x2c0: {  	v12 =	vadd.f32 v10, v12;
	v11 =	vld [tilespmem:s30+$0xFFFFFFF0];
	v17 =	vadd.f32 v4, v17;
	v4 =	vmul.f32 v13, v27  }
0x2c1: {  	v18 =	vld.idx.msk [tilespmem:v28+s14+$0x0], $0xffff;
	[tilespmem:s29+$0xFFFFFF90] =	vst v9;
	v9 =	vadd.f32 v6, v8;
	v6 =	vmul.f32 v3, v29  }
0x2c2: {  	v10 =	vld.idx.msk [tilespmem:v21+s14+$0x0], $0xffff;
	[tilespmem:s29+$0xFFFFFFA0] =	vst v7;
	v13 =	vadd.f32 v5, v4  }
.Ltmp15:
0x2c3: {  	v3 =	vand.u32 $0xFFFF0000, v15;
	v4 =	vld.idx.msk [tilespmem:v24+s14+$0x0], $0xffff;
	[tilespmem:s29+$0xFFFFFFB0] =	vst v12;
	v19 =	vadd.f32 v2, v6;
	v2 =	vshll.u32 v15, $0x10;
	(pc) =	sbr.rel @p0 .LBB2_27-.Ltmp15, $4  }
0x2c4: {  	v12 =	vand.u32 $0xFFFF0000, v16;
	v6 =	vld.idx.msk [tilespmem:v25+s14+$0x0], $0xffff;
	[tilespmem:s29+$0xFFFFFFC0] =	vst v17  }
0x2c5: {  	v8 =	vand.u32 $0xFFFF0000, v14;
	v7 =	vshll.u32 v14, $0x10;
	v5 =	vld.idx.msk [tilespmem:v26+s14+$0x0], $0xffff;
	v14 =	vmul.f32 v12, v11;
	[tilespmem:s29+$0xFFFFFFD0] =	vst v9  }
0x2c6: {  	v15 =	vshll.u32 v16, $0x10;
	v11 =	vld [tilespmem:s30+$0xFFFFFF90];
	[tilespmem:s29+$0xFFFFFFE0] =	vst v13  }
0x2c7: {  	s2 =	sadd.s32 $0x80, s2;
	v13 =	vand.u32 $0xFFFF0000, v18;
	v9 =	vshll.u32 v18, $0x10;
	v12 =	vld [tilespmem:s30+$0xFFFFFFA0];
	v14 =	vadd.f32 v15, v14;
	[tilespmem:s29+$0x0] =	vst v19  }
0x2c8: {  	v1 =	vld [tilespmem:s30+$0xFFFFFFB0]  }
0x2c9: {  	v15 =	vld [tilespmem:s30+$0xFFFFFFC0]  }
0x2ca: {  	v16 =	vand.u32 $0xFFFF0000, v10;
	v10 =	vshll.u32 v10, $0x10;
	v17 =	vld [tilespmem:s30+$0xFFFFFFD0]  }
0x2cb: {  	v18 =	vand.u32 $0xFFFF0000, v4;
	v21 =	vld [tilespmem:s30+$0x0];
	v4 =	vshll.u32 v4, $0x10;
	v11 =	vmul.f32 v13, v11  }
0x2cc: {  	v20 =	vld [tilespmem:s30+$0xFFFFFFE0];
	v19 =	vand.u32 $0xFFFF0000, v6;
	v6 =	vshll.u32 v6, $0x10;
	v8 =	vmul.f32 v8, v12  }
0x2cd: {  	s0 =	sadd.s32 $0x400, s29;
	s2 =	sor.u32 $0xB, s26;
	v13 =	vand.u32 $0xFFFF0000, v5;
	v1 =	vmul.f32 v16, v1;
	v9 =	vadd.f32 v9, v11  }
0x2ce: {  	[tilespmem:s0+$0xFFFFFFF0] =	vst v14;
	v12 =	vmul.f32 v18, v15;
	v7 =	vadd.f32 v7, v8;
	v8 =	vmov s2  }
0x2cf: {  	v11 =	vmul.f32 v19, v17;
	v1 =	vadd.f32 v10, v1;
	[tilespmem:s0+$0xFFFFFF90] =	vst v9;
	v8 =	vand.u32 $0xFFFFFFFB, v8  }
0x2d0: {  	v3 =	vmul.f32 v3, v21;
	v4 =	vadd.f32 v4, v12;
	[tilespmem:s0+$0xFFFFFFA0] =	vst v7;
	v7 =	vbroadcast v8, $0x0  }
0x2d1: {  	v9 =	vmul.f32 v13, v20;
	v6 =	vadd.f32 v6, v11;
	[tilespmem:s0+$0xFFFFFFB0] =	vst v1  }
0x2d2: {  	v5 =	vshll.u32 v5, $0x10;
	v2 =	vadd.f32 v2, v3;
	[tilespmem:s0+$0xFFFFFFC0] =	vst v4  }
0x2d3: {  	v1 =	vadd.f32 v5, v9;
	[tilespmem:s0+$0xFFFFFFD0] =	vst v6  }
0x2d4: {  	[tilespmem:s0+$0x0] =	vst v2  }
0x2d5: {  	[tilespmem:s0+$0xFFFFFFE0] =	vst v1  }
0x2d6: {  	v1 =	vld.idx.msk [tilespmem:v7+s4+$0x0], $0xffff;
	_ =	sdelay $0x4  }
0x2d7: {  	v1 =	vshll.u32 v1, $0xB  }
0x2d8: {  	s6 =	simm.s32 $0x70;
	s0 =	simm.s32 $0xC2F0;
	v1 =	vor.u32 v0, v1  }
0x2d9: {  	s7 =	simm.s32 $0x60;
	v10 =	vld [tilespmem:s0+$0xFFFFFFF0];
	v2 =	vor.u32 s6, v1  }
0x2da: {  	s9 =	simm.s32 $0x10;
	v11 =	vld [tilespmem:s0+$0xFFFFFF90];
	v3 =	vor.u32 s7, v1  }
0x2db: {  	s2 =	simm.s32 $0x0;
	v54 =	vld [tilespmem:s0+$0xFFFFFFB0];
	v4 =	vor.u32 s9, v1  }
0x2dc: {  	v55 =	vld [tilespmem:s0+$0xFFFFFFC0];
	v5 =	vor.u32 s2, v1;
	s7 =	simm.s32 $0x30  }
0x2dd: {  	v58 =	vld [tilespmem:s0+$0xFFFFFFD0];
	s9 =	simm.s32 $0x40;
	v7 =	vor.u32 s7, v1  }
0x2de: {  	s6 =	simm.s32 $0x20;
	v8 =	vor.u32 s9, v1;
	v2 =	vld.idx.msk [tilespmem:v2+s14+$0x0], $0xffff  }
0x2df: {  	v6 =	vor.u32 s6, v1;
	v3 =	vld.idx.msk [tilespmem:v3+s14+$0x0], $0xffff  }
0x2e0: {  	v4 =	vld.idx.msk [tilespmem:v4+s14+$0x0], $0xffff  }
0x2e1: {  	s6 =	simm.s32 $0x50;
	v5 =	vld.idx.msk [tilespmem:v5+s14+$0x0], $0xffff  }
0x2e2: {  	s9 =	simm.s32 $0x90;
	v9 =	vor.u32 s6, v1;
	s6 =	simm.s32 $0xF0;
	v7 =	vld.idx.msk [tilespmem:v7+s14+$0x0], $0xffff  }
0x2e3: {  	v57 =	vor.u32 s9, v1;
	s9 =	simm.s32 $0xA0;
	v53 =	vor.u32 s6, v1;
	s6 =	simm.s32 $0xB0;
	v8 =	vld.idx.msk [tilespmem:v8+s14+$0x0], $0xffff  }
0x2e4: {  	v26 =	vor.u32 s9, v1;
	v59 =	vor.u32 s6, v1;
	v6 =	vld.idx.msk [tilespmem:v6+s14+$0x0], $0xffff;
	v12 =	vand.u32 $0xFFFF0000, v2  }
0x2e5: {  	v22 =	vld [tilespmem:s0+$0xFFFFFFE0];
	s7 =	simm.s32 $0xE0;
	v13 =	vshll.u32 v2, $0x10;
	v14 =	vand.u32 $0xFFFF0000, v3;
	v15 =	vand.u32 $0xFFFF0000, v4  }
0x2e6: {  	v2 =	vld [tilespmem:s0+$0xFFFFFFA0];
	v4 =	vshll.u32 v4, $0x10;
	v10 =	vmul.f32 v14, v10;
	v14 =	vor.u32 s7, v1  }
0x2e7: {  	v9 =	vld.idx.msk [tilespmem:v9+s14+$0x0], $0xffff;
	v3 =	vshll.u32 v3, $0x10;
	v56 =	vand.u32 $0xFFFF0000, v5;
	v5 =	vshll.u32 v5, $0x10  }
0x2e8: {  	s30 =	simm.s32 $0xC6F0;
	v25 =	vld [tilespmem:s0+$0x0];
	s7 =	simm.s32 $0x80;
	v23 =	vand.u32 $0xFFFF0000, v7;
	v27 =	vand.u32 $0xFFFF0000, v8;
	v11 =	vmul.f32 v56, v11  }
0x2e9: {  	v61 =	vld [tilespmem:s30+$0xFFFFFFF0];
	v24 =	vor.u32 s7, v1;
	s7 =	simm.s32 $0xC0;
	v3 =	vadd.f32 v3, v10;
	v10 =	vand.u32 $0xFFFF0000, v6  }
0x2ea: {  	v16 =	vld.idx.msk [tilespmem:v53+s14+$0x0], $0xffff;
	v6 =	vshll.u32 v6, $0x10;
	v28 =	vor.u32 s7, v1;
	v10 =	vmul.f32 v10, v54  }
0x2eb: {  	s29 =	simm.s32 $0x142F0;
	s9 =	simm.s32 $0xD0;
	v5 =	vadd.f32 v5, v11;
	v11 =	vmul.f32 v23, v55;
	v2 =	vmul.f32 v15, v2;
	v14 =	vld.idx.msk [tilespmem:v14+s14+$0x0], $0xffff  }
0x2ec: {  	v60 =	vld.idx.msk [tilespmem:v57+s14+$0x0], $0xffff;
	v15 =	vor.u32 s9, v1;
	[tilespmem:s29+$0xFFFFFFF0] =	vst v3;
	v3 =	vand.u32 $0xFFFF0000, v9;
	v6 =	vadd.f32 v6, v10  }
0x2ed: {  	[tilespmem:s29+$0xFFFFFF90] =	vst v5;
	v10 =	vld.idx.msk [tilespmem:v26+s14+$0x0], $0xffff;
	v2 =	vadd.f32 v4, v2;
	v4 =	vshll.u32 v7, $0x10;
	v7 =	vmul.f32 v27, v58  }
0x2ee: {  	v5 =	vshll.u32 v8, $0x10;
	v3 =	vmul.f32 v3, v22;
	v62 =	vld.idx.msk [tilespmem:v24+s14+$0x0], $0xffff;
	v8 =	vadd.f32 v4, v11;
	[tilespmem:s29+$0xFFFFFFB0] =	vst v6  }
0x2ef: {  	v4 =	vld.idx.msk [tilespmem:v59+s14+$0x0], $0xffff;
	[tilespmem:s29+$0xFFFFFFA0] =	vst v2;
	v2 =	vshll.u32 v9, $0x10;
	v7 =	vadd.f32 v5, v7;
	v5 =	vmul.f32 v12, v25  }
0x2f0: {  	v6 =	vld.idx.msk [tilespmem:v28+s14+$0x0], $0xffff;
	v9 =	vadd.f32 v2, v3;
	v3 =	vand.u32 $0xFFFF0000, v16;
	[tilespmem:s29+$0xFFFFFFC0] =	vst v8;
	v11 =	vand.u32 $0xFFFF0000, v14  }
0x2f1: {  	v2 =	vshll.u32 v16, $0x10;
	v63 =	vadd.f32 v13, v5;
	v5 =	vld.idx.msk [tilespmem:v15+s14+$0x0], $0xffff;
	[tilespmem:s29+$0xFFFFFFD0] =	vst v7;
	v15 =	vmul.f32 v11, v61  }
0x2f2: {  	v12 =	vld [tilespmem:s30+$0xFFFFFFA0];
	v8 =	vand.u32 $0xFFFF0000, v60;
	v7 =	vshll.u32 v60, $0x10;
	v14 =	vshll.u32 v14, $0x10;
	[tilespmem:s29+$0xFFFFFFE0] =	vst v9  }
0x2f3: {  	s31 =	simm.s32 $0x8;
	s2 =	simm.s32 $0x170;
	v11 =	vld [tilespmem:s30+$0xFFFFFF90];
	v13 =	vand.u32 $0xFFFF0000, v62;
	v9 =	vshll.u32 v62, $0x10;
	[tilespmem:s29+$0x0] =	vst v63;
	v14 =	vadd.f32 v14, v15  }
.LBB2_29:
0x2f4: {  	s0 =	sadd.s32 $0xFFFFFFF0, s2;
	v15 =	vor.u32 s2, v1;
	s31 =	sadd.s32 $0x8, s31;
	v16 =	vand.u32 $0xFFFF0000, v10;
	v10 =	vshll.u32 v10, $0x10;
	v17 =	vld [tilespmem:s30+$0xFFFFFFB0];
	s29 =	sadd.s32 $0x400, s29  }
0x2f5: {  	s6 =	sadd.s32 $0xFFFFFFA0, s2;
	s7 =	sadd.s32 $0xFFFFFFB0, s2;
	v19 =	vand.u32 $0xFFFF0000, v4;
	v18 =	vor.u32 s0, v1;
	p0 =	slt.u32 s31, $0x78;
	v20 =	vld [tilespmem:s30+$0xFFFFFFC0];
	[tilespmem:s29+$0xFFFFFFF0] =	vst v14  }
0x2f6: {  	v14 =	vor.u32 s6, v1;
	v21 =	vor.u32 s7, v1;
	s0 =	sadd.s32 $0xFFFFFFC0, s2;
	s6 =	sadd.s32 $0xFFFFFFD0, s2;
	s7 =	sadd.s32 $0xFFFFFFE0, s2;
	v22 =	vand.u32 $0xFFFF0000, v6;
	v23 =	vld [tilespmem:s30+$0xFFFFFFD0]  }
0x2f7: {  	s9 =	sadd.s32 $0xFFFFFF90, s2;
	v24 =	vor.u32 s0, v1;
	v25 =	vor.u32 s6, v1;
	v26 =	vor.u32 s7, v1;
	v27 =	vld [tilespmem:s30+$0xFFFFFFE0]  }
0x2f8: {  	v28 =	vor.u32 s9, v1;
	v11 =	vmul.f32 v13, v11;
	v13 =	vand.u32 $0xFFFF0000, v5;
	v29 =	vld [tilespmem:s30+$0x0]  }
0x2f9: {  	v4 =	vshll.u32 v4, $0x10;
	v8 =	vmul.f32 v8, v12;
	v15 =	vld.idx.msk [tilespmem:v15+s14+$0x0], $0xffff;
	v12 =	vmul.f32 v16, v17  }
0x2fa: {  	v6 =	vshll.u32 v6, $0x10;
	v5 =	vshll.u32 v5, $0x10;
	v16 =	vld.idx.msk [tilespmem:v18+s14+$0x0], $0xffff;
	v17 =	vmul.f32 v19, v20  }
0x2fb: {  	s30 =	sadd.s32 $0x400, s30;
	v9 =	vadd.f32 v9, v11;
	v7 =	vadd.f32 v7, v8;
	v14 =	vld.idx.msk [tilespmem:v14+s14+$0x0], $0xffff;
	v8 =	vmul.f32 v22, v23  }
0x2fc: {  	v12 =	vadd.f32 v10, v12;
	v11 =	vld [tilespmem:s30+$0xFFFFFFF0];
	v17 =	vadd.f32 v4, v17;
	v4 =	vmul.f32 v13, v27  }
0x2fd: {  	v18 =	vld.idx.msk [tilespmem:v28+s14+$0x0], $0xffff;
	[tilespmem:s29+$0xFFFFFF90] =	vst v9;
	v9 =	vadd.f32 v6, v8;
	v6 =	vmul.f32 v3, v29  }
0x2fe: {  	v10 =	vld.idx.msk [tilespmem:v21+s14+$0x0], $0xffff;
	[tilespmem:s29+$0xFFFFFFA0] =	vst v7;
	v13 =	vadd.f32 v5, v4  }
.Ltmp16:
0x2ff: {  	v3 =	vand.u32 $0xFFFF0000, v15;
	v4 =	vld.idx.msk [tilespmem:v24+s14+$0x0], $0xffff;
	[tilespmem:s29+$0xFFFFFFB0] =	vst v12;
	v19 =	vadd.f32 v2, v6;
	v2 =	vshll.u32 v15, $0x10;
	(pc) =	sbr.rel @p0 .LBB2_29-.Ltmp16, $4  }
0x300: {  	v12 =	vand.u32 $0xFFFF0000, v16;
	v6 =	vld.idx.msk [tilespmem:v25+s14+$0x0], $0xffff;
	[tilespmem:s29+$0xFFFFFFC0] =	vst v17  }
0x301: {  	v8 =	vand.u32 $0xFFFF0000, v14;
	v7 =	vshll.u32 v14, $0x10;
	v5 =	vld.idx.msk [tilespmem:v26+s14+$0x0], $0xffff;
	v14 =	vmul.f32 v12, v11;
	[tilespmem:s29+$0xFFFFFFD0] =	vst v9  }
0x302: {  	v15 =	vshll.u32 v16, $0x10;
	v11 =	vld [tilespmem:s30+$0xFFFFFF90];
	[tilespmem:s29+$0xFFFFFFE0] =	vst v13  }
0x303: {  	s2 =	sadd.s32 $0x80, s2;
	v13 =	vand.u32 $0xFFFF0000, v18;
	v9 =	vshll.u32 v18, $0x10;
	v12 =	vld [tilespmem:s30+$0xFFFFFFA0];
	v14 =	vadd.f32 v15, v14;
	[tilespmem:s29+$0x0] =	vst v19  }
0x304: {  	v1 =	vld [tilespmem:s30+$0xFFFFFFB0]  }
0x305: {  	v15 =	vld [tilespmem:s30+$0xFFFFFFC0]  }
0x306: {  	v16 =	vand.u32 $0xFFFF0000, v10;
	v10 =	vshll.u32 v10, $0x10;
	v17 =	vld [tilespmem:s30+$0xFFFFFFD0]  }
0x307: {  	v18 =	vand.u32 $0xFFFF0000, v4;
	v21 =	vld [tilespmem:s30+$0x0];
	v4 =	vshll.u32 v4, $0x10;
	v11 =	vmul.f32 v13, v11  }
0x308: {  	v20 =	vld [tilespmem:s30+$0xFFFFFFE0];
	v19 =	vand.u32 $0xFFFF0000, v6;
	v6 =	vshll.u32 v6, $0x10;
	v8 =	vmul.f32 v8, v12  }
0x309: {  	s0 =	sadd.s32 $0x400, s29;
	s2 =	sor.u32 $0xC, s26;
	v13 =	vand.u32 $0xFFFF0000, v5;
	v1 =	vmul.f32 v16, v1;
	v9 =	vadd.f32 v9, v11  }
0x30a: {  	[tilespmem:s0+$0xFFFFFFF0] =	vst v14;
	v12 =	vmul.f32 v18, v15;
	v7 =	vadd.f32 v7, v8;
	v8 =	vmov s2  }
0x30b: {  	v11 =	vmul.f32 v19, v17;
	v1 =	vadd.f32 v10, v1;
	[tilespmem:s0+$0xFFFFFF90] =	vst v9;
	v8 =	vand.u32 $0xFFFFFFFC, v8  }
0x30c: {  	v3 =	vmul.f32 v3, v21;
	v4 =	vadd.f32 v4, v12;
	[tilespmem:s0+$0xFFFFFFA0] =	vst v7;
	v7 =	vbroadcast v8, $0x0  }
0x30d: {  	v9 =	vmul.f32 v13, v20;
	v6 =	vadd.f32 v6, v11;
	[tilespmem:s0+$0xFFFFFFB0] =	vst v1  }
0x30e: {  	v5 =	vshll.u32 v5, $0x10;
	v2 =	vadd.f32 v2, v3;
	[tilespmem:s0+$0xFFFFFFC0] =	vst v4  }
0x30f: {  	v1 =	vadd.f32 v5, v9;
	[tilespmem:s0+$0xFFFFFFD0] =	vst v6  }
0x310: {  	[tilespmem:s0+$0x0] =	vst v2  }
0x311: {  	[tilespmem:s0+$0xFFFFFFE0] =	vst v1  }
0x312: {  	v1 =	vld.idx.msk [tilespmem:v7+s4+$0x0], $0xffff;
	_ =	sdelay $0x4  }
0x313: {  	v1 =	vshll.u32 v1, $0xB  }
0x314: {  	s6 =	simm.s32 $0x70;
	s0 =	simm.s32 $0xC370;
	v1 =	vor.u32 v0, v1  }
0x315: {  	s7 =	simm.s32 $0x60;
	v10 =	vld [tilespmem:s0+$0xFFFFFFF0];
	v2 =	vor.u32 s6, v1  }
0x316: {  	s9 =	simm.s32 $0x10;
	v11 =	vld [tilespmem:s0+$0xFFFFFF90];
	v3 =	vor.u32 s7, v1  }
0x317: {  	s2 =	simm.s32 $0x0;
	v54 =	vld [tilespmem:s0+$0xFFFFFFB0];
	v4 =	vor.u32 s9, v1  }
0x318: {  	v55 =	vld [tilespmem:s0+$0xFFFFFFC0];
	v5 =	vor.u32 s2, v1;
	s7 =	simm.s32 $0x30  }
0x319: {  	v58 =	vld [tilespmem:s0+$0xFFFFFFD0];
	s9 =	simm.s32 $0x40;
	v7 =	vor.u32 s7, v1  }
0x31a: {  	s6 =	simm.s32 $0x20;
	v8 =	vor.u32 s9, v1;
	v2 =	vld.idx.msk [tilespmem:v2+s14+$0x0], $0xffff  }
0x31b: {  	v6 =	vor.u32 s6, v1;
	v3 =	vld.idx.msk [tilespmem:v3+s14+$0x0], $0xffff  }
0x31c: {  	v4 =	vld.idx.msk [tilespmem:v4+s14+$0x0], $0xffff  }
0x31d: {  	s6 =	simm.s32 $0x50;
	v5 =	vld.idx.msk [tilespmem:v5+s14+$0x0], $0xffff  }
0x31e: {  	s9 =	simm.s32 $0x90;
	v9 =	vor.u32 s6, v1;
	s6 =	simm.s32 $0xF0;
	v7 =	vld.idx.msk [tilespmem:v7+s14+$0x0], $0xffff  }
0x31f: {  	v57 =	vor.u32 s9, v1;
	s9 =	simm.s32 $0xA0;
	v53 =	vor.u32 s6, v1;
	s6 =	simm.s32 $0xB0;
	v8 =	vld.idx.msk [tilespmem:v8+s14+$0x0], $0xffff  }
0x320: {  	v26 =	vor.u32 s9, v1;
	v59 =	vor.u32 s6, v1;
	v6 =	vld.idx.msk [tilespmem:v6+s14+$0x0], $0xffff;
	v12 =	vand.u32 $0xFFFF0000, v2  }
0x321: {  	v22 =	vld [tilespmem:s0+$0xFFFFFFE0];
	s7 =	simm.s32 $0xE0;
	v13 =	vshll.u32 v2, $0x10;
	v14 =	vand.u32 $0xFFFF0000, v3;
	v15 =	vand.u32 $0xFFFF0000, v4  }
0x322: {  	v2 =	vld [tilespmem:s0+$0xFFFFFFA0];
	v4 =	vshll.u32 v4, $0x10;
	v10 =	vmul.f32 v14, v10;
	v14 =	vor.u32 s7, v1  }
0x323: {  	v9 =	vld.idx.msk [tilespmem:v9+s14+$0x0], $0xffff;
	v3 =	vshll.u32 v3, $0x10;
	v56 =	vand.u32 $0xFFFF0000, v5;
	v5 =	vshll.u32 v5, $0x10  }
0x324: {  	s30 =	simm.s32 $0xC770;
	v25 =	vld [tilespmem:s0+$0x0];
	s7 =	simm.s32 $0x80;
	v23 =	vand.u32 $0xFFFF0000, v7;
	v27 =	vand.u32 $0xFFFF0000, v8;
	v11 =	vmul.f32 v56, v11  }
0x325: {  	v61 =	vld [tilespmem:s30+$0xFFFFFFF0];
	v24 =	vor.u32 s7, v1;
	s7 =	simm.s32 $0xC0;
	v3 =	vadd.f32 v3, v10;
	v10 =	vand.u32 $0xFFFF0000, v6  }
0x326: {  	v16 =	vld.idx.msk [tilespmem:v53+s14+$0x0], $0xffff;
	v6 =	vshll.u32 v6, $0x10;
	v28 =	vor.u32 s7, v1;
	v10 =	vmul.f32 v10, v54  }
0x327: {  	s29 =	simm.s32 $0x14370;
	s9 =	simm.s32 $0xD0;
	v5 =	vadd.f32 v5, v11;
	v11 =	vmul.f32 v23, v55;
	v2 =	vmul.f32 v15, v2;
	v14 =	vld.idx.msk [tilespmem:v14+s14+$0x0], $0xffff  }
0x328: {  	v60 =	vld.idx.msk [tilespmem:v57+s14+$0x0], $0xffff;
	v15 =	vor.u32 s9, v1;
	[tilespmem:s29+$0xFFFFFFF0] =	vst v3;
	v3 =	vand.u32 $0xFFFF0000, v9;
	v6 =	vadd.f32 v6, v10  }
0x329: {  	[tilespmem:s29+$0xFFFFFF90] =	vst v5;
	v10 =	vld.idx.msk [tilespmem:v26+s14+$0x0], $0xffff;
	v2 =	vadd.f32 v4, v2;
	v4 =	vshll.u32 v7, $0x10;
	v7 =	vmul.f32 v27, v58  }
0x32a: {  	v5 =	vshll.u32 v8, $0x10;
	v3 =	vmul.f32 v3, v22;
	v62 =	vld.idx.msk [tilespmem:v24+s14+$0x0], $0xffff;
	v8 =	vadd.f32 v4, v11;
	[tilespmem:s29+$0xFFFFFFB0] =	vst v6  }
0x32b: {  	v4 =	vld.idx.msk [tilespmem:v59+s14+$0x0], $0xffff;
	[tilespmem:s29+$0xFFFFFFA0] =	vst v2;
	v2 =	vshll.u32 v9, $0x10;
	v7 =	vadd.f32 v5, v7;
	v5 =	vmul.f32 v12, v25  }
0x32c: {  	v6 =	vld.idx.msk [tilespmem:v28+s14+$0x0], $0xffff;
	v9 =	vadd.f32 v2, v3;
	v3 =	vand.u32 $0xFFFF0000, v16;
	[tilespmem:s29+$0xFFFFFFC0] =	vst v8;
	v11 =	vand.u32 $0xFFFF0000, v14  }
0x32d: {  	v2 =	vshll.u32 v16, $0x10;
	v63 =	vadd.f32 v13, v5;
	v5 =	vld.idx.msk [tilespmem:v15+s14+$0x0], $0xffff;
	[tilespmem:s29+$0xFFFFFFD0] =	vst v7;
	v15 =	vmul.f32 v11, v61  }
0x32e: {  	v12 =	vld [tilespmem:s30+$0xFFFFFFA0];
	v8 =	vand.u32 $0xFFFF0000, v60;
	v7 =	vshll.u32 v60, $0x10;
	v14 =	vshll.u32 v14, $0x10;
	[tilespmem:s29+$0xFFFFFFE0] =	vst v9  }
0x32f: {  	s31 =	simm.s32 $0x8;
	s2 =	simm.s32 $0x170;
	v11 =	vld [tilespmem:s30+$0xFFFFFF90];
	v13 =	vand.u32 $0xFFFF0000, v62;
	v9 =	vshll.u32 v62, $0x10;
	[tilespmem:s29+$0x0] =	vst v63;
	v14 =	vadd.f32 v14, v15  }
.LBB2_31:
0x330: {  	s0 =	sadd.s32 $0xFFFFFFF0, s2;
	v15 =	vor.u32 s2, v1;
	s31 =	sadd.s32 $0x8, s31;
	v16 =	vand.u32 $0xFFFF0000, v10;
	v10 =	vshll.u32 v10, $0x10;
	v17 =	vld [tilespmem:s30+$0xFFFFFFB0];
	s29 =	sadd.s32 $0x400, s29  }
0x331: {  	s6 =	sadd.s32 $0xFFFFFFA0, s2;
	s7 =	sadd.s32 $0xFFFFFFB0, s2;
	v19 =	vand.u32 $0xFFFF0000, v4;
	v18 =	vor.u32 s0, v1;
	p0 =	slt.u32 s31, $0x78;
	v20 =	vld [tilespmem:s30+$0xFFFFFFC0];
	[tilespmem:s29+$0xFFFFFFF0] =	vst v14  }
0x332: {  	v14 =	vor.u32 s6, v1;
	v21 =	vor.u32 s7, v1;
	s0 =	sadd.s32 $0xFFFFFFC0, s2;
	s6 =	sadd.s32 $0xFFFFFFD0, s2;
	s7 =	sadd.s32 $0xFFFFFFE0, s2;
	v22 =	vand.u32 $0xFFFF0000, v6;
	v23 =	vld [tilespmem:s30+$0xFFFFFFD0]  }
0x333: {  	s9 =	sadd.s32 $0xFFFFFF90, s2;
	v24 =	vor.u32 s0, v1;
	v25 =	vor.u32 s6, v1;
	v26 =	vor.u32 s7, v1;
	v27 =	vld [tilespmem:s30+$0xFFFFFFE0]  }
0x334: {  	v28 =	vor.u32 s9, v1;
	v11 =	vmul.f32 v13, v11;
	v13 =	vand.u32 $0xFFFF0000, v5;
	v29 =	vld [tilespmem:s30+$0x0]  }
0x335: {  	v4 =	vshll.u32 v4, $0x10;
	v8 =	vmul.f32 v8, v12;
	v15 =	vld.idx.msk [tilespmem:v15+s14+$0x0], $0xffff;
	v12 =	vmul.f32 v16, v17  }
0x336: {  	v6 =	vshll.u32 v6, $0x10;
	v5 =	vshll.u32 v5, $0x10;
	v16 =	vld.idx.msk [tilespmem:v18+s14+$0x0], $0xffff;
	v17 =	vmul.f32 v19, v20  }
0x337: {  	s30 =	sadd.s32 $0x400, s30;
	v9 =	vadd.f32 v9, v11;
	v7 =	vadd.f32 v7, v8;
	v14 =	vld.idx.msk [tilespmem:v14+s14+$0x0], $0xffff;
	v8 =	vmul.f32 v22, v23  }
0x338: {  	v12 =	vadd.f32 v10, v12;
	v11 =	vld [tilespmem:s30+$0xFFFFFFF0];
	v17 =	vadd.f32 v4, v17;
	v4 =	vmul.f32 v13, v27  }
0x339: {  	v18 =	vld.idx.msk [tilespmem:v28+s14+$0x0], $0xffff;
	[tilespmem:s29+$0xFFFFFF90] =	vst v9;
	v9 =	vadd.f32 v6, v8;
	v6 =	vmul.f32 v3, v29  }
0x33a: {  	v10 =	vld.idx.msk [tilespmem:v21+s14+$0x0], $0xffff;
	[tilespmem:s29+$0xFFFFFFA0] =	vst v7;
	v13 =	vadd.f32 v5, v4  }
.Ltmp17:
0x33b: {  	v3 =	vand.u32 $0xFFFF0000, v15;
	v4 =	vld.idx.msk [tilespmem:v24+s14+$0x0], $0xffff;
	[tilespmem:s29+$0xFFFFFFB0] =	vst v12;
	v19 =	vadd.f32 v2, v6;
	v2 =	vshll.u32 v15, $0x10;
	(pc) =	sbr.rel @p0 .LBB2_31-.Ltmp17, $4  }
0x33c: {  	v12 =	vand.u32 $0xFFFF0000, v16;
	v6 =	vld.idx.msk [tilespmem:v25+s14+$0x0], $0xffff;
	[tilespmem:s29+$0xFFFFFFC0] =	vst v17  }
0x33d: {  	v8 =	vand.u32 $0xFFFF0000, v14;
	v7 =	vshll.u32 v14, $0x10;
	v5 =	vld.idx.msk [tilespmem:v26+s14+$0x0], $0xffff;
	v14 =	vmul.f32 v12, v11;
	[tilespmem:s29+$0xFFFFFFD0] =	vst v9  }
0x33e: {  	v15 =	vshll.u32 v16, $0x10;
	v11 =	vld [tilespmem:s30+$0xFFFFFF90];
	[tilespmem:s29+$0xFFFFFFE0] =	vst v13  }
0x33f: {  	s2 =	sadd.s32 $0x80, s2;
	v13 =	vand.u32 $0xFFFF0000, v18;
	v9 =	vshll.u32 v18, $0x10;
	v12 =	vld [tilespmem:s30+$0xFFFFFFA0];
	v14 =	vadd.f32 v15, v14;
	[tilespmem:s29+$0x0] =	vst v19  }
0x340: {  	v1 =	vld [tilespmem:s30+$0xFFFFFFB0]  }
0x341: {  	v15 =	vld [tilespmem:s30+$0xFFFFFFC0]  }
0x342: {  	v16 =	vand.u32 $0xFFFF0000, v10;
	v10 =	vshll.u32 v10, $0x10;
	v17 =	vld [tilespmem:s30+$0xFFFFFFD0]  }
0x343: {  	v18 =	vand.u32 $0xFFFF0000, v4;
	v21 =	vld [tilespmem:s30+$0x0];
	v4 =	vshll.u32 v4, $0x10;
	v11 =	vmul.f32 v13, v11  }
0x344: {  	v20 =	vld [tilespmem:s30+$0xFFFFFFE0];
	v19 =	vand.u32 $0xFFFF0000, v6;
	v6 =	vshll.u32 v6, $0x10;
	v8 =	vmul.f32 v8, v12  }
0x345: {  	s0 =	sadd.s32 $0x400, s29;
	s2 =	sor.u32 $0xD, s26;
	v13 =	vand.u32 $0xFFFF0000, v5;
	v1 =	vmul.f32 v16, v1;
	v9 =	vadd.f32 v9, v11  }
0x346: {  	[tilespmem:s0+$0xFFFFFFF0] =	vst v14;
	v12 =	vmul.f32 v18, v15;
	v7 =	vadd.f32 v7, v8;
	v8 =	vmov s2  }
0x347: {  	v11 =	vmul.f32 v19, v17;
	v1 =	vadd.f32 v10, v1;
	[tilespmem:s0+$0xFFFFFF90] =	vst v9;
	v8 =	vand.u32 $0xFFFFFFFD, v8  }
0x348: {  	v3 =	vmul.f32 v3, v21;
	v4 =	vadd.f32 v4, v12;
	[tilespmem:s0+$0xFFFFFFA0] =	vst v7;
	v7 =	vbroadcast v8, $0x0  }
0x349: {  	v9 =	vmul.f32 v13, v20;
	v6 =	vadd.f32 v6, v11;
	[tilespmem:s0+$0xFFFFFFB0] =	vst v1  }
0x34a: {  	v5 =	vshll.u32 v5, $0x10;
	v2 =	vadd.f32 v2, v3;
	[tilespmem:s0+$0xFFFFFFC0] =	vst v4  }
0x34b: {  	v1 =	vadd.f32 v5, v9;
	[tilespmem:s0+$0xFFFFFFD0] =	vst v6  }
0x34c: {  	[tilespmem:s0+$0x0] =	vst v2  }
0x34d: {  	[tilespmem:s0+$0xFFFFFFE0] =	vst v1  }
0x34e: {  	v1 =	vld.idx.msk [tilespmem:v7+s4+$0x0], $0xffff;
	_ =	sdelay $0x4  }
0x34f: {  	v1 =	vshll.u32 v1, $0xB  }
0x350: {  	s6 =	simm.s32 $0x70;
	s0 =	simm.s32 $0xC3F0;
	v1 =	vor.u32 v0, v1  }
0x351: {  	s7 =	simm.s32 $0x60;
	v10 =	vld [tilespmem:s0+$0xFFFFFFF0];
	v2 =	vor.u32 s6, v1  }
0x352: {  	s9 =	simm.s32 $0x10;
	v11 =	vld [tilespmem:s0+$0xFFFFFF90];
	v3 =	vor.u32 s7, v1  }
0x353: {  	s2 =	simm.s32 $0x0;
	v54 =	vld [tilespmem:s0+$0xFFFFFFB0];
	v4 =	vor.u32 s9, v1  }
0x354: {  	v55 =	vld [tilespmem:s0+$0xFFFFFFC0];
	v5 =	vor.u32 s2, v1;
	s7 =	simm.s32 $0x30  }
0x355: {  	v58 =	vld [tilespmem:s0+$0xFFFFFFD0];
	s9 =	simm.s32 $0x40;
	v7 =	vor.u32 s7, v1  }
0x356: {  	s6 =	simm.s32 $0x20;
	v8 =	vor.u32 s9, v1;
	v2 =	vld.idx.msk [tilespmem:v2+s14+$0x0], $0xffff  }
0x357: {  	v6 =	vor.u32 s6, v1;
	v3 =	vld.idx.msk [tilespmem:v3+s14+$0x0], $0xffff  }
0x358: {  	v4 =	vld.idx.msk [tilespmem:v4+s14+$0x0], $0xffff  }
0x359: {  	s6 =	simm.s32 $0x50;
	v5 =	vld.idx.msk [tilespmem:v5+s14+$0x0], $0xffff  }
0x35a: {  	s9 =	simm.s32 $0x90;
	v9 =	vor.u32 s6, v1;
	s6 =	simm.s32 $0xF0;
	v7 =	vld.idx.msk [tilespmem:v7+s14+$0x0], $0xffff  }
0x35b: {  	v57 =	vor.u32 s9, v1;
	s9 =	simm.s32 $0xA0;
	v53 =	vor.u32 s6, v1;
	s6 =	simm.s32 $0xB0;
	v8 =	vld.idx.msk [tilespmem:v8+s14+$0x0], $0xffff  }
0x35c: {  	v26 =	vor.u32 s9, v1;
	v59 =	vor.u32 s6, v1;
	v6 =	vld.idx.msk [tilespmem:v6+s14+$0x0], $0xffff;
	v12 =	vand.u32 $0xFFFF0000, v2  }
0x35d: {  	v22 =	vld [tilespmem:s0+$0xFFFFFFE0];
	s7 =	simm.s32 $0xE0;
	v13 =	vshll.u32 v2, $0x10;
	v14 =	vand.u32 $0xFFFF0000, v3;
	v15 =	vand.u32 $0xFFFF0000, v4  }
0x35e: {  	v2 =	vld [tilespmem:s0+$0xFFFFFFA0];
	v4 =	vshll.u32 v4, $0x10;
	v10 =	vmul.f32 v14, v10;
	v14 =	vor.u32 s7, v1  }
0x35f: {  	v9 =	vld.idx.msk [tilespmem:v9+s14+$0x0], $0xffff;
	v3 =	vshll.u32 v3, $0x10;
	v56 =	vand.u32 $0xFFFF0000, v5;
	v5 =	vshll.u32 v5, $0x10  }
0x360: {  	s30 =	simm.s32 $0xC7F0;
	v25 =	vld [tilespmem:s0+$0x0];
	s7 =	simm.s32 $0x80;
	v23 =	vand.u32 $0xFFFF0000, v7;
	v27 =	vand.u32 $0xFFFF0000, v8;
	v11 =	vmul.f32 v56, v11  }
0x361: {  	v61 =	vld [tilespmem:s30+$0xFFFFFFF0];
	v24 =	vor.u32 s7, v1;
	s7 =	simm.s32 $0xC0;
	v3 =	vadd.f32 v3, v10;
	v10 =	vand.u32 $0xFFFF0000, v6  }
0x362: {  	v16 =	vld.idx.msk [tilespmem:v53+s14+$0x0], $0xffff;
	v6 =	vshll.u32 v6, $0x10;
	v28 =	vor.u32 s7, v1;
	v10 =	vmul.f32 v10, v54  }
0x363: {  	s29 =	simm.s32 $0x143F0;
	s9 =	simm.s32 $0xD0;
	v5 =	vadd.f32 v5, v11;
	v11 =	vmul.f32 v23, v55;
	v2 =	vmul.f32 v15, v2;
	v14 =	vld.idx.msk [tilespmem:v14+s14+$0x0], $0xffff  }
0x364: {  	v60 =	vld.idx.msk [tilespmem:v57+s14+$0x0], $0xffff;
	v15 =	vor.u32 s9, v1;
	[tilespmem:s29+$0xFFFFFFF0] =	vst v3;
	v3 =	vand.u32 $0xFFFF0000, v9;
	v6 =	vadd.f32 v6, v10  }
0x365: {  	[tilespmem:s29+$0xFFFFFF90] =	vst v5;
	v10 =	vld.idx.msk [tilespmem:v26+s14+$0x0], $0xffff;
	v2 =	vadd.f32 v4, v2;
	v4 =	vshll.u32 v7, $0x10;
	v7 =	vmul.f32 v27, v58  }
0x366: {  	v5 =	vshll.u32 v8, $0x10;
	v3 =	vmul.f32 v3, v22;
	v62 =	vld.idx.msk [tilespmem:v24+s14+$0x0], $0xffff;
	v8 =	vadd.f32 v4, v11;
	[tilespmem:s29+$0xFFFFFFB0] =	vst v6  }
0x367: {  	v4 =	vld.idx.msk [tilespmem:v59+s14+$0x0], $0xffff;
	[tilespmem:s29+$0xFFFFFFA0] =	vst v2;
	v2 =	vshll.u32 v9, $0x10;
	v7 =	vadd.f32 v5, v7;
	v5 =	vmul.f32 v12, v25  }
0x368: {  	v6 =	vld.idx.msk [tilespmem:v28+s14+$0x0], $0xffff;
	v9 =	vadd.f32 v2, v3;
	v3 =	vand.u32 $0xFFFF0000, v16;
	[tilespmem:s29+$0xFFFFFFC0] =	vst v8;
	v11 =	vand.u32 $0xFFFF0000, v14  }
0x369: {  	v2 =	vshll.u32 v16, $0x10;
	v63 =	vadd.f32 v13, v5;
	v5 =	vld.idx.msk [tilespmem:v15+s14+$0x0], $0xffff;
	[tilespmem:s29+$0xFFFFFFD0] =	vst v7;
	v15 =	vmul.f32 v11, v61  }
0x36a: {  	v12 =	vld [tilespmem:s30+$0xFFFFFFA0];
	v8 =	vand.u32 $0xFFFF0000, v60;
	v7 =	vshll.u32 v60, $0x10;
	v14 =	vshll.u32 v14, $0x10;
	[tilespmem:s29+$0xFFFFFFE0] =	vst v9  }
0x36b: {  	s31 =	simm.s32 $0x8;
	s2 =	simm.s32 $0x170;
	v11 =	vld [tilespmem:s30+$0xFFFFFF90];
	v13 =	vand.u32 $0xFFFF0000, v62;
	v9 =	vshll.u32 v62, $0x10;
	[tilespmem:s29+$0x0] =	vst v63;
	v14 =	vadd.f32 v14, v15  }
.LBB2_33:
0x36c: {  	s0 =	sadd.s32 $0xFFFFFFF0, s2;
	v15 =	vor.u32 s2, v1;
	s31 =	sadd.s32 $0x8, s31;
	v16 =	vand.u32 $0xFFFF0000, v10;
	v10 =	vshll.u32 v10, $0x10;
	v17 =	vld [tilespmem:s30+$0xFFFFFFB0];
	s29 =	sadd.s32 $0x400, s29  }
0x36d: {  	s6 =	sadd.s32 $0xFFFFFFA0, s2;
	s7 =	sadd.s32 $0xFFFFFFB0, s2;
	v19 =	vand.u32 $0xFFFF0000, v4;
	v18 =	vor.u32 s0, v1;
	p0 =	slt.u32 s31, $0x78;
	v20 =	vld [tilespmem:s30+$0xFFFFFFC0];
	[tilespmem:s29+$0xFFFFFFF0] =	vst v14  }
0x36e: {  	v14 =	vor.u32 s6, v1;
	v21 =	vor.u32 s7, v1;
	s0 =	sadd.s32 $0xFFFFFFC0, s2;
	s6 =	sadd.s32 $0xFFFFFFD0, s2;
	s7 =	sadd.s32 $0xFFFFFFE0, s2;
	v22 =	vand.u32 $0xFFFF0000, v6;
	v23 =	vld [tilespmem:s30+$0xFFFFFFD0]  }
0x36f: {  	s9 =	sadd.s32 $0xFFFFFF90, s2;
	v24 =	vor.u32 s0, v1;
	v25 =	vor.u32 s6, v1;
	v26 =	vor.u32 s7, v1;
	v27 =	vld [tilespmem:s30+$0xFFFFFFE0]  }
0x370: {  	v28 =	vor.u32 s9, v1;
	v11 =	vmul.f32 v13, v11;
	v13 =	vand.u32 $0xFFFF0000, v5;
	v29 =	vld [tilespmem:s30+$0x0]  }
0x371: {  	v4 =	vshll.u32 v4, $0x10;
	v8 =	vmul.f32 v8, v12;
	v15 =	vld.idx.msk [tilespmem:v15+s14+$0x0], $0xffff;
	v12 =	vmul.f32 v16, v17  }
0x372: {  	v6 =	vshll.u32 v6, $0x10;
	v5 =	vshll.u32 v5, $0x10;
	v16 =	vld.idx.msk [tilespmem:v18+s14+$0x0], $0xffff;
	v17 =	vmul.f32 v19, v20  }
0x373: {  	s30 =	sadd.s32 $0x400, s30;
	v9 =	vadd.f32 v9, v11;
	v7 =	vadd.f32 v7, v8;
	v14 =	vld.idx.msk [tilespmem:v14+s14+$0x0], $0xffff;
	v8 =	vmul.f32 v22, v23  }
0x374: {  	v12 =	vadd.f32 v10, v12;
	v11 =	vld [tilespmem:s30+$0xFFFFFFF0];
	v17 =	vadd.f32 v4, v17;
	v4 =	vmul.f32 v13, v27  }
0x375: {  	v18 =	vld.idx.msk [tilespmem:v28+s14+$0x0], $0xffff;
	[tilespmem:s29+$0xFFFFFF90] =	vst v9;
	v9 =	vadd.f32 v6, v8;
	v6 =	vmul.f32 v3, v29  }
0x376: {  	v10 =	vld.idx.msk [tilespmem:v21+s14+$0x0], $0xffff;
	[tilespmem:s29+$0xFFFFFFA0] =	vst v7;
	v13 =	vadd.f32 v5, v4  }
.Ltmp18:
0x377: {  	v3 =	vand.u32 $0xFFFF0000, v15;
	v4 =	vld.idx.msk [tilespmem:v24+s14+$0x0], $0xffff;
	[tilespmem:s29+$0xFFFFFFB0] =	vst v12;
	v19 =	vadd.f32 v2, v6;
	v2 =	vshll.u32 v15, $0x10;
	(pc) =	sbr.rel @p0 .LBB2_33-.Ltmp18, $4  }
0x378: {  	v12 =	vand.u32 $0xFFFF0000, v16;
	v6 =	vld.idx.msk [tilespmem:v25+s14+$0x0], $0xffff;
	[tilespmem:s29+$0xFFFFFFC0] =	vst v17  }
0x379: {  	v8 =	vand.u32 $0xFFFF0000, v14;
	v7 =	vshll.u32 v14, $0x10;
	v5 =	vld.idx.msk [tilespmem:v26+s14+$0x0], $0xffff;
	v14 =	vmul.f32 v12, v11;
	[tilespmem:s29+$0xFFFFFFD0] =	vst v9  }
0x37a: {  	v15 =	vshll.u32 v16, $0x10;
	v11 =	vld [tilespmem:s30+$0xFFFFFF90];
	[tilespmem:s29+$0xFFFFFFE0] =	vst v13  }
0x37b: {  	s2 =	sadd.s32 $0x80, s2;
	v13 =	vand.u32 $0xFFFF0000, v18;
	v9 =	vshll.u32 v18, $0x10;
	v12 =	vld [tilespmem:s30+$0xFFFFFFA0];
	v14 =	vadd.f32 v15, v14;
	[tilespmem:s29+$0x0] =	vst v19  }
0x37c: {  	v1 =	vld [tilespmem:s30+$0xFFFFFFB0]  }
0x37d: {  	v15 =	vld [tilespmem:s30+$0xFFFFFFC0]  }
0x37e: {  	v16 =	vand.u32 $0xFFFF0000, v10;
	v10 =	vshll.u32 v10, $0x10;
	v17 =	vld [tilespmem:s30+$0xFFFFFFD0]  }
0x37f: {  	v18 =	vand.u32 $0xFFFF0000, v4;
	v21 =	vld [tilespmem:s30+$0x0];
	v4 =	vshll.u32 v4, $0x10;
	v11 =	vmul.f32 v13, v11  }
0x380: {  	v20 =	vld [tilespmem:s30+$0xFFFFFFE0];
	v19 =	vand.u32 $0xFFFF0000, v6;
	v6 =	vshll.u32 v6, $0x10;
	v8 =	vmul.f32 v8, v12  }
0x381: {  	s0 =	sadd.s32 $0x400, s29;
	s2 =	sor.u32 $0xE, s26;
	v13 =	vand.u32 $0xFFFF0000, v5;
	v1 =	vmul.f32 v16, v1;
	v9 =	vadd.f32 v9, v11  }
0x382: {  	[tilespmem:s0+$0xFFFFFFF0] =	vst v14;
	v12 =	vmul.f32 v18, v15;
	v7 =	vadd.f32 v7, v8;
	v8 =	vmov s2  }
0x383: {  	v11 =	vmul.f32 v19, v17;
	v1 =	vadd.f32 v10, v1;
	[tilespmem:s0+$0xFFFFFF90] =	vst v9;
	v8 =	vand.u32 $0xFFFFFFFE, v8  }
0x384: {  	v3 =	vmul.f32 v3, v21;
	v4 =	vadd.f32 v4, v12;
	[tilespmem:s0+$0xFFFFFFA0] =	vst v7;
	v7 =	vbroadcast v8, $0x0  }
0x385: {  	v9 =	vmul.f32 v13, v20;
	v6 =	vadd.f32 v6, v11;
	[tilespmem:s0+$0xFFFFFFB0] =	vst v1  }
0x386: {  	v5 =	vshll.u32 v5, $0x10;
	v2 =	vadd.f32 v2, v3;
	[tilespmem:s0+$0xFFFFFFC0] =	vst v4  }
0x387: {  	v1 =	vadd.f32 v5, v9;
	[tilespmem:s0+$0xFFFFFFD0] =	vst v6  }
0x388: {  	[tilespmem:s0+$0x0] =	vst v2  }
0x389: {  	[tilespmem:s0+$0xFFFFFFE0] =	vst v1  }
0x38a: {  	v1 =	vld.idx.msk [tilespmem:v7+s4+$0x0], $0xffff;
	_ =	sdelay $0x4  }
0x38b: {  	v1 =	vshll.u32 v1, $0xB  }
0x38c: {  	s6 =	simm.s32 $0x70;
	s0 =	simm.s32 $0xC470;
	v1 =	vor.u32 v0, v1  }
0x38d: {  	s7 =	simm.s32 $0x60;
	v10 =	vld [tilespmem:s0+$0xFFFFFFF0];
	v2 =	vor.u32 s6, v1  }
0x38e: {  	s9 =	simm.s32 $0x10;
	v11 =	vld [tilespmem:s0+$0xFFFFFF90];
	v3 =	vor.u32 s7, v1  }
0x38f: {  	s2 =	simm.s32 $0x0;
	v54 =	vld [tilespmem:s0+$0xFFFFFFB0];
	v4 =	vor.u32 s9, v1  }
0x390: {  	v55 =	vld [tilespmem:s0+$0xFFFFFFC0];
	v5 =	vor.u32 s2, v1;
	s7 =	simm.s32 $0x30  }
0x391: {  	v58 =	vld [tilespmem:s0+$0xFFFFFFD0];
	s9 =	simm.s32 $0x40;
	v7 =	vor.u32 s7, v1  }
0x392: {  	s6 =	simm.s32 $0x20;
	v8 =	vor.u32 s9, v1;
	v2 =	vld.idx.msk [tilespmem:v2+s14+$0x0], $0xffff  }
0x393: {  	v6 =	vor.u32 s6, v1;
	v3 =	vld.idx.msk [tilespmem:v3+s14+$0x0], $0xffff  }
0x394: {  	v4 =	vld.idx.msk [tilespmem:v4+s14+$0x0], $0xffff  }
0x395: {  	s6 =	simm.s32 $0x50;
	v5 =	vld.idx.msk [tilespmem:v5+s14+$0x0], $0xffff  }
0x396: {  	s9 =	simm.s32 $0x90;
	v9 =	vor.u32 s6, v1;
	s6 =	simm.s32 $0xF0;
	v7 =	vld.idx.msk [tilespmem:v7+s14+$0x0], $0xffff  }
0x397: {  	v57 =	vor.u32 s9, v1;
	s9 =	simm.s32 $0xA0;
	v53 =	vor.u32 s6, v1;
	s6 =	simm.s32 $0xB0;
	v8 =	vld.idx.msk [tilespmem:v8+s14+$0x0], $0xffff  }
0x398: {  	v26 =	vor.u32 s9, v1;
	v59 =	vor.u32 s6, v1;
	v6 =	vld.idx.msk [tilespmem:v6+s14+$0x0], $0xffff;
	v12 =	vand.u32 $0xFFFF0000, v2  }
0x399: {  	v22 =	vld [tilespmem:s0+$0xFFFFFFE0];
	s7 =	simm.s32 $0xE0;
	v13 =	vshll.u32 v2, $0x10;
	v14 =	vand.u32 $0xFFFF0000, v3;
	v15 =	vand.u32 $0xFFFF0000, v4  }
0x39a: {  	v2 =	vld [tilespmem:s0+$0xFFFFFFA0];
	v4 =	vshll.u32 v4, $0x10;
	v10 =	vmul.f32 v14, v10;
	v14 =	vor.u32 s7, v1  }
0x39b: {  	v9 =	vld.idx.msk [tilespmem:v9+s14+$0x0], $0xffff;
	v3 =	vshll.u32 v3, $0x10;
	v56 =	vand.u32 $0xFFFF0000, v5;
	v5 =	vshll.u32 v5, $0x10  }
0x39c: {  	s30 =	simm.s32 $0xC870;
	v25 =	vld [tilespmem:s0+$0x0];
	s7 =	simm.s32 $0x80;
	v23 =	vand.u32 $0xFFFF0000, v7;
	v27 =	vand.u32 $0xFFFF0000, v8;
	v11 =	vmul.f32 v56, v11  }
0x39d: {  	v61 =	vld [tilespmem:s30+$0xFFFFFFF0];
	v24 =	vor.u32 s7, v1;
	s7 =	simm.s32 $0xC0;
	v3 =	vadd.f32 v3, v10;
	v10 =	vand.u32 $0xFFFF0000, v6  }
0x39e: {  	v16 =	vld.idx.msk [tilespmem:v53+s14+$0x0], $0xffff;
	v6 =	vshll.u32 v6, $0x10;
	v28 =	vor.u32 s7, v1;
	v10 =	vmul.f32 v10, v54  }
0x39f: {  	s29 =	simm.s32 $0x14470;
	s9 =	simm.s32 $0xD0;
	v5 =	vadd.f32 v5, v11;
	v11 =	vmul.f32 v23, v55;
	v2 =	vmul.f32 v15, v2;
	v14 =	vld.idx.msk [tilespmem:v14+s14+$0x0], $0xffff  }
0x3a0: {  	v60 =	vld.idx.msk [tilespmem:v57+s14+$0x0], $0xffff;
	v15 =	vor.u32 s9, v1;
	[tilespmem:s29+$0xFFFFFFF0] =	vst v3;
	v3 =	vand.u32 $0xFFFF0000, v9;
	v6 =	vadd.f32 v6, v10  }
0x3a1: {  	[tilespmem:s29+$0xFFFFFF90] =	vst v5;
	v10 =	vld.idx.msk [tilespmem:v26+s14+$0x0], $0xffff;
	v2 =	vadd.f32 v4, v2;
	v4 =	vshll.u32 v7, $0x10;
	v7 =	vmul.f32 v27, v58  }
0x3a2: {  	v5 =	vshll.u32 v8, $0x10;
	v3 =	vmul.f32 v3, v22;
	v62 =	vld.idx.msk [tilespmem:v24+s14+$0x0], $0xffff;
	v8 =	vadd.f32 v4, v11;
	[tilespmem:s29+$0xFFFFFFB0] =	vst v6  }
0x3a3: {  	v4 =	vld.idx.msk [tilespmem:v59+s14+$0x0], $0xffff;
	[tilespmem:s29+$0xFFFFFFA0] =	vst v2;
	v2 =	vshll.u32 v9, $0x10;
	v7 =	vadd.f32 v5, v7;
	v9 =	vmul.f32 v12, v25  }
0x3a4: {  	v5 =	vld.idx.msk [tilespmem:v28+s14+$0x0], $0xffff;
	v12 =	vadd.f32 v2, v3;
	v3 =	vand.u32 $0xFFFF0000, v16;
	[tilespmem:s29+$0xFFFFFFC0] =	vst v8;
	v11 =	vand.u32 $0xFFFF0000, v14  }
0x3a5: {  	v2 =	vshll.u32 v16, $0x10;
	v6 =	vld.idx.msk [tilespmem:v15+s14+$0x0], $0xffff;
	v63 =	vadd.f32 v13, v9;
	[tilespmem:s29+$0xFFFFFFD0] =	vst v7;
	v15 =	vmul.f32 v11, v61  }
0x3a6: {  	v8 =	vand.u32 $0xFFFF0000, v60;
	v7 =	vshll.u32 v60, $0x10;
	v14 =	vshll.u32 v14, $0x10;
	v11 =	vld [tilespmem:s30+$0xFFFFFF90];
	[tilespmem:s29+$0xFFFFFFE0] =	vst v12  }
0x3a7: {  	s31 =	simm.s32 $0x8;
	s2 =	simm.s32 $0x170;
	v13 =	vand.u32 $0xFFFF0000, v62;
	v9 =	vshll.u32 v62, $0x10;
	v12 =	vld [tilespmem:s30+$0xFFFFFFA0];
	[tilespmem:s29+$0x0] =	vst v63;
	v14 =	vadd.f32 v14, v15  }
.LBB2_35:
0x3a8: {  	s0 =	sadd.s32 $0xFFFFFFF0, s2;
	v15 =	vor.u32 s2, v1;
	s31 =	sadd.s32 $0x8, s31;
	v16 =	vand.u32 $0xFFFF0000, v10;
	v10 =	vshll.u32 v10, $0x10;
	v17 =	vld [tilespmem:s30+$0xFFFFFFB0];
	s29 =	sadd.s32 $0x400, s29  }
0x3a9: {  	s6 =	sadd.s32 $0xFFFFFFA0, s2;
	s7 =	sadd.s32 $0xFFFFFFB0, s2;
	v19 =	vand.u32 $0xFFFF0000, v4;
	v18 =	vor.u32 s0, v1;
	p0 =	slt.u32 s31, $0x78;
	v20 =	vld [tilespmem:s30+$0xFFFFFFC0];
	[tilespmem:s29+$0xFFFFFFF0] =	vst v14  }
0x3aa: {  	v14 =	vor.u32 s6, v1;
	v21 =	vor.u32 s7, v1;
	s0 =	sadd.s32 $0xFFFFFFC0, s2;
	s6 =	sadd.s32 $0xFFFFFFD0, s2;
	s7 =	sadd.s32 $0xFFFFFFE0, s2;
	v22 =	vand.u32 $0xFFFF0000, v5;
	v23 =	vld [tilespmem:s30+$0xFFFFFFD0]  }
0x3ab: {  	s9 =	sadd.s32 $0xFFFFFF90, s2;
	v24 =	vor.u32 s0, v1;
	v25 =	vor.u32 s6, v1;
	v26 =	vor.u32 s7, v1;
	v27 =	vld [tilespmem:s30+$0xFFFFFFE0]  }
0x3ac: {  	v28 =	vor.u32 s9, v1;
	v11 =	vmul.f32 v13, v11;
	v13 =	vand.u32 $0xFFFF0000, v6;
	v29 =	vld [tilespmem:s30+$0x0]  }
0x3ad: {  	v4 =	vshll.u32 v4, $0x10;
	v8 =	vmul.f32 v8, v12;
	v15 =	vld.idx.msk [tilespmem:v15+s14+$0x0], $0xffff;
	v12 =	vmul.f32 v16, v17  }
0x3ae: {  	v5 =	vshll.u32 v5, $0x10;
	v6 =	vshll.u32 v6, $0x10;
	v16 =	vld.idx.msk [tilespmem:v18+s14+$0x0], $0xffff;
	v17 =	vmul.f32 v19, v20  }
0x3af: {  	s30 =	sadd.s32 $0x400, s30;
	v9 =	vadd.f32 v9, v11;
	v7 =	vadd.f32 v7, v8;
	v14 =	vld.idx.msk [tilespmem:v14+s14+$0x0], $0xffff;
	v8 =	vmul.f32 v22, v23  }
0x3b0: {  	v12 =	vadd.f32 v10, v12;
	v11 =	vld [tilespmem:s30+$0xFFFFFFF0];
	v17 =	vadd.f32 v4, v17;
	v4 =	vmul.f32 v13, v27  }
0x3b1: {  	v18 =	vld.idx.msk [tilespmem:v28+s14+$0x0], $0xffff;
	[tilespmem:s29+$0xFFFFFF90] =	vst v9;
	v9 =	vadd.f32 v5, v8;
	v5 =	vmul.f32 v3, v29  }
0x3b2: {  	v10 =	vld.idx.msk [tilespmem:v21+s14+$0x0], $0xffff;
	[tilespmem:s29+$0xFFFFFFA0] =	vst v7;
	v13 =	vadd.f32 v6, v4  }
.Ltmp19:
0x3b3: {  	v3 =	vand.u32 $0xFFFF0000, v15;
	v4 =	vld.idx.msk [tilespmem:v24+s14+$0x0], $0xffff;
	[tilespmem:s29+$0xFFFFFFB0] =	vst v12;
	v19 =	vadd.f32 v2, v5;
	v2 =	vshll.u32 v15, $0x10;
	(pc) =	sbr.rel @p0 .LBB2_35-.Ltmp19, $4  }
0x3b4: {  	v12 =	vand.u32 $0xFFFF0000, v16;
	v5 =	vld.idx.msk [tilespmem:v25+s14+$0x0], $0xffff;
	[tilespmem:s29+$0xFFFFFFC0] =	vst v17  }
0x3b5: {  	v8 =	vand.u32 $0xFFFF0000, v14;
	v7 =	vshll.u32 v14, $0x10;
	v6 =	vld.idx.msk [tilespmem:v26+s14+$0x0], $0xffff;
	v14 =	vmul.f32 v12, v11;
	[tilespmem:s29+$0xFFFFFFD0] =	vst v9  }
0x3b6: {  	v15 =	vshll.u32 v16, $0x10;
	v11 =	vld [tilespmem:s30+$0xFFFFFF90];
	[tilespmem:s29+$0xFFFFFFE0] =	vst v13  }
0x3b7: {  	s2 =	sadd.s32 $0x80, s2;
	v13 =	vand.u32 $0xFFFF0000, v18;
	v9 =	vshll.u32 v18, $0x10;
	v12 =	vld [tilespmem:s30+$0xFFFFFFA0];
	v14 =	vadd.f32 v15, v14;
	[tilespmem:s29+$0x0] =	vst v19  }
0x3b8: {  	v1 =	vld [tilespmem:s30+$0xFFFFFFB0]  }
0x3b9: {  	v15 =	vld [tilespmem:s30+$0xFFFFFFC0]  }
0x3ba: {  	v20 =	vld [tilespmem:s30+$0x0]  }
0x3bb: {  	v16 =	vld [tilespmem:s30+$0xFFFFFFD0];
	v17 =	vand.u32 $0xFFFF0000, v10;
	v11 =	vmul.f32 v13, v11  }
0x3bc: {  	v10 =	vshll.u32 v10, $0x10;
	v18 =	vld [tilespmem:s30+$0xFFFFFFE0];
	v19 =	vand.u32 $0xFFFF0000, v5;
	v8 =	vmul.f32 v8, v12  }
0x3bd: {  	s0 =	sadd.s32 $0x400, s29;
	v13 =	vand.u32 $0xFFFF0000, v4;
	v1 =	vmul.f32 v17, v1;
	v9 =	vadd.f32 v9, v11  }
0x3be: {  	[tilespmem:s0+$0xFFFFFFF0] =	vst v14;
	v5 =	vshll.u32 v5, $0x10;
	v11 =	vmul.f32 v13, v15;
	v7 =	vadd.f32 v7, v8  }
0x3bf: {  	v4 =	vshll.u32 v4, $0x10;
	v3 =	vmul.f32 v3, v20;
	v1 =	vadd.f32 v10, v1;
	[tilespmem:s0+$0xFFFFFF90] =	vst v9  }
0x3c0: {  	s2 =	sor.u32 $0xF, s26;
	v12 =	vand.u32 $0xFFFF0000, v6;
	v8 =	vmul.f32 v19, v16;
	v4 =	vadd.f32 v4, v11;
	[tilespmem:s0+$0xFFFFFFA0] =	vst v7  }
0x3c1: {  	v9 =	vmul.f32 v12, v18;
	v2 =	vadd.f32 v2, v3;
	[tilespmem:s0+$0xFFFFFFB0] =	vst v1;
	v1 =	vmov s2  }
0x3c2: {  	v6 =	vshll.u32 v6, $0x10;
	v5 =	vadd.f32 v5, v8;
	[tilespmem:s0+$0xFFFFFFC0] =	vst v4  }
0x3c3: {  	v6 =	vadd.f32 v6, v9;
	[tilespmem:s0+$0x0] =	vst v2  }
0x3c4: {  	[tilespmem:s0+$0xFFFFFFD0] =	vst v5  }
0x3c5: {  	[tilespmem:s0+$0xFFFFFFE0] =	vst v6  }
0x3c6: {  	v1 =	vld.idx.msk [tilespmem:v1+s4+$0x0], $0xffff;
	_ =	sdelay $0x4  }
0x3c7: {  	v1 =	vshll.u32 v1, $0xB  }
0x3c8: {  	s6 =	simm.s32 $0x70;
	v1 =	vor.u32 v0, v1  }
0x3c9: {  	s7 =	simm.s32 $0x60;
	v2 =	vor.u32 s6, v1  }
0x3ca: {  	s9 =	simm.s32 $0x10;
	s0 =	simm.s32 $0xC4F0;
	v3 =	vor.u32 s7, v1  }
0x3cb: {  	s26 =	simm.s32 $0x0;
	v10 =	vld [tilespmem:s0+$0xFFFFFFF0];
	v4 =	vor.u32 s9, v1  }
0x3cc: {  	s31 =	simm.s32 $0x20;
	v55 =	vld [tilespmem:s0+$0xFFFFFFB0];
	v5 =	vor.u32 s26, v1  }
0x3cd: {  	v56 =	vld [tilespmem:s0+$0xFFFFFFC0];
	v6 =	vor.u32 s31, v1;
	s6 =	simm.s32 $0x30  }
0x3ce: {  	s7 =	simm.s32 $0x40;
	v7 =	vor.u32 s6, v1;
	v2 =	vld.idx.msk [tilespmem:v2+s14+$0x0], $0xffff  }
0x3cf: {  	s6 =	simm.s32 $0x50;
	v8 =	vor.u32 s7, v1;
	v3 =	vld.idx.msk [tilespmem:v3+s14+$0x0], $0xffff  }
0x3d0: {  	v9 =	vor.u32 s6, v1;
	v4 =	vld.idx.msk [tilespmem:v4+s14+$0x0], $0xffff  }
0x3d1: {  	v5 =	vld.idx.msk [tilespmem:v5+s14+$0x0], $0xffff  }
0x3d2: {  	v6 =	vld.idx.msk [tilespmem:v6+s14+$0x0], $0xffff  }
0x3d3: {  	v7 =	vld.idx.msk [tilespmem:v7+s14+$0x0], $0xffff  }
0x3d4: {  	s9 =	simm.s32 $0xF0;
	s31 =	simm.s32 $0x90;
	v8 =	vld.idx.msk [tilespmem:v8+s14+$0x0], $0xffff  }
0x3d5: {  	v54 =	vor.u32 s9, v1;
	v58 =	vor.u32 s31, v1;
	s7 =	simm.s32 $0xA0;
	s9 =	simm.s32 $0xB0;
	s6 =	simm.s32 $0x80;
	v11 =	vld.idx.msk [tilespmem:v9+s14+$0x0], $0xffff  }
0x3d6: {  	v26 =	vor.u32 s7, v1;
	v59 =	vor.u32 s9, v1;
	v24 =	vor.u32 s6, v1;
	v9 =	vld [tilespmem:s0+$0xFFFFFF90]  }
0x3d7: {  	v21 =	vld [tilespmem:s0+$0xFFFFFFD0];
	s26 =	simm.s32 $0xE0;
	v12 =	vand.u32 $0xFFFF0000, v2;
	v13 =	vshll.u32 v2, $0x10;
	v14 =	vand.u32 $0xFFFF0000, v3  }
0x3d8: {  	v2 =	vld [tilespmem:s0+$0xFFFFFFA0];
	v15 =	vand.u32 $0xFFFF0000, v4;
	v10 =	vmul.f32 v14, v10;
	v14 =	vor.u32 s26, v1  }
0x3d9: {  	v22 =	vld [tilespmem:s0+$0xFFFFFFE0];
	v4 =	vshll.u32 v4, $0x10;
	v3 =	vshll.u32 v3, $0x10;
	v57 =	vand.u32 $0xFFFF0000, v5  }
0x3da: {  	s29 =	simm.s32 $0xC8F0;
	v25 =	vld [tilespmem:s0+$0x0];
	v5 =	vshll.u32 v5, $0x10;
	v23 =	vand.u32 $0xFFFF0000, v7;
	v27 =	vand.u32 $0xFFFF0000, v8  }
0x3db: {  	v61 =	vld [tilespmem:s29+$0xFFFFFFF0];
	s26 =	simm.s32 $0xC0;
	v9 =	vmul.f32 v57, v9;
	v3 =	vadd.f32 v3, v10;
	v10 =	vand.u32 $0xFFFF0000, v6  }
0x3dc: {  	v16 =	vld.idx.msk [tilespmem:v54+s14+$0x0], $0xffff;
	v28 =	vor.u32 s26, v1;
	v6 =	vshll.u32 v6, $0x10;
	v10 =	vmul.f32 v10, v55  }
0x3dd: {  	s31 =	simm.s32 $0xD0;
	s26 =	simm.s32 $0x144F0;
	v5 =	vadd.f32 v5, v9;
	v9 =	vmul.f32 v23, v56;
	v2 =	vmul.f32 v15, v2;
	v14 =	vld.idx.msk [tilespmem:v14+s14+$0x0], $0xffff  }
0x3de: {  	v60 =	vld.idx.msk [tilespmem:v58+s14+$0x0], $0xffff;
	v15 =	vor.u32 s31, v1;
	[tilespmem:s26+$0xFFFFFFF0] =	vst v3;
	v3 =	vand.u32 $0xFFFF0000, v11;
	v6 =	vadd.f32 v6, v10  }
0x3df: {  	v10 =	vld.idx.msk [tilespmem:v24+s14+$0x0], $0xffff;
	[tilespmem:s26+$0xFFFFFF90] =	vst v5;
	v2 =	vadd.f32 v4, v2;
	v4 =	vshll.u32 v7, $0x10;
	v7 =	vmul.f32 v27, v21  }
0x3e0: {  	v5 =	vshll.u32 v8, $0x10;
	v3 =	vmul.f32 v3, v22;
	v8 =	vadd.f32 v4, v9;
	v9 =	vld.idx.msk [tilespmem:v26+s14+$0x0], $0xffff;
	[tilespmem:s26+$0xFFFFFFB0] =	vst v6  }
0x3e1: {  	v4 =	vld.idx.msk [tilespmem:v59+s14+$0x0], $0xffff;
	[tilespmem:s26+$0xFFFFFFA0] =	vst v2;
	v2 =	vshll.u32 v11, $0x10;
	v7 =	vadd.f32 v5, v7;
	v11 =	vmul.f32 v12, v25  }
0x3e2: {  	v5 =	vld.idx.msk [tilespmem:v28+s14+$0x0], $0xffff;
	v12 =	vadd.f32 v2, v3;
	v3 =	vand.u32 $0xFFFF0000, v16;
	[tilespmem:s26+$0xFFFFFFC0] =	vst v8;
	v62 =	vand.u32 $0xFFFF0000, v14  }
0x3e3: {  	v2 =	vshll.u32 v16, $0x10;
	v6 =	vld.idx.msk [tilespmem:v15+s14+$0x0], $0xffff;
	v63 =	vadd.f32 v13, v11;
	[tilespmem:s26+$0xFFFFFFD0] =	vst v7;
	v15 =	vmul.f32 v62, v61  }
0x3e4: {  	v8 =	vand.u32 $0xFFFF0000, v60;
	v7 =	vshll.u32 v60, $0x10;
	v11 =	vld [tilespmem:s29+$0xFFFFFF90];
	v14 =	vshll.u32 v14, $0x10;
	[tilespmem:s26+$0xFFFFFFE0] =	vst v12  }
0x3e5: {  	s30 =	simm.s32 $0x8;
	s2 =	simm.s32 $0x170;
	v13 =	vand.u32 $0xFFFF0000, v10;
	v10 =	vshll.u32 v10, $0x10;
	v12 =	vld [tilespmem:s29+$0xFFFFFFA0];
	[tilespmem:s26+$0x0] =	vst v63;
	v14 =	vadd.f32 v14, v15  }
.LBB2_37:
0x3e6: {  	s0 =	sadd.s32 $0xFFFFFFF0, s2;
	v15 =	vor.u32 s2, v1;
	s30 =	sadd.s32 $0x8, s30;
	v16 =	vand.u32 $0xFFFF0000, v9;
	v9 =	vshll.u32 v9, $0x10;
	v17 =	vld [tilespmem:s29+$0xFFFFFFB0];
	s26 =	sadd.s32 $0x400, s26  }
0x3e7: {  	s6 =	sadd.s32 $0xFFFFFFA0, s2;
	s7 =	sadd.s32 $0xFFFFFFB0, s2;
	v19 =	vand.u32 $0xFFFF0000, v4;
	v18 =	vor.u32 s0, v1;
	p0 =	slt.u32 s30, $0x78;
	v20 =	vld [tilespmem:s29+$0xFFFFFFC0];
	[tilespmem:s26+$0xFFFFFFF0] =	vst v14  }
0x3e8: {  	v14 =	vor.u32 s6, v1;
	v21 =	vor.u32 s7, v1;
	s0 =	sadd.s32 $0xFFFFFFC0, s2;
	s6 =	sadd.s32 $0xFFFFFFD0, s2;
	s7 =	sadd.s32 $0xFFFFFFE0, s2;
	v22 =	vand.u32 $0xFFFF0000, v5;
	v23 =	vld [tilespmem:s29+$0xFFFFFFD0]  }
0x3e9: {  	s9 =	sadd.s32 $0xFFFFFF90, s2;
	v24 =	vor.u32 s0, v1;
	v25 =	vor.u32 s6, v1;
	v26 =	vor.u32 s7, v1;
	v27 =	vld [tilespmem:s29+$0xFFFFFFE0]  }
0x3ea: {  	v28 =	vor.u32 s9, v1;
	v11 =	vmul.f32 v13, v11;
	v13 =	vand.u32 $0xFFFF0000, v6;
	v29 =	vld [tilespmem:s29+$0x0]  }
0x3eb: {  	v4 =	vshll.u32 v4, $0x10;
	v8 =	vmul.f32 v8, v12;
	v15 =	vld.idx.msk [tilespmem:v15+s14+$0x0], $0xffff;
	v12 =	vmul.f32 v16, v17  }
0x3ec: {  	v5 =	vshll.u32 v5, $0x10;
	v6 =	vshll.u32 v6, $0x10;
	v16 =	vld.idx.msk [tilespmem:v18+s14+$0x0], $0xffff;
	v17 =	vmul.f32 v19, v20  }
0x3ed: {  	s29 =	sadd.s32 $0x400, s29;
	v10 =	vadd.f32 v10, v11;
	v7 =	vadd.f32 v7, v8;
	v14 =	vld.idx.msk [tilespmem:v14+s14+$0x0], $0xffff;
	v8 =	vmul.f32 v22, v23  }
0x3ee: {  	v12 =	vadd.f32 v9, v12;
	v11 =	vld [tilespmem:s29+$0xFFFFFFF0];
	v17 =	vadd.f32 v4, v17;
	v4 =	vmul.f32 v13, v27  }
0x3ef: {  	v18 =	vld.idx.msk [tilespmem:v28+s14+$0x0], $0xffff;
	[tilespmem:s26+$0xFFFFFF90] =	vst v10;
	v10 =	vadd.f32 v5, v8;
	v5 =	vmul.f32 v3, v29  }
0x3f0: {  	v9 =	vld.idx.msk [tilespmem:v21+s14+$0x0], $0xffff;
	[tilespmem:s26+$0xFFFFFFA0] =	vst v7;
	v13 =	vadd.f32 v6, v4  }
.Ltmp20:
0x3f1: {  	v3 =	vand.u32 $0xFFFF0000, v15;
	v4 =	vld.idx.msk [tilespmem:v24+s14+$0x0], $0xffff;
	[tilespmem:s26+$0xFFFFFFB0] =	vst v12;
	v19 =	vadd.f32 v2, v5;
	v2 =	vshll.u32 v15, $0x10;
	(pc) =	sbr.rel @p0 .LBB2_37-.Ltmp20, $4  }
0x3f2: {  	v12 =	vand.u32 $0xFFFF0000, v16;
	v5 =	vld.idx.msk [tilespmem:v25+s14+$0x0], $0xffff;
	[tilespmem:s26+$0xFFFFFFC0] =	vst v17  }
0x3f3: {  	v8 =	vand.u32 $0xFFFF0000, v14;
	v7 =	vshll.u32 v14, $0x10;
	v6 =	vld.idx.msk [tilespmem:v26+s14+$0x0], $0xffff;
	v14 =	vmul.f32 v12, v11;
	[tilespmem:s26+$0xFFFFFFD0] =	vst v10  }
0x3f4: {  	v15 =	vshll.u32 v16, $0x10;
	v11 =	vld [tilespmem:s29+$0xFFFFFF90];
	[tilespmem:s26+$0xFFFFFFE0] =	vst v13  }
0x3f5: {  	s2 =	sadd.s32 $0x80, s2;
	v13 =	vand.u32 $0xFFFF0000, v18;
	v10 =	vshll.u32 v18, $0x10;
	v12 =	vld [tilespmem:s29+$0xFFFFFFA0];
	v14 =	vadd.f32 v15, v14;
	[tilespmem:s26+$0x0] =	vst v19  }
0x3f6: {  	v1 =	vld [tilespmem:s29+$0xFFFFFFB0]  }
0x3f7: {  	v15 =	vld [tilespmem:s29+$0xFFFFFFC0]  }
0x3f8: {  	v16 =	vld [tilespmem:s29+$0xFFFFFFD0]  }
0x3f9: {  	v17 =	vand.u32 $0xFFFF0000, v9;
	v19 =	vld [tilespmem:s29+$0x0];
	v11 =	vmul.f32 v13, v11  }
0x3fa: {  	v18 =	vld [tilespmem:s29+$0xFFFFFFE0];
	v55 =	vshll.u32 v9, $0x10;
	v56 =	vand.u32 $0xFFFF0000, v4;
	v8 =	vmul.f32 v8, v12  }
0x3fb: {  	s0 =	sadd.s32 $0x400, s26;
	v59 =	vshll.u32 v4, $0x10;
	v1 =	vmul.f32 v17, v1;
	v10 =	vadd.f32 v10, v11  }
0x3fc: {  	v57 =	vand.u32 $0xFFFF0000, v5;
	[tilespmem:s0+$0xFFFFFFF0] =	vst v14;
	v13 =	vmul.f32 v56, v15;
	v7 =	vadd.f32 v7, v8  }
0x3fd: {  	v61 =	vshll.u32 v5, $0x10;
	v60 =	vmul.f32 v57, v16;
	v1 =	vadd.f32 v55, v1;
	[tilespmem:s0+$0xFFFFFF90] =	vst v10  }
0x3fe: {  	v58 =	vand.u32 $0xFFFF0000, v6;
	v3 =	vmul.f32 v3, v19;
	v4 =	vadd.f32 v59, v13;
	[tilespmem:s0+$0xFFFFFFA0] =	vst v7  }
0x3ff: {  	p0 =	seq.s32 s24, $0xF;
	v62 =	vmul.f32 v58, v18;
	v5 =	vadd.f32 v61, v60;
	[tilespmem:s0+$0xFFFFFFB0] =	vst v1  }
.Ltmp21:
0x400: {  	v63 =	vshll.u32 v6, $0x10;
	v2 =	vadd.f32 v2, v3;
	[tilespmem:s0+$0xFFFFFFC0] =	vst v4;
	(pc) =	sbr.rel @p0 .LBB2_40-.Ltmp21, $4  }
0x401: {  	s2 =	sadd.s32 s5, s28;
	v1 =	vadd.f32 v63, v62;
	[tilespmem:s0+$0xFFFFFFD0] =	vst v5  }
0x402: {  	s2 =	sshll.u32 s2, $0x8;
	[tilespmem:s0+$0x0] =	vst v2  }
0x403: {  	s31 =	sadd.s32 s3, s2;
	[tilespmem:s0+$0xFFFFFFE0] =	vst v1  }
0x404: {  	[hbm4b:s31+s4] =	stream.linear.scatter [tilespmem:s21], [sflag:$0x4], $0x4000, $0x38;
	[tilespmem:$0x18100] =	vst v63  }
.Ltmp22:
0x405: {  	(pc) =	sbr.rel .LBB2_2-.Ltmp22, $4  }
0x406: {  	s0 =	sadd.s32 s25, s11  }
0x407: {  	s0 =	sshll.u32 s0, $0xB  }
0x408: {  	s24 =	sadd.s32 $0x1, s24;
	s0 =	sadd.s32 s1, s0  }
0x409: {  	[tilespmem:s16], [sflag:$0x2] =	stream.linear.gather [hbm4b:s0+s4], $0x4000, $0x38;
	[tilespmem:$0x18100] =	vst v63  }
.LBB2_41:
0x40a: {  	_ =	sfence.sel $0x180000  }
0x40b: {  	[bflag:$0x0] =	sbarrier.arrive $0xFFFF  }
0x40c: {  	_ =	strace $0x90000047  }
0x40d: {  	s0 =	stileid.u32;
	[bflag:$0x2] =	sbarrier.arrive $0xFFFF  }
0x40e: {  	p0 =	sne.s32 s0, $0x0;
	s0 =	rddreg [dreg:$0x3]  }
0x40f: {  	s0 =	sadd.s32 @!p0 $0x100000, s0  }
0x410: {  	[sflag:s0] =	ssyncadd.tile.s32 @!p0 $0x1;
	_ =	shalt  }
.Lfunc_end2:
_tile_overlayer_lowered:
.L_overlay_start_2:
0x411: {  	(tag) =	ssettag $0x2  }
0x412: {  	s0 =	rddreg [dreg:$0x0];
	s2 =	stileid.u32  }
0x413: {  	s1 =	rddreg [dreg:$0x1];
	p0 =	sne.s32 s2, $0x0  }
0x414: {  	s3 =	rddreg [dreg:$0x2];
	[bflag:$0x3] =	sbarrier.arrive $0xFFFF;
	s2 =	simm.s32 @!p0 $0x1C05  }
0x415: {  	[timem:s3], [sflag:s2] =	dma.local @!p0 [hbm:s0], s1  }
0x416: {  	s0 =	simm.s32 @!p0 $0x5  }
0x417: {  	_ =	swait.ge @!p0 [sflag:s0], s1  }
0x418: {  	s1 =	ssub.s32 @!p0 $0x0, s1;
	[sflag:s0] =	ssyncset.done @!p0 $0x0  }
0x419: {  	[sflag:s0] =	ssyncadd.s32 @!p0 s1  }
0x41a: {  	[bflag:$0x3] =	sbarrier.arrive $0xFFFF  }
0x41b: {  	_ =	shalt  }

</sc_bundles>
